<compile_context>
chip_gen: v7x
topology: tpu7x:2x2x1
jax: 0.10.2.dev20260603
libtpu: 0.0.44.dev20260713+nightly
codegen_flags: <defaults>
</compile_context>

<pallas_src>
import functools

import jax
import jax.numpy as jnp
import numpy as np
from jax import lax
from jax.experimental import pallas as pl
from jax.experimental.pallas import tpu as pltpu
from jax.experimental.pallas import tpu_sc as plsc

_B, _K, _D = 128, 32768, 32
_EPS = np.float32(0.05)

_NC, _NS, _L = 2, 16, 16
_NW = _NC * _NS
_RPW = _B // _NW
_CH = 16384
_CPR = _K // _CH
_TOT = _RPW * _CPR
_NBUF = 6
_AHEAD = 3
_BLK = 8
_BLKE = _BLK * _L
_NIT = _CH // _BLKE
_IMAX = np.int32(2**31 - 1)

_GDN = lax.GatherDimensionNumbers(
    offset_dims=(), collapsed_slice_dims=(0,), start_index_map=(0,))


def _shuf(v, idx):
    return lax.gather(v, idx[:, None], dimension_numbers=_GDN,
                      slice_sizes=(1,),
                      mode=lax.GatherScatterMode.PROMISE_IN_BOUNDS)


@functools.partial(
    pl.kernel,
    out_type=jax.ShapeDtypeStruct((_NW, _L), jnp.int32),
    mesh=plsc.VectorSubcoreMesh(core_axis_name="c", subcore_axis_name="s"),
    compiler_params=pltpu.CompilerParams(needs_layout_passes=False),
    scratch_types=[
        pltpu.VMEM((_NBUF * _CH,), jnp.float32),
        pltpu.VMEM((_D,), jnp.int32),
        pltpu.VMEM((_B + _L,), jnp.int32),
        pltpu.VMEM((_B + _L,), jnp.float32),
        pltpu.VMEM((_L,), jnp.int32),
        pltpu.SemaphoreType.DMA,
        pltpu.SemaphoreType.DMA,
        pltpu.SemaphoreType.DMA,
        pltpu.SemaphoreType.DMA,
    ],
)
def _sc_sample(fhat_hbm, span_hbm, eidx_hbm, unif_hbm, out_hbm,
               ring, span_v, eidx_v, unif_v, res_v, s0, s1, s2, s3):
    sems = (s0, s1, s2, s3)
    cid = lax.axis_index("c")
    sid = lax.axis_index("s")
    wid = cid * _NS + sid
    row0 = wid * _RPW

    def fire(k):
        j, c = divmod(k, _CPR)
        cp = pltpu.make_async_copy(
            fhat_hbm.at[row0 + j, pl.ds(c * _CH, _CH)],
            ring.at[pl.ds((k % _NBUF) * _CH, _CH)],
            sems[k % _AHEAD])
        cp.start()
        return cp

    copies = {k: fire(k) for k in range(_AHEAD)}

    pltpu.sync_copy(span_hbm, span_v)
    pltpu.sync_copy(eidx_hbm, eidx_v.at[pl.ds(0, _B)])
    pltpu.sync_copy(unif_hbm, unif_v.at[pl.ds(0, _B)])

    lane = lax.iota(jnp.int32, _L)
    neg = jnp.full((_L,), -jnp.inf, jnp.float32)
    zero = jnp.zeros((_L,), jnp.int32)

    ev = zero
    for j in range(_RPW):
        m, bi = neg, zero
        for c in range(_CPR):
            k = j * _CPR + c
            copies[k].wait()
            nk = k + _AHEAD
            if nk < _TOT:
                copies[nk] = fire(nk)
            off = (k % _NBUF) * _CH

            def bbody(i, carry, off=off, c=c):
                m, bi = carry
                vs = [ring[pl.ds(off + i * _BLKE + t * _L, _L)]
                      for t in range(_BLK)]
                while len(vs) > 1:
                    vs = [jnp.maximum(vs[t], vs[t + 1])
                          for t in range(0, len(vs), 2)]
                gt = vs[0] > m
                m = jnp.where(gt, vs[0], m)
                bi = jnp.where(gt, jnp.broadcast_to(i + c * _NIT, (_L,)), bi)
                return m, bi

            m, bi = lax.fori_loop(0, _NIT, bbody, (m, bi))

        mx = m
        for s in (8, 4, 2, 1):
            mx = jnp.maximum(mx, _shuf(mx, lane ^ s))
        cb = jnp.where(m == mx, bi, _IMAX)
        for s in (8, 4, 2, 1):
            cb = jnp.minimum(cb, _shuf(cb, lane ^ s))
        blk = cb[0]
        slot = (j * _CPR) % _NBUF + (blk // _NIT)
        base = slot * _CH + (blk % _NIT) * _BLKE
        idxv = jnp.broadcast_to(blk * _BLKE, (_L,)) + lane
        cand = jnp.full((_L,), _IMAX)
        for t in range(_BLK):
            v = ring[pl.ds(base + t * _L, _L)]
            cand = jnp.minimum(cand, jnp.where(v == mx, idxv + t * _L, _IMAX))
        for s in (8, 4, 2, 1):
            cand = jnp.minimum(cand, _shuf(cand, lane ^ s))
        ev = jnp.where(lane == j, cand, ev)

    e16 = eidx_v[pl.ds(row0, _L)] & (_D - 1)
    u16 = unif_v[pl.ds(row0, _L)]
    ex16 = plsc.load_gather(span_v, [e16])
    res_v[...] = jnp.where(u16 < _EPS, ex16, ev)
    pltpu.sync_copy(res_v, out_hbm.at[wid])


def kernel(fhat, spanner, exploreindex, unif):
    out = _sc_sample(
        fhat,
        spanner.reshape(_D),
        exploreindex.reshape(_B),
        unif.reshape(_B),
    )
    return out[:, :_RPW].reshape(_B)

# --- scband reference (transcript-rebuilt; emitter-appended) ---
"""Pipeline reference for scband-spanner-eg-22694607192313 (READ-ONLY COPY).

The authoritative reference and input builder live on the scoring server;
editing this copy changes nothing except your own understanding.
"""

import jax, jax.numpy as jnp
import numpy as np
from math import log

B, K, D = 128, 32768, 32
EPSILON, TZERO = 0.05, 100.0


def _make_spanner_np(actions):
    # Faithful unbatched (N=1) numpy port of SpannerEG._make_spanner + RankOneDetset.
    K_, D_ = actions.shape
    C = 2.0
    A = actions.astype(np.float64)
    S = np.eye(D_, dtype=np.float64)
    Sinv = np.eye(D_, dtype=np.float64)
    logdetfac = 0.0
    design = np.zeros(D_, dtype=np.int64)

    def update(i, fstar, astar):
        nonlocal S, Sinv, logdetfac
        Y = A[astar] / np.exp(logdetfac)
        u = Y - S[:, i]
        Sinvu = Sinv @ u
        vtopSinv = Sinv[i, :].copy()
        vtopSinvu = Sinvu[i]
        Sinv[...] = Sinv - (1.0 / (1.0 + vtopSinvu)) * np.outer(Sinvu, vtopSinv)
        S[:, i] = Y
        thislogdet = (1.0 / D_) * (np.log(fstar) - logdetfac)
        scale = np.exp(thislogdet)
        S[...] = S / scale
        Sinv[...] = Sinv * scale
        logdetfac = logdetfac + thislogdet

    for i in range(D_):
        psi = Sinv[i, :]
        dets = np.abs(A @ psi)
        astar = int(np.argmax(dets))
        fstar = float(dets[astar])
        design[i] = astar
        update(i, fstar, astar)
    for _ in range(int(D_ * log(D_))):
        replaced = False
        for i in range(D_):
            psi = Sinv[i, :]
            dets = np.abs(A @ psi)
            astar = int(np.argmax(dets))
            fstar = float(dets[astar])
            if fstar >= C * np.exp(logdetfac):
                design[i] = astar
                update(i, fstar, astar)
                replaced = True
                break
        if not replaced:
            break
    return design


def setup_inputs(seed: int = 0) -> dict:
    key = jax.random.key(seed)
    k1, k2, k3 = jax.random.split(key, 3)
    rng = np.random.RandomState(0)
    actions = rng.randn(K, D).astype(np.float32)
    spanner = jnp.asarray(_make_spanner_np(actions), dtype=jnp.int32).reshape(1, D)
    fhat = jax.random.normal(k1, (B, K), dtype=jnp.float32)
    # randomness drawn inside torch sample(); materialized here for determinism
    exploreindex = jax.random.randint(k2, (B, 1), 0, D, dtype=jnp.int32)
    unif = jax.random.uniform(k3, (B, 1), dtype=jnp.float32)
    return {"fhat": fhat, "spanner": spanner, "exploreindex": exploreindex, "unif": unif}


def reference(fhat, spanner, exploreindex, unif):
    t = 0  # first call after construction
    epsilon = EPSILON * (TZERO / (t + TZERO)) ** (1.0 / 3.0)
    exploit = jnp.argmax(fhat, axis=1, keepdims=True).astype(jnp.int32)
    span_row = jnp.broadcast_to(spanner[0, :][None, :], (fhat.shape[0], spanner.shape[1]))
    explore = jnp.take_along_axis(span_row, exploreindex, axis=1)
    shouldexplore = (unif < epsilon).astype(jnp.int32)
    sample = shouldexplore * (explore - exploit) + exploit
    return sample.squeeze(1)

if __name__ == "__main__":
    import jax
    _d = setup_inputs()
    print(jax.jit(kernel)(*tuple(_d.values())))

</pallas_src>

<mosaic_0001>
#map = affine_map<(d0, d1) -> (0, 0)>
#map1 = affine_map<(d0, d1) -> (0)>
module attributes {stable_mosaic.version = 14 : i64} {
  func.func @_sc_sample(%arg0: i32, %arg1: i32, %arg2: memref<128x32768xf32, #tpu.memory_space<hbm>>, %arg3: memref<32xi32, #tpu.memory_space<hbm>>, %arg4: memref<128xi32, #tpu.memory_space<hbm>>, %arg5: memref<128xf32, #tpu.memory_space<hbm>>, %arg6: memref<32x16xi32, #tpu.memory_space<hbm>>, %arg7: memref<98304xf32, #tpu.memory_space<vmem>>, %arg8: memref<32xi32, #tpu.memory_space<vmem>>, %arg9: memref<144xi32, #tpu.memory_space<vmem>>, %arg10: memref<144xf32, #tpu.memory_space<vmem>>, %arg11: memref<16xi32, #tpu.memory_space<vmem>>, %arg12: memref<!tpu.dma_semaphore, #tpu.memory_space<semaphore_mem>>, %arg13: memref<!tpu.dma_semaphore, #tpu.memory_space<semaphore_mem>>, %arg14: memref<!tpu.dma_semaphore, #tpu.memory_space<semaphore_mem>>, %arg15: memref<!tpu.dma_semaphore, #tpu.memory_space<semaphore_mem>>) attributes {dimension_semantics = [#tpu.dimension_semantics<core_parallel>, #tpu.dimension_semantics<subcore_parallel>], iteration_bounds = array<i64: 2, 16>, scalar_prefetch = 0 : i64, scratch_operands = 9 : i64, tpu.core_type = #tpu.core_type<sc_vector_subcore>, window_params = [{transform_indices = #map}, {transform_indices = #map1}, {transform_indices = #map1}, {transform_indices = #map1}, {transform_indices = #map}]} {
    %mul3A = arith.constant 16 : i32
    %mul3A_0 = arith.muli %arg0, %mul3A : i32
    %add3A = arith.addi %mul3A_0, %arg1 : i32
    %mul3A_1 = arith.constant 4 : i32
    %mul3A_2 = arith.muli %add3A, %mul3A_1 : i32
    %add3A_3 = arith.constant 0 : i32
    %add3A_4 = arith.addi %mul3A_2, %add3A_3 : i32
    %dma_start3A = arith.constant 0 : i32
    %dma_start3A_5 = tpu.memref_slice %arg7[%dma_start3A] : memref<98304xf32, #tpu.memory_space<vmem>> -> memref<16384xf32, #tpu.memory_space<vmem>>
    %dma_start3A_6 = arith.constant 0 : i32
    %dma_start3A_7 = tpu.memref_slice %arg2[%add3A_4, %dma_start3A_6] : memref<128x32768xf32, #tpu.memory_space<hbm>> -> memref<1x16384xf32, #tpu.memory_space<hbm>>
    %dma_start3A_8 = tpu.memref_squeeze %dma_start3A_7 : memref<1x16384xf32, #tpu.memory_space<hbm>> -> memref<16384xf32, #tpu.memory_space<hbm>>
    %dma_start3A_9 = arith.constant 0 : i32
    %dma_start3A_10 = tpu.memref_slice %arg7[%dma_start3A_9] : memref<98304xf32, #tpu.memory_space<vmem>> -> memref<16384xf32, #tpu.memory_space<vmem>>
    %dma_start3A_11 = arith.constant 0 : i32
    %dma_start3A_12 = tpu.memref_slice %arg2[%add3A_4, %dma_start3A_11] : memref<128x32768xf32, #tpu.memory_space<hbm>> -> memref<1x16384xf32, #tpu.memory_space<hbm>>
    %dma_start3A_13 = tpu.memref_squeeze %dma_start3A_12 : memref<1x16384xf32, #tpu.memory_space<hbm>> -> memref<16384xf32, #tpu.memory_space<hbm>>
    tpu.enqueue_dma source(%dma_start3A_13 : memref<16384xf32, #tpu.memory_space<hbm>>) target(%dma_start3A_10 : memref<16384xf32, #tpu.memory_space<vmem>>) target_semaphore(%arg12 : memref<!tpu.dma_semaphore, #tpu.memory_space<semaphore_mem>>)
    %add3A_14 = arith.constant 0 : i32
    %add3A_15 = arith.addi %mul3A_2, %add3A_14 : i32
    %dma_start3A_16 = arith.constant 16384 : i32
    %dma_start3A_17 = tpu.memref_slice %arg7[%dma_start3A_16] : memref<98304xf32, #tpu.memory_space<vmem>> -> memref<16384xf32, #tpu.memory_space<vmem>>
    %dma_start3A_18 = arith.constant 16384 : i32
    %dma_start3A_19 = tpu.memref_slice %arg2[%add3A_15, %dma_start3A_18] : memref<128x32768xf32, #tpu.memory_space<hbm>> -> memref<1x16384xf32, #tpu.memory_space<hbm>>
    %dma_start3A_20 = tpu.memref_squeeze %dma_start3A_19 : memref<1x16384xf32, #tpu.memory_space<hbm>> -> memref<16384xf32, #tpu.memory_space<hbm>>
    %dma_start3A_21 = arith.constant 16384 : i32
    %dma_start3A_22 = tpu.memref_slice %arg7[%dma_start3A_21] : memref<98304xf32, #tpu.memory_space<vmem>> -> memref<16384xf32, #tpu.memory_space<vmem>>
    %dma_start3A_23 = arith.constant 16384 : i32
    %dma_start3A_24 = tpu.memref_slice %arg2[%add3A_15, %dma_start3A_23] : memref<128x32768xf32, #tpu.memory_space<hbm>> -> memref<1x16384xf32, #tpu.memory_space<hbm>>
    %dma_start3A_25 = tpu.memref_squeeze %dma_start3A_24 : memref<1x16384xf32, #tpu.memory_space<hbm>> -> memref<16384xf32, #tpu.memory_space<hbm>>
    tpu.enqueue_dma source(%dma_start3A_25 : memref<16384xf32, #tpu.memory_space<hbm>>) target(%dma_start3A_22 : memref<16384xf32, #tpu.memory_space<vmem>>) target_semaphore(%arg13 : memref<!tpu.dma_semaphore, #tpu.memory_space<semaphore_mem>>)
    %add3A_26 = arith.constant 1 : i32
    %add3A_27 = arith.addi %mul3A_2, %add3A_26 : i32
    %dma_start3A_28 = arith.constant 32768 : i32
    %dma_start3A_29 = tpu.memref_slice %arg7[%dma_start3A_28] : memref<98304xf32, #tpu.memory_space<vmem>> -> memref<16384xf32, #tpu.memory_space<vmem>>
    %dma_start3A_30 = arith.constant 0 : i32
    %dma_start3A_31 = tpu.memref_slice %arg2[%add3A_27, %dma_start3A_30] : memref<128x32768xf32, #tpu.memory_space<hbm>> -> memref<1x16384xf32, #tpu.memory_space<hbm>>
    %dma_start3A_32 = tpu.memref_squeeze %dma_start3A_31 : memref<1x16384xf32, #tpu.memory_space<hbm>> -> memref<16384xf32, #tpu.memory_space<hbm>>
    %dma_start3A_33 = arith.constant 32768 : i32
    %dma_start3A_34 = tpu.memref_slice %arg7[%dma_start3A_33] : memref<98304xf32, #tpu.memory_space<vmem>> -> memref<16384xf32, #tpu.memory_space<vmem>>
    %dma_start3A_35 = arith.constant 0 : i32
    %dma_start3A_36 = tpu.memref_slice %arg2[%add3A_27, %dma_start3A_35] : memref<128x32768xf32, #tpu.memory_space<hbm>> -> memref<1x16384xf32, #tpu.memory_space<hbm>>
    %dma_start3A_37 = tpu.memref_squeeze %dma_start3A_36 : memref<1x16384xf32, #tpu.memory_space<hbm>> -> memref<16384xf32, #tpu.memory_space<hbm>>
    tpu.enqueue_dma source(%dma_start3A_37 : memref<16384xf32, #tpu.memory_space<hbm>>) target(%dma_start3A_34 : memref<16384xf32, #tpu.memory_space<vmem>>) target_semaphore(%arg14 : memref<!tpu.dma_semaphore, #tpu.memory_space<semaphore_mem>>)
    "tpu.region"() ({
      %run_scoped3A = tpu.sem_alloc : memref<!tpu.dma_semaphore, #tpu.memory_space<semaphore_mem>>
      tpu.enqueue_dma source(%arg3 : memref<32xi32, #tpu.memory_space<hbm>>) target(%arg8 : memref<32xi32, #tpu.memory_space<vmem>>) target_semaphore(%run_scoped3A : memref<!tpu.dma_semaphore, #tpu.memory_space<semaphore_mem>>)
      tpu.wait_dma2 semaphore(%run_scoped3A : memref<!tpu.dma_semaphore, #tpu.memory_space<semaphore_mem>>) src(%arg3 : memref<32xi32, #tpu.memory_space<hbm>>) dst(%arg8 : memref<32xi32, #tpu.memory_space<vmem>>)
      tpu.yield
    }) : () -> ()
    "tpu.region"() ({
      %run_scoped3A = tpu.sem_alloc : memref<!tpu.dma_semaphore, #tpu.memory_space<semaphore_mem>>
      %dma_start3A_1195 = arith.constant 0 : i32
      %dma_start3A_1196 = tpu.memref_slice %arg9[%dma_start3A_1195] : memref<144xi32, #tpu.memory_space<vmem>> -> memref<128xi32, #tpu.memory_space<vmem>>
      %dma_start3A_1197 = arith.constant 0 : i32
      %dma_start3A_1198 = tpu.memref_slice %arg9[%dma_start3A_1197] : memref<144xi32, #tpu.memory_space<vmem>> -> memref<128xi32, #tpu.memory_space<vmem>>
      tpu.enqueue_dma source(%arg4 : memref<128xi32, #tpu.memory_space<hbm>>) target(%dma_start3A_1198 : memref<128xi32, #tpu.memory_space<vmem>>) target_semaphore(%run_scoped3A : memref<!tpu.dma_semaphore, #tpu.memory_space<semaphore_mem>>)
      %dma_wait3A_1199 = arith.constant 0 : i32
      %dma_wait3A_1200 = tpu.memref_slice %arg9[%dma_wait3A_1199] : memref<144xi32, #tpu.memory_space<vmem>> -> memref<128xi32, #tpu.memory_space<vmem>>
      %dma_wait3A_1201 = arith.constant 0 : i32
      %dma_wait3A_1202 = tpu.memref_slice %arg9[%dma_wait3A_1201] : memref<144xi32, #tpu.memory_space<vmem>> -> memref<128xi32, #tpu.memory_space<vmem>>
      tpu.wait_dma2 semaphore(%run_scoped3A : memref<!tpu.dma_semaphore, #tpu.memory_space<semaphore_mem>>) src(%arg4 : memref<128xi32, #tpu.memory_space<hbm>>) dst(%dma_wait3A_1202 : memref<128xi32, #tpu.memory_space<vmem>>)
      tpu.yield
    }) : () -> ()
    "tpu.region"() ({
      %run_scoped3A = tpu.sem_alloc : memref<!tpu.dma_semaphore, #tpu.memory_space<semaphore_mem>>
      %dma_start3A_1195 = arith.constant 0 : i32
      %dma_start3A_1196 = tpu.memref_slice %arg10[%dma_start3A_1195] : memref<144xf32, #tpu.memory_space<vmem>> -> memref<128xf32, #tpu.memory_space<vmem>>
      %dma_start3A_1197 = arith.constant 0 : i32
      %dma_start3A_1198 = tpu.memref_slice %arg10[%dma_start3A_1197] : memref<144xf32, #tpu.memory_space<vmem>> -> memref<128xf32, #tpu.memory_space<vmem>>
      tpu.enqueue_dma source(%arg5 : memref<128xf32, #tpu.memory_space<hbm>>) target(%dma_start3A_1198 : memref<128xf32, #tpu.memory_space<vmem>>) target_semaphore(%run_scoped3A : memref<!tpu.dma_semaphore, #tpu.memory_space<semaphore_mem>>)
      %dma_wait3A_1199 = arith.constant 0 : i32
      %dma_wait3A_1200 = tpu.memref_slice %arg10[%dma_wait3A_1199] : memref<144xf32, #tpu.memory_space<vmem>> -> memref<128xf32, #tpu.memory_space<vmem>>
      %dma_wait3A_1201 = arith.constant 0 : i32
      %dma_wait3A_1202 = tpu.memref_slice %arg10[%dma_wait3A_1201] : memref<144xf32, #tpu.memory_space<vmem>> -> memref<128xf32, #tpu.memory_space<vmem>>
      tpu.wait_dma2 semaphore(%run_scoped3A : memref<!tpu.dma_semaphore, #tpu.memory_space<semaphore_mem>>) src(%arg5 : memref<128xf32, #tpu.memory_space<hbm>>) dst(%dma_wait3A_1202 : memref<128xf32, #tpu.memory_space<vmem>>)
      tpu.yield
    }) : () -> ()
    %iota3A = tpu.iota {dimensions = array<i32: 0>} : vector<16xi32>
    %broadcast_in_dim3A = arith.constant 0xFF800000 : f32
    %broadcast_in_dim3A_38 = vector.broadcast %broadcast_in_dim3A : f32 to vector<16xf32>
    %broadcast_in_dim3A_39 = arith.constant 0 : i32
    %broadcast_in_dim3A_40 = vector.broadcast %broadcast_in_dim3A_39 : i32 to vector<16xi32>
    %dma_wait3A = arith.constant 0 : i32
    %dma_wait3A_41 = tpu.memref_slice %arg7[%dma_wait3A] : memref<98304xf32, #tpu.memory_space<vmem>> -> memref<16384xf32, #tpu.memory_space<vmem>>
    %dma_wait3A_42 = arith.constant 0 : i32
    %dma_wait3A_43 = tpu.memref_slice %arg2[%add3A_4, %dma_wait3A_42] : memref<128x32768xf32, #tpu.memory_space<hbm>> -> memref<1x16384xf32, #tpu.memory_space<hbm>>
    %dma_wait3A_44 = tpu.memref_squeeze %dma_wait3A_43 : memref<1x16384xf32, #tpu.memory_space<hbm>> -> memref<16384xf32, #tpu.memory_space<hbm>>
    %dma_wait3A_45 = arith.constant 0 : i32
    %dma_wait3A_46 = tpu.memref_slice %arg7[%dma_wait3A_45] : memref<98304xf32, #tpu.memory_space<vmem>> -> memref<16384xf32, #tpu.memory_space<vmem>>
    %dma_wait3A_47 = arith.constant 0 : i32
    %dma_wait3A_48 = tpu.memref_slice %arg2[%add3A_4, %dma_wait3A_47] : memref<128x32768xf32, #tpu.memory_space<hbm>> -> memref<1x16384xf32, #tpu.memory_space<hbm>>
    %dma_wait3A_49 = tpu.memref_squeeze %dma_wait3A_48 : memref<1x16384xf32, #tpu.memory_space<hbm>> -> memref<16384xf32, #tpu.memory_space<hbm>>
    tpu.wait_dma2 semaphore(%arg12 : memref<!tpu.dma_semaphore, #tpu.memory_space<semaphore_mem>>) src(%dma_wait3A_49 : memref<16384xf32, #tpu.memory_space<hbm>>) dst(%dma_wait3A_46 : memref<16384xf32, #tpu.memory_space<vmem>>)
    %add3A_50 = arith.constant 1 : i32
    %add3A_51 = arith.addi %mul3A_2, %add3A_50 : i32
    %dma_start3A_52 = arith.constant 49152 : i32
    %dma_start3A_53 = tpu.memref_slice %arg7[%dma_start3A_52] : memref<98304xf32, #tpu.memory_space<vmem>> -> memref<16384xf32, #tpu.memory_space<vmem>>
    %dma_start3A_54 = arith.constant 16384 : i32
    %dma_start3A_55 = tpu.memref_slice %arg2[%add3A_51, %dma_start3A_54] : memref<128x32768xf32, #tpu.memory_space<hbm>> -> memref<1x16384xf32, #tpu.memory_space<hbm>>
    %dma_start3A_56 = tpu.memref_squeeze %dma_start3A_55 : memref<1x16384xf32, #tpu.memory_space<hbm>> -> memref<16384xf32, #tpu.memory_space<hbm>>
    %dma_start3A_57 = arith.constant 49152 : i32
    %dma_start3A_58 = tpu.memref_slice %arg7[%dma_start3A_57] : memref<98304xf32, #tpu.memory_space<vmem>> -> memref<16384xf32, #tpu.memory_space<vmem>>
    %dma_start3A_59 = arith.constant 16384 : i32
    %dma_start3A_60 = tpu.memref_slice %arg2[%add3A_51, %dma_start3A_59] : memref<128x32768xf32, #tpu.memory_space<hbm>> -> memref<1x16384xf32, #tpu.memory_space<hbm>>
    %dma_start3A_61 = tpu.memref_squeeze %dma_start3A_60 : memref<1x16384xf32, #tpu.memory_space<hbm>> -> memref<16384xf32, #tpu.memory_space<hbm>>
    tpu.enqueue_dma source(%dma_start3A_61 : memref<16384xf32, #tpu.memory_space<hbm>>) target(%dma_start3A_58 : memref<16384xf32, #tpu.memory_space<vmem>>) target_semaphore(%arg12 : memref<!tpu.dma_semaphore, #tpu.memory_space<semaphore_mem>>)
    %scan3A = arith.constant 0 : i32
    %scan3A_62 = arith.constant 128 : i32
    %scan3A_63 = arith.addi %scan3A, %scan3A_62 : i32
    %scan3A_64 = arith.constant 1 : i32
    %scan3A_65:2 = scf.for %scan3A_1195 = %scan3A to %scan3A_63 step %scan3A_64 iter_args(%scan3A_1196 = %broadcast_in_dim3A_38, %scan3A_1197 = %broadcast_in_dim3A_40) -> (vector<16xf32>, vector<16xi32>)  : i32 {
      %mul3A_1198 = arith.constant 128 : i32
      %mul3A_1199 = arith.muli %scan3A_1195, %mul3A_1198 : i32
      %add3A_1200 = arith.constant 0 : i32
      %add3A_1201 = arith.addi %add3A_1200, %mul3A_1199 : i32
      %add3A_1202 = arith.constant 0 : i32
      %add3A_1203 = arith.addi %add3A_1201, %add3A_1202 : i32
      %get3A_1204 = arith.index_cast %add3A_1203 : i32 to index
      %get3A_1205 = tpu.vector_load %arg7[%get3A_1204] {strides = array<i32>} : memref<98304xf32, #tpu.memory_space<vmem>>, vector<16xf32>,
      %mul3A_1206 = arith.constant 128 : i32
      %mul3A_1207 = arith.muli %scan3A_1195, %mul3A_1206 : i32
      %add3A_1208 = arith.constant 0 : i32
      %add3A_1209 = arith.addi %add3A_1208, %mul3A_1207 : i32
      %add3A_1210 = arith.constant 16 : i32
      %add3A_1211 = arith.addi %add3A_1209, %add3A_1210 : i32
      %get3A_1212 = arith.index_cast %add3A_1211 : i32 to index
      %get3A_1213 = tpu.vector_load %arg7[%get3A_1212] {strides = array<i32>} : memref<98304xf32, #tpu.memory_space<vmem>>, vector<16xf32>,
      %mul3A_1214 = arith.constant 128 : i32
      %mul3A_1215 = arith.muli %scan3A_1195, %mul3A_1214 : i32
      %add3A_1216 = arith.constant 0 : i32
      %add3A_1217 = arith.addi %add3A_1216, %mul3A_1215 : i32
      %add3A_1218 = arith.constant 32 : i32
      %add3A_1219 = arith.addi %add3A_1217, %add3A_1218 : i32
      %get3A_1220 = arith.index_cast %add3A_1219 : i32 to index
      %get3A_1221 = tpu.vector_load %arg7[%get3A_1220] {strides = array<i32>} : memref<98304xf32, #tpu.memory_space<vmem>>, vector<16xf32>,
      %mul3A_1222 = arith.constant 128 : i32
      %mul3A_1223 = arith.muli %scan3A_1195, %mul3A_1222 : i32
      %add3A_1224 = arith.constant 0 : i32
      %add3A_1225 = arith.addi %add3A_1224, %mul3A_1223 : i32
      %add3A_1226 = arith.constant 48 : i32
      %add3A_1227 = arith.addi %add3A_1225, %add3A_1226 : i32
      %get3A_1228 = arith.index_cast %add3A_1227 : i32 to index
      %get3A_1229 = tpu.vector_load %arg7[%get3A_1228] {strides = array<i32>} : memref<98304xf32, #tpu.memory_space<vmem>>, vector<16xf32>,
      %mul3A_1230 = arith.constant 128 : i32
      %mul3A_1231 = arith.muli %scan3A_1195, %mul3A_1230 : i32
      %add3A_1232 = arith.constant 0 : i32
      %add3A_1233 = arith.addi %add3A_1232, %mul3A_1231 : i32
      %add3A_1234 = arith.constant 64 : i32
      %add3A_1235 = arith.addi %add3A_1233, %add3A_1234 : i32
      %get3A_1236 = arith.index_cast %add3A_1235 : i32 to index
      %get3A_1237 = tpu.vector_load %arg7[%get3A_1236] {strides = array<i32>} : memref<98304xf32, #tpu.memory_space<vmem>>, vector<16xf32>,
      %mul3A_1238 = arith.constant 128 : i32
      %mul3A_1239 = arith.muli %scan3A_1195, %mul3A_1238 : i32
      %add3A_1240 = arith.constant 0 : i32
      %add3A_1241 = arith.addi %add3A_1240, %mul3A_1239 : i32
      %add3A_1242 = arith.constant 80 : i32
      %add3A_1243 = arith.addi %add3A_1241, %add3A_1242 : i32
      %get3A_1244 = arith.index_cast %add3A_1243 : i32 to index
      %get3A_1245 = tpu.vector_load %arg7[%get3A_1244] {strides = array<i32>} : memref<98304xf32, #tpu.memory_space<vmem>>, vector<16xf32>,
      %mul3A_1246 = arith.constant 128 : i32
      %mul3A_1247 = arith.muli %scan3A_1195, %mul3A_1246 : i32
      %add3A_1248 = arith.constant 0 : i32
      %add3A_1249 = arith.addi %add3A_1248, %mul3A_1247 : i32
      %add3A_1250 = arith.constant 96 : i32
      %add3A_1251 = arith.addi %add3A_1249, %add3A_1250 : i32
      %get3A_1252 = arith.index_cast %add3A_1251 : i32 to index
      %get3A_1253 = tpu.vector_load %arg7[%get3A_1252] {strides = array<i32>} : memref<98304xf32, #tpu.memory_space<vmem>>, vector<16xf32>,
      %mul3A_1254 = arith.constant 128 : i32
      %mul3A_1255 = arith.muli %scan3A_1195, %mul3A_1254 : i32
      %add3A_1256 = arith.constant 0 : i32
      %add3A_1257 = arith.addi %add3A_1256, %mul3A_1255 : i32
      %add3A_1258 = arith.constant 112 : i32
      %add3A_1259 = arith.addi %add3A_1257, %add3A_1258 : i32
      %get3A_1260 = arith.index_cast %add3A_1259 : i32 to index
      %get3A_1261 = tpu.vector_load %arg7[%get3A_1260] {strides = array<i32>} : memref<98304xf32, #tpu.memory_space<vmem>>, vector<16xf32>,
      %max3A_1262 = arith.maximumf %get3A_1205, %get3A_1213 : vector<16xf32>
      %max3A_1263 = arith.maximumf %get3A_1221, %get3A_1229 : vector<16xf32>
      %max3A_1264 = arith.maximumf %get3A_1237, %get3A_1245 : vector<16xf32>
      %max3A_1265 = arith.maximumf %get3A_1253, %get3A_1261 : vector<16xf32>
      %max3A_1266 = arith.maximumf %max3A_1262, %max3A_1263 : vector<16xf32>
      %max3A_1267 = arith.maximumf %max3A_1264, %max3A_1265 : vector<16xf32>
      %max3A_1268 = arith.maximumf %max3A_1266, %max3A_1267 : vector<16xf32>
      %gt3A = arith.cmpf ogt, %max3A_1268, %scan3A_1196 : vector<16xf32>
      %select_n3A_1269 = arith.select %gt3A, %max3A_1268, %scan3A_1196 : vector<16xi1>, vector<16xf32>
      %add3A_1270 = arith.constant 0 : i32
      %add3A_1271 = arith.addi %scan3A_1195, %add3A_1270 : i32
      %broadcast_in_dim3A_1272 = vector.broadcast %add3A_1271 : i32 to vector<16xi32>
      %select_n3A_1273 = arith.select %gt3A, %broadcast_in_dim3A_1272, %scan3A_1197 : vector<16xi1>, vector<16xi32>
      scf.yield %select_n3A_1269, %select_n3A_1273 : vector<16xf32>, vector<16xi32>
    }
    %scan3A_66 = arith.constant 128 : i32
    %dma_wait3A_67 = arith.constant 16384 : i32
    %dma_wait3A_68 = tpu.memref_slice %arg7[%dma_wait3A_67] : memref<98304xf32, #tpu.memory_space<vmem>> -> memref<16384xf32, #tpu.memory_space<vmem>>
    %dma_wait3A_69 = arith.constant 16384 : i32
    %dma_wait3A_70 = tpu.memref_slice %arg2[%add3A_15, %dma_wait3A_69] : memref<128x32768xf32, #tpu.memory_space<hbm>> -> memref<1x16384xf32, #tpu.memory_space<hbm>>
    %dma_wait3A_71 = tpu.memref_squeeze %dma_wait3A_70 : memref<1x16384xf32, #tpu.memory_space<hbm>> -> memref<16384xf32, #tpu.memory_space<hbm>>
    %dma_wait3A_72 = arith.constant 16384 : i32
    %dma_wait3A_73 = tpu.memref_slice %arg7[%dma_wait3A_72] : memref<98304xf32, #tpu.memory_space<vmem>> -> memref<16384xf32, #tpu.memory_space<vmem>>
    %dma_wait3A_74 = arith.constant 16384 : i32
    %dma_wait3A_75 = tpu.memref_slice %arg2[%add3A_15, %dma_wait3A_74] : memref<128x32768xf32, #tpu.memory_space<hbm>> -> memref<1x16384xf32, #tpu.memory_space<hbm>>
    %dma_wait3A_76 = tpu.memref_squeeze %dma_wait3A_75 : memref<1x16384xf32, #tpu.memory_space<hbm>> -> memref<16384xf32, #tpu.memory_space<hbm>>
    tpu.wait_dma2 semaphore(%arg13 : memref<!tpu.dma_semaphore, #tpu.memory_space<semaphore_mem>>) src(%dma_wait3A_76 : memref<16384xf32, #tpu.memory_space<hbm>>) dst(%dma_wait3A_73 : memref<16384xf32, #tpu.memory_space<vmem>>)
    %add3A_77 = arith.constant 2 : i32
    %add3A_78 = arith.addi %mul3A_2, %add3A_77 : i32
    %dma_start3A_79 = arith.constant 65536 : i32
    %dma_start3A_80 = tpu.memref_slice %arg7[%dma_start3A_79] : memref<98304xf32, #tpu.memory_space<vmem>> -> memref<16384xf32, #tpu.memory_space<vmem>>
    %dma_start3A_81 = arith.constant 0 : i32
    %dma_start3A_82 = tpu.memref_slice %arg2[%add3A_78, %dma_start3A_81] : memref<128x32768xf32, #tpu.memory_space<hbm>> -> memref<1x16384xf32, #tpu.memory_space<hbm>>
    %dma_start3A_83 = tpu.memref_squeeze %dma_start3A_82 : memref<1x16384xf32, #tpu.memory_space<hbm>> -> memref<16384xf32, #tpu.memory_space<hbm>>
    %dma_start3A_84 = arith.constant 65536 : i32
    %dma_start3A_85 = tpu.memref_slice %arg7[%dma_start3A_84] : memref<98304xf32, #tpu.memory_space<vmem>> -> memref<16384xf32, #tpu.memory_space<vmem>>
    %dma_start3A_86 = arith.constant 0 : i32
    %dma_start3A_87 = tpu.memref_slice %arg2[%add3A_78, %dma_start3A_86] : memref<128x32768xf32, #tpu.memory_space<hbm>> -> memref<1x16384xf32, #tpu.memory_space<hbm>>
    %dma_start3A_88 = tpu.memref_squeeze %dma_start3A_87 : memref<1x16384xf32, #tpu.memory_space<hbm>> -> memref<16384xf32, #tpu.memory_space<hbm>>
    tpu.enqueue_dma source(%dma_start3A_88 : memref<16384xf32, #tpu.memory_space<hbm>>) target(%dma_start3A_85 : memref<16384xf32, #tpu.memory_space<vmem>>) target_semaphore(%arg13 : memref<!tpu.dma_semaphore, #tpu.memory_space<semaphore_mem>>)
    %scan3A_89 = arith.constant 0 : i32
    %scan3A_90 = arith.constant 128 : i32
    %scan3A_91 = arith.addi %scan3A_89, %scan3A_90 : i32
    %scan3A_92 = arith.constant 1 : i32
    %scan3A_93:2 = scf.for %scan3A_1195 = %scan3A_89 to %scan3A_91 step %scan3A_92 iter_args(%scan3A_1196 = %scan3A_65#0, %scan3A_1197 = %scan3A_65#1) -> (vector<16xf32>, vector<16xi32>)  : i32 {
      %mul3A_1198 = arith.constant 128 : i32
      %mul3A_1199 = arith.muli %scan3A_1195, %mul3A_1198 : i32
      %add3A_1200 = arith.constant 16384 : i32
      %add3A_1201 = arith.addi %add3A_1200, %mul3A_1199 : i32
      %add3A_1202 = arith.constant 0 : i32
      %add3A_1203 = arith.addi %add3A_1201, %add3A_1202 : i32
      %get3A_1204 = arith.index_cast %add3A_1203 : i32 to index
      %get3A_1205 = tpu.vector_load %arg7[%get3A_1204] {strides = array<i32>} : memref<98304xf32, #tpu.memory_space<vmem>>, vector<16xf32>,
      %mul3A_1206 = arith.constant 128 : i32
      %mul3A_1207 = arith.muli %scan3A_1195, %mul3A_1206 : i32
      %add3A_1208 = arith.constant 16384 : i32
      %add3A_1209 = arith.addi %add3A_1208, %mul3A_1207 : i32
      %add3A_1210 = arith.constant 16 : i32
      %add3A_1211 = arith.addi %add3A_1209, %add3A_1210 : i32
      %get3A_1212 = arith.index_cast %add3A_1211 : i32 to index
      %get3A_1213 = tpu.vector_load %arg7[%get3A_1212] {strides = array<i32>} : memref<98304xf32, #tpu.memory_space<vmem>>, vector<16xf32>,
      %mul3A_1214 = arith.constant 128 : i32
      %mul3A_1215 = arith.muli %scan3A_1195, %mul3A_1214 : i32
      %add3A_1216 = arith.constant 16384 : i32
      %add3A_1217 = arith.addi %add3A_1216, %mul3A_1215 : i32
      %add3A_1218 = arith.constant 32 : i32
      %add3A_1219 = arith.addi %add3A_1217, %add3A_1218 : i32
      %get3A_1220 = arith.index_cast %add3A_1219 : i32 to index
      %get3A_1221 = tpu.vector_load %arg7[%get3A_1220] {strides = array<i32>} : memref<98304xf32, #tpu.memory_space<vmem>>, vector<16xf32>,
      %mul3A_1222 = arith.constant 128 : i32
      %mul3A_1223 = arith.muli %scan3A_1195, %mul3A_1222 : i32
      %add3A_1224 = arith.constant 16384 : i32
      %add3A_1225 = arith.addi %add3A_1224, %mul3A_1223 : i32
      %add3A_1226 = arith.constant 48 : i32
      %add3A_1227 = arith.addi %add3A_1225, %add3A_1226 : i32
      %get3A_1228 = arith.index_cast %add3A_1227 : i32 to index
      %get3A_1229 = tpu.vector_load %arg7[%get3A_1228] {strides = array<i32>} : memref<98304xf32, #tpu.memory_space<vmem>>, vector<16xf32>,
      %mul3A_1230 = arith.constant 128 : i32
      %mul3A_1231 = arith.muli %scan3A_1195, %mul3A_1230 : i32
      %add3A_1232 = arith.constant 16384 : i32
      %add3A_1233 = arith.addi %add3A_1232, %mul3A_1231 : i32
      %add3A_1234 = arith.constant 64 : i32
      %add3A_1235 = arith.addi %add3A_1233, %add3A_1234 : i32
      %get3A_1236 = arith.index_cast %add3A_1235 : i32 to index
      %get3A_1237 = tpu.vector_load %arg7[%get3A_1236] {strides = array<i32>} : memref<98304xf32, #tpu.memory_space<vmem>>, vector<16xf32>,
      %mul3A_1238 = arith.constant 128 : i32
      %mul3A_1239 = arith.muli %scan3A_1195, %mul3A_1238 : i32
      %add3A_1240 = arith.constant 16384 : i32
      %add3A_1241 = arith.addi %add3A_1240, %mul3A_1239 : i32
      %add3A_1242 = arith.constant 80 : i32
      %add3A_1243 = arith.addi %add3A_1241, %add3A_1242 : i32
      %get3A_1244 = arith.index_cast %add3A_1243 : i32 to index
      %get3A_1245 = tpu.vector_load %arg7[%get3A_1244] {strides = array<i32>} : memref<98304xf32, #tpu.memory_space<vmem>>, vector<16xf32>,
      %mul3A_1246 = arith.constant 128 : i32
      %mul3A_1247 = arith.muli %scan3A_1195, %mul3A_1246 : i32
      %add3A_1248 = arith.constant 16384 : i32
      %add3A_1249 = arith.addi %add3A_1248, %mul3A_1247 : i32
      %add3A_1250 = arith.constant 96 : i32
      %add3A_1251 = arith.addi %add3A_1249, %add3A_1250 : i32
      %get3A_1252 = arith.index_cast %add3A_1251 : i32 to index
      %get3A_1253 = tpu.vector_load %arg7[%get3A_1252] {strides = array<i32>} : memref<98304xf32, #tpu.memory_space<vmem>>, vector<16xf32>,
      %mul3A_1254 = arith.constant 128 : i32
      %mul3A_1255 = arith.muli %scan3A_1195, %mul3A_1254 : i32
      %add3A_1256 = arith.constant 16384 : i32
      %add3A_1257 = arith.addi %add3A_1256, %mul3A_1255 : i32
      %add3A_1258 = arith.constant 112 : i32
      %add3A_1259 = arith.addi %add3A_1257, %add3A_1258 : i32
      %get3A_1260 = arith.index_cast %add3A_1259 : i32 to index
      %get3A_1261 = tpu.vector_load %arg7[%get3A_1260] {strides = array<i32>} : memref<98304xf32, #tpu.memory_space<vmem>>, vector<16xf32>,
      %max3A_1262 = arith.maximumf %get3A_1205, %get3A_1213 : vector<16xf32>
      %max3A_1263 = arith.maximumf %get3A_1221, %get3A_1229 : vector<16xf32>
      %max3A_1264 = arith.maximumf %get3A_1237, %get3A_1245 : vector<16xf32>
      %max3A_1265 = arith.maximumf %get3A_1253, %get3A_1261 : vector<16xf32>
      %max3A_1266 = arith.maximumf %max3A_1262, %max3A_1263 : vector<16xf32>
      %max3A_1267 = arith.maximumf %max3A_1264, %max3A_1265 : vector<16xf32>
      %max3A_1268 = arith.maximumf %max3A_1266, %max3A_1267 : vector<16xf32>
      %gt3A = arith.cmpf ogt, %max3A_1268, %scan3A_1196 : vector<16xf32>
      %select_n3A_1269 = arith.select %gt3A, %max3A_1268, %scan3A_1196 : vector<16xi1>, vector<16xf32>
      %add3A_1270 = arith.constant 128 : i32
      %add3A_1271 = arith.addi %scan3A_1195, %add3A_1270 : i32
      %broadcast_in_dim3A_1272 = vector.broadcast %add3A_1271 : i32 to vector<16xi32>
      %select_n3A_1273 = arith.select %gt3A, %broadcast_in_dim3A_1272, %scan3A_1197 : vector<16xi1>, vector<16xi32>
      scf.yield %select_n3A_1269, %select_n3A_1273 : vector<16xf32>, vector<16xi32>
    }
    %scan3A_94 = arith.constant 128 : i32
    %xor3A = arith.constant 8 : i32
    %xor3A_95 = vector.broadcast %xor3A : i32 to vector<16xi32>
    %xor3A_96 = arith.xori %iota3A, %xor3A_95 : vector<16xi32>
    %broadcast_in_dim3A_97 = vector.shape_cast %xor3A_96 : vector<16xi32> to vector<16x1xi32>
    %gather3A = vector.shape_cast %broadcast_in_dim3A_97 : vector<16x1xi32> to vector<16xi32>
    %gather3A_98 = tpu.dynamic_gather %scan3A_93#0[%gather3A] in [0] : vector<16xf32>, vector<16xi32> -> vector<16xf32>
    %max3A = arith.maximumf %scan3A_93#0, %gather3A_98 : vector<16xf32>
    %xor3A_99 = arith.constant 4 : i32
    %xor3A_100 = vector.broadcast %xor3A_99 : i32 to vector<16xi32>
    %xor3A_101 = arith.xori %iota3A, %xor3A_100 : vector<16xi32>
    %broadcast_in_dim3A_102 = vector.shape_cast %xor3A_101 : vector<16xi32> to vector<16x1xi32>
    %gather3A_103 = vector.shape_cast %broadcast_in_dim3A_102 : vector<16x1xi32> to vector<16xi32>
    %gather3A_104 = tpu.dynamic_gather %max3A[%gather3A_103] in [0] : vector<16xf32>, vector<16xi32> -> vector<16xf32>
    %max3A_105 = arith.maximumf %max3A, %gather3A_104 : vector<16xf32>
    %xor3A_106 = arith.constant 2 : i32
    %xor3A_107 = vector.broadcast %xor3A_106 : i32 to vector<16xi32>
    %xor3A_108 = arith.xori %iota3A, %xor3A_107 : vector<16xi32>
    %broadcast_in_dim3A_109 = vector.shape_cast %xor3A_108 : vector<16xi32> to vector<16x1xi32>
    %gather3A_110 = vector.shape_cast %broadcast_in_dim3A_109 : vector<16x1xi32> to vector<16xi32>
    %gather3A_111 = tpu.dynamic_gather %max3A_105[%gather3A_110] in [0] : vector<16xf32>, vector<16xi32> -> vector<16xf32>
    %max3A_112 = arith.maximumf %max3A_105, %gather3A_111 : vector<16xf32>
    %xor3A_113 = arith.constant 1 : i32
    %xor3A_114 = vector.broadcast %xor3A_113 : i32 to vector<16xi32>
    %xor3A_115 = arith.xori %iota3A, %xor3A_114 : vector<16xi32>
    %broadcast_in_dim3A_116 = vector.shape_cast %xor3A_115 : vector<16xi32> to vector<16x1xi32>
    %gather3A_117 = vector.shape_cast %broadcast_in_dim3A_116 : vector<16x1xi32> to vector<16xi32>
    %gather3A_118 = tpu.dynamic_gather %max3A_112[%gather3A_117] in [0] : vector<16xf32>, vector<16xi32> -> vector<16xf32>
    %max3A_119 = arith.maximumf %max3A_112, %gather3A_118 : vector<16xf32>
    %eq3A = arith.cmpf oeq, %scan3A_93#0, %max3A_119 : vector<16xf32>
    %jit3A = arith.constant 2147483647 : i32
    %broadcast_in_dim3A_120 = vector.broadcast %jit3A : i32 to vector<16xi32>
    %select_n3A = arith.select %eq3A, %scan3A_93#1, %broadcast_in_dim3A_120 : vector<16xi1>, vector<16xi32>
    %xor3A_121 = arith.constant 8 : i32
    %xor3A_122 = vector.broadcast %xor3A_121 : i32 to vector<16xi32>
    %xor3A_123 = arith.xori %iota3A, %xor3A_122 : vector<16xi32>
    %broadcast_in_dim3A_124 = vector.shape_cast %xor3A_123 : vector<16xi32> to vector<16x1xi32>
    %gather3A_125 = vector.shape_cast %broadcast_in_dim3A_124 : vector<16x1xi32> to vector<16xi32>
    %gather3A_126 = tpu.dynamic_gather %select_n3A[%gather3A_125] in [0] : vector<16xi32>, vector<16xi32> -> vector<16xi32>
    %min3A = arith.minsi %select_n3A, %gather3A_126 : vector<16xi32>
    %xor3A_127 = arith.constant 4 : i32
    %xor3A_128 = vector.broadcast %xor3A_127 : i32 to vector<16xi32>
    %xor3A_129 = arith.xori %iota3A, %xor3A_128 : vector<16xi32>
    %broadcast_in_dim3A_130 = vector.shape_cast %xor3A_129 : vector<16xi32> to vector<16x1xi32>
    %gather3A_131 = vector.shape_cast %broadcast_in_dim3A_130 : vector<16x1xi32> to vector<16xi32>
    %gather3A_132 = tpu.dynamic_gather %min3A[%gather3A_131] in [0] : vector<16xi32>, vector<16xi32> -> vector<16xi32>
    %min3A_133 = arith.minsi %min3A, %gather3A_132 : vector<16xi32>
    %xor3A_134 = arith.constant 2 : i32
    %xor3A_135 = vector.broadcast %xor3A_134 : i32 to vector<16xi32>
    %xor3A_136 = arith.xori %iota3A, %xor3A_135 : vector<16xi32>
    %broadcast_in_dim3A_137 = vector.shape_cast %xor3A_136 : vector<16xi32> to vector<16x1xi32>
    %gather3A_138 = vector.shape_cast %broadcast_in_dim3A_137 : vector<16x1xi32> to vector<16xi32>
    %gather3A_139 = tpu.dynamic_gather %min3A_133[%gather3A_138] in [0] : vector<16xi32>, vector<16xi32> -> vector<16xi32>
    %min3A_140 = arith.minsi %min3A_133, %gather3A_139 : vector<16xi32>
    %xor3A_141 = arith.constant 1 : i32
    %xor3A_142 = vector.broadcast %xor3A_141 : i32 to vector<16xi32>
    %xor3A_143 = arith.xori %iota3A, %xor3A_142 : vector<16xi32>
    %broadcast_in_dim3A_144 = vector.shape_cast %xor3A_143 : vector<16xi32> to vector<16x1xi32>
    %gather3A_145 = vector.shape_cast %broadcast_in_dim3A_144 : vector<16x1xi32> to vector<16xi32>
    %gather3A_146 = tpu.dynamic_gather %min3A_140[%gather3A_145] in [0] : vector<16xi32>, vector<16xi32> -> vector<16xi32>
    %min3A_147 = arith.minsi %min3A_140, %gather3A_146 : vector<16xi32>
    %slice3A = vector.extract_strided_slice %min3A_147 {offsets = [0], sizes = [1], strides = [1]} : vector<16xi32> to vector<1xi32>
    %squeeze3A = vector.extract %slice3A[0] : i32 from vector<1xi32>
    %jit3A_148 = arith.constant 128 : i32
    %div3A = arith.divsi %squeeze3A, %jit3A_148 : i32
    %sign3A = arith.constant 0 : i32
    %sign3A_149 = arith.cmpi sgt, %squeeze3A, %sign3A : i32
    %sign3A_150 = arith.extui %sign3A_149 : i1 to i32
    %sign3A_151 = arith.constant 0 : i32
    %sign3A_152 = arith.cmpi slt, %squeeze3A, %sign3A_151 : i32
    %sign3A_153 = arith.extui %sign3A_152 : i1 to i32
    %sign3A_154 = arith.subi %sign3A_150, %sign3A_153 : i32
    %sign3A_155 = arith.constant 0 : i32
    %sign3A_156 = arith.cmpi sgt, %jit3A_148, %sign3A_155 : i32
    %sign3A_157 = arith.extui %sign3A_156 : i1 to i32
    %sign3A_158 = arith.constant 0 : i32
    %sign3A_159 = arith.cmpi slt, %jit3A_148, %sign3A_158 : i32
    %sign3A_160 = arith.extui %sign3A_159 : i1 to i32
    %sign3A_161 = arith.subi %sign3A_157, %sign3A_160 : i32
    %ne3A = arith.cmpi ne, %sign3A_154, %sign3A_161 : i32
    %rem3A = arith.remsi %squeeze3A, %jit3A_148 : i32
    %ne3A_162 = arith.constant 0 : i32
    %ne3A_163 = arith.cmpi ne, %rem3A, %ne3A_162 : i32
    %and3A = arith.andi %ne3A, %ne3A_163 : i1
    %sub3A = arith.constant 1 : i32
    %sub3A_164 = arith.subi %div3A, %sub3A : i32
    %select_n3A_165 = arith.select %and3A, %sub3A_164, %div3A : i32
    %add3A_166 = arith.constant 0 : i32
    %add3A_167 = arith.addi %add3A_166, %select_n3A_165 : i32
    %mul3A_168 = arith.constant 16384 : i32
    %mul3A_169 = arith.muli %add3A_167, %mul3A_168 : i32
    %jit3A_170 = arith.constant 128 : i32
    %eq3A_171 = arith.constant 0 : i32
    %eq3A_172 = arith.cmpi eq, %jit3A_170, %eq3A_171 : i32
    %jit3A_173 = arith.constant 1 : i32
    %select_n3A_174 = arith.select %eq3A_172, %jit3A_173, %jit3A_170 : i32
    %rem3A_175 = arith.remsi %squeeze3A, %select_n3A_174 : i32
    %ne3A_176 = arith.constant 0 : i32
    %ne3A_177 = arith.cmpi ne, %rem3A_175, %ne3A_176 : i32
    %lt3A = arith.constant 0 : i32
    %lt3A_178 = arith.cmpi slt, %rem3A_175, %lt3A : i32
    %lt3A_179 = arith.constant 0 : i32
    %lt3A_180 = arith.cmpi slt, %select_n3A_174, %lt3A_179 : i32
    %ne3A_181 = arith.xori %lt3A_178, %lt3A_180 : i1
    %and3A_182 = arith.andi %ne3A_181, %ne3A_177 : i1
    %add3A_183 = arith.addi %rem3A_175, %select_n3A_174 : i32
    %select_n3A_184 = arith.select %and3A_182, %add3A_183, %rem3A_175 : i32
    %mul3A_185 = arith.constant 128 : i32
    %mul3A_186 = arith.muli %select_n3A_184, %mul3A_185 : i32
    %add3A_187 = arith.addi %mul3A_169, %mul3A_186 : i32
    %mul3A_188 = arith.constant 128 : i32
    %mul3A_189 = arith.muli %squeeze3A, %mul3A_188 : i32
    %broadcast_in_dim3A_190 = vector.broadcast %mul3A_189 : i32 to vector<16xi32>
    %add3A_191 = arith.addi %broadcast_in_dim3A_190, %iota3A : vector<16xi32>
    %broadcast_in_dim3A_192 = arith.constant 2147483647 : i32
    %broadcast_in_dim3A_193 = vector.broadcast %broadcast_in_dim3A_192 : i32 to vector<16xi32>
    %add3A_194 = arith.constant 0 : i32
    %add3A_195 = arith.addi %add3A_187, %add3A_194 : i32
    %get3A = arith.index_cast %add3A_195 : i32 to index
    %get3A_196 = tpu.vector_load %arg7[%get3A] {strides = array<i32>} : memref<98304xf32, #tpu.memory_space<vmem>>, vector<16xf32>,
    %eq3A_197 = arith.cmpf oeq, %get3A_196, %max3A_119 : vector<16xf32>
    %add3A_198 = arith.constant 0 : i32
    %add3A_199 = vector.broadcast %add3A_198 : i32 to vector<16xi32>
    %add3A_200 = arith.addi %add3A_191, %add3A_199 : vector<16xi32>
    %jit3A_201 = arith.constant 2147483647 : i32
    %broadcast_in_dim3A_202 = vector.broadcast %jit3A_201 : i32 to vector<16xi32>
    %select_n3A_203 = arith.select %eq3A_197, %add3A_200, %broadcast_in_dim3A_202 : vector<16xi1>, vector<16xi32>
    %min3A_204 = arith.minsi %broadcast_in_dim3A_193, %select_n3A_203 : vector<16xi32>
    %add3A_205 = arith.constant 16 : i32
    %add3A_206 = arith.addi %add3A_187, %add3A_205 : i32
    %get3A_207 = arith.index_cast %add3A_206 : i32 to index
    %get3A_208 = tpu.vector_load %arg7[%get3A_207] {strides = array<i32>} : memref<98304xf32, #tpu.memory_space<vmem>>, vector<16xf32>,
    %eq3A_209 = arith.cmpf oeq, %get3A_208, %max3A_119 : vector<16xf32>
    %add3A_210 = arith.constant 16 : i32
    %add3A_211 = vector.broadcast %add3A_210 : i32 to vector<16xi32>
    %add3A_212 = arith.addi %add3A_191, %add3A_211 : vector<16xi32>
    %jit3A_213 = arith.constant 2147483647 : i32
    %broadcast_in_dim3A_214 = vector.broadcast %jit3A_213 : i32 to vector<16xi32>
    %select_n3A_215 = arith.select %eq3A_209, %add3A_212, %broadcast_in_dim3A_214 : vector<16xi1>, vector<16xi32>
    %min3A_216 = arith.minsi %min3A_204, %select_n3A_215 : vector<16xi32>
    %add3A_217 = arith.constant 32 : i32
    %add3A_218 = arith.addi %add3A_187, %add3A_217 : i32
    %get3A_219 = arith.index_cast %add3A_218 : i32 to index
    %get3A_220 = tpu.vector_load %arg7[%get3A_219] {strides = array<i32>} : memref<98304xf32, #tpu.memory_space<vmem>>, vector<16xf32>,
    %eq3A_221 = arith.cmpf oeq, %get3A_220, %max3A_119 : vector<16xf32>
    %add3A_222 = arith.constant 32 : i32
    %add3A_223 = vector.broadcast %add3A_222 : i32 to vector<16xi32>
    %add3A_224 = arith.addi %add3A_191, %add3A_223 : vector<16xi32>
    %jit3A_225 = arith.constant 2147483647 : i32
    %broadcast_in_dim3A_226 = vector.broadcast %jit3A_225 : i32 to vector<16xi32>
    %select_n3A_227 = arith.select %eq3A_221, %add3A_224, %broadcast_in_dim3A_226 : vector<16xi1>, vector<16xi32>
    %min3A_228 = arith.minsi %min3A_216, %select_n3A_227 : vector<16xi32>
    %add3A_229 = arith.constant 48 : i32
    %add3A_230 = arith.addi %add3A_187, %add3A_229 : i32
    %get3A_231 = arith.index_cast %add3A_230 : i32 to index
    %get3A_232 = tpu.vector_load %arg7[%get3A_231] {strides = array<i32>} : memref<98304xf32, #tpu.memory_space<vmem>>, vector<16xf32>,
    %eq3A_233 = arith.cmpf oeq, %get3A_232, %max3A_119 : vector<16xf32>
    %add3A_234 = arith.constant 48 : i32
    %add3A_235 = vector.broadcast %add3A_234 : i32 to vector<16xi32>
    %add3A_236 = arith.addi %add3A_191, %add3A_235 : vector<16xi32>
    %jit3A_237 = arith.constant 2147483647 : i32
    %broadcast_in_dim3A_238 = vector.broadcast %jit3A_237 : i32 to vector<16xi32>
    %select_n3A_239 = arith.select %eq3A_233, %add3A_236, %broadcast_in_dim3A_238 : vector<16xi1>, vector<16xi32>
    %min3A_240 = arith.minsi %min3A_228, %select_n3A_239 : vector<16xi32>
    %add3A_241 = arith.constant 64 : i32
    %add3A_242 = arith.addi %add3A_187, %add3A_241 : i32
    %get3A_243 = arith.index_cast %add3A_242 : i32 to index
    %get3A_244 = tpu.vector_load %arg7[%get3A_243] {strides = array<i32>} : memref<98304xf32, #tpu.memory_space<vmem>>, vector<16xf32>,
    %eq3A_245 = arith.cmpf oeq, %get3A_244, %max3A_119 : vector<16xf32>
    %add3A_246 = arith.constant 64 : i32
    %add3A_247 = vector.broadcast %add3A_246 : i32 to vector<16xi32>
    %add3A_248 = arith.addi %add3A_191, %add3A_247 : vector<16xi32>
    %jit3A_249 = arith.constant 2147483647 : i32
    %broadcast_in_dim3A_250 = vector.broadcast %jit3A_249 : i32 to vector<16xi32>
    %select_n3A_251 = arith.select %eq3A_245, %add3A_248, %broadcast_in_dim3A_250 : vector<16xi1>, vector<16xi32>
    %min3A_252 = arith.minsi %min3A_240, %select_n3A_251 : vector<16xi32>
    %add3A_253 = arith.constant 80 : i32
    %add3A_254 = arith.addi %add3A_187, %add3A_253 : i32
    %get3A_255 = arith.index_cast %add3A_254 : i32 to index
    %get3A_256 = tpu.vector_load %arg7[%get3A_255] {strides = array<i32>} : memref<98304xf32, #tpu.memory_space<vmem>>, vector<16xf32>,
    %eq3A_257 = arith.cmpf oeq, %get3A_256, %max3A_119 : vector<16xf32>
    %add3A_258 = arith.constant 80 : i32
    %add3A_259 = vector.broadcast %add3A_258 : i32 to vector<16xi32>
    %add3A_260 = arith.addi %add3A_191, %add3A_259 : vector<16xi32>
    %jit3A_261 = arith.constant 2147483647 : i32
    %broadcast_in_dim3A_262 = vector.broadcast %jit3A_261 : i32 to vector<16xi32>
    %select_n3A_263 = arith.select %eq3A_257, %add3A_260, %broadcast_in_dim3A_262 : vector<16xi1>, vector<16xi32>
    %min3A_264 = arith.minsi %min3A_252, %select_n3A_263 : vector<16xi32>
    %add3A_265 = arith.constant 96 : i32
    %add3A_266 = arith.addi %add3A_187, %add3A_265 : i32
    %get3A_267 = arith.index_cast %add3A_266 : i32 to index
    %get3A_268 = tpu.vector_load %arg7[%get3A_267] {strides = array<i32>} : memref<98304xf32, #tpu.memory_space<vmem>>, vector<16xf32>,
    %eq3A_269 = arith.cmpf oeq, %get3A_268, %max3A_119 : vector<16xf32>
    %add3A_270 = arith.constant 96 : i32
    %add3A_271 = vector.broadcast %add3A_270 : i32 to vector<16xi32>
    %add3A_272 = arith.addi %add3A_191, %add3A_271 : vector<16xi32>
    %jit3A_273 = arith.constant 2147483647 : i32
    %broadcast_in_dim3A_274 = vector.broadcast %jit3A_273 : i32 to vector<16xi32>
    %select_n3A_275 = arith.select %eq3A_269, %add3A_272, %broadcast_in_dim3A_274 : vector<16xi1>, vector<16xi32>
    %min3A_276 = arith.minsi %min3A_264, %select_n3A_275 : vector<16xi32>
    %add3A_277 = arith.constant 112 : i32
    %add3A_278 = arith.addi %add3A_187, %add3A_277 : i32
    %get3A_279 = arith.index_cast %add3A_278 : i32 to index
    %get3A_280 = tpu.vector_load %arg7[%get3A_279] {strides = array<i32>} : memref<98304xf32, #tpu.memory_space<vmem>>, vector<16xf32>,
    %eq3A_281 = arith.cmpf oeq, %get3A_280, %max3A_119 : vector<16xf32>
    %add3A_282 = arith.constant 112 : i32
    %add3A_283 = vector.broadcast %add3A_282 : i32 to vector<16xi32>
    %add3A_284 = arith.addi %add3A_191, %add3A_283 : vector<16xi32>
    %jit3A_285 = arith.constant 2147483647 : i32
    %broadcast_in_dim3A_286 = vector.broadcast %jit3A_285 : i32 to vector<16xi32>
    %select_n3A_287 = arith.select %eq3A_281, %add3A_284, %broadcast_in_dim3A_286 : vector<16xi1>, vector<16xi32>
    %min3A_288 = arith.minsi %min3A_276, %select_n3A_287 : vector<16xi32>
    %xor3A_289 = arith.constant 8 : i32
    %xor3A_290 = vector.broadcast %xor3A_289 : i32 to vector<16xi32>
    %xor3A_291 = arith.xori %iota3A, %xor3A_290 : vector<16xi32>
    %broadcast_in_dim3A_292 = vector.shape_cast %xor3A_291 : vector<16xi32> to vector<16x1xi32>
    %gather3A_293 = vector.shape_cast %broadcast_in_dim3A_292 : vector<16x1xi32> to vector<16xi32>
    %gather3A_294 = tpu.dynamic_gather %min3A_288[%gather3A_293] in [0] : vector<16xi32>, vector<16xi32> -> vector<16xi32>
    %min3A_295 = arith.minsi %min3A_288, %gather3A_294 : vector<16xi32>
    %xor3A_296 = arith.constant 4 : i32
    %xor3A_297 = vector.broadcast %xor3A_296 : i32 to vector<16xi32>
    %xor3A_298 = arith.xori %iota3A, %xor3A_297 : vector<16xi32>
    %broadcast_in_dim3A_299 = vector.shape_cast %xor3A_298 : vector<16xi32> to vector<16x1xi32>
    %gather3A_300 = vector.shape_cast %broadcast_in_dim3A_299 : vector<16x1xi32> to vector<16xi32>
    %gather3A_301 = tpu.dynamic_gather %min3A_295[%gather3A_300] in [0] : vector<16xi32>, vector<16xi32> -> vector<16xi32>
    %min3A_302 = arith.minsi %min3A_295, %gather3A_301 : vector<16xi32>
    %xor3A_303 = arith.constant 2 : i32
    %xor3A_304 = vector.broadcast %xor3A_303 : i32 to vector<16xi32>
    %xor3A_305 = arith.xori %iota3A, %xor3A_304 : vector<16xi32>
    %broadcast_in_dim3A_306 = vector.shape_cast %xor3A_305 : vector<16xi32> to vector<16x1xi32>
    %gather3A_307 = vector.shape_cast %broadcast_in_dim3A_306 : vector<16x1xi32> to vector<16xi32>
    %gather3A_308 = tpu.dynamic_gather %min3A_302[%gather3A_307] in [0] : vector<16xi32>, vector<16xi32> -> vector<16xi32>
    %min3A_309 = arith.minsi %min3A_302, %gather3A_308 : vector<16xi32>
    %xor3A_310 = arith.constant 1 : i32
    %xor3A_311 = vector.broadcast %xor3A_310 : i32 to vector<16xi32>
    %xor3A_312 = arith.xori %iota3A, %xor3A_311 : vector<16xi32>
    %broadcast_in_dim3A_313 = vector.shape_cast %xor3A_312 : vector<16xi32> to vector<16x1xi32>
    %gather3A_314 = vector.shape_cast %broadcast_in_dim3A_313 : vector<16x1xi32> to vector<16xi32>
    %gather3A_315 = tpu.dynamic_gather %min3A_309[%gather3A_314] in [0] : vector<16xi32>, vector<16xi32> -> vector<16xi32>
    %min3A_316 = arith.minsi %min3A_309, %gather3A_315 : vector<16xi32>
    %eq3A_317 = arith.constant 0 : i32
    %eq3A_318 = vector.broadcast %eq3A_317 : i32 to vector<16xi32>
    %eq3A_319 = arith.cmpi eq, %iota3A, %eq3A_318 : vector<16xi32>
    %select_n3A_320 = arith.select %eq3A_319, %min3A_316, %broadcast_in_dim3A_40 : vector<16xi1>, vector<16xi32>
    %dma_wait3A_321 = arith.constant 32768 : i32
    %dma_wait3A_322 = tpu.memref_slice %arg7[%dma_wait3A_321] : memref<98304xf32, #tpu.memory_space<vmem>> -> memref<16384xf32, #tpu.memory_space<vmem>>
    %dma_wait3A_323 = arith.constant 0 : i32
    %dma_wait3A_324 = tpu.memref_slice %arg2[%add3A_27, %dma_wait3A_323] : memref<128x32768xf32, #tpu.memory_space<hbm>> -> memref<1x16384xf32, #tpu.memory_space<hbm>>
    %dma_wait3A_325 = tpu.memref_squeeze %dma_wait3A_324 : memref<1x16384xf32, #tpu.memory_space<hbm>> -> memref<16384xf32, #tpu.memory_space<hbm>>
    %dma_wait3A_326 = arith.constant 32768 : i32
    %dma_wait3A_327 = tpu.memref_slice %arg7[%dma_wait3A_326] : memref<98304xf32, #tpu.memory_space<vmem>> -> memref<16384xf32, #tpu.memory_space<vmem>>
    %dma_wait3A_328 = arith.constant 0 : i32
    %dma_wait3A_329 = tpu.memref_slice %arg2[%add3A_27, %dma_wait3A_328] : memref<128x32768xf32, #tpu.memory_space<hbm>> -> memref<1x16384xf32, #tpu.memory_space<hbm>>
    %dma_wait3A_330 = tpu.memref_squeeze %dma_wait3A_329 : memref<1x16384xf32, #tpu.memory_space<hbm>> -> memref<16384xf32, #tpu.memory_space<hbm>>
    tpu.wait_dma2 semaphore(%arg14 : memref<!tpu.dma_semaphore, #tpu.memory_space<semaphore_mem>>) src(%dma_wait3A_330 : memref<16384xf32, #tpu.memory_space<hbm>>) dst(%dma_wait3A_327 : memref<16384xf32, #tpu.memory_space<vmem>>)
    %add3A_331 = arith.constant 2 : i32
    %add3A_332 = arith.addi %mul3A_2, %add3A_331 : i32
    %dma_start3A_333 = arith.constant 81920 : i32
    %dma_start3A_334 = tpu.memref_slice %arg7[%dma_start3A_333] : memref<98304xf32, #tpu.memory_space<vmem>> -> memref<16384xf32, #tpu.memory_space<vmem>>
    %dma_start3A_335 = arith.constant 16384 : i32
    %dma_start3A_336 = tpu.memref_slice %arg2[%add3A_332, %dma_start3A_335] : memref<128x32768xf32, #tpu.memory_space<hbm>> -> memref<1x16384xf32, #tpu.memory_space<hbm>>
    %dma_start3A_337 = tpu.memref_squeeze %dma_start3A_336 : memref<1x16384xf32, #tpu.memory_space<hbm>> -> memref<16384xf32, #tpu.memory_space<hbm>>
    %dma_start3A_338 = arith.constant 81920 : i32
    %dma_start3A_339 = tpu.memref_slice %arg7[%dma_start3A_338] : memref<98304xf32, #tpu.memory_space<vmem>> -> memref<16384xf32, #tpu.memory_space<vmem>>
    %dma_start3A_340 = arith.constant 16384 : i32
    %dma_start3A_341 = tpu.memref_slice %arg2[%add3A_332, %dma_start3A_340] : memref<128x32768xf32, #tpu.memory_space<hbm>> -> memref<1x16384xf32, #tpu.memory_space<hbm>>
    %dma_start3A_342 = tpu.memref_squeeze %dma_start3A_341 : memref<1x16384xf32, #tpu.memory_space<hbm>> -> memref<16384xf32, #tpu.memory_space<hbm>>
    tpu.enqueue_dma source(%dma_start3A_342 : memref<16384xf32, #tpu.memory_space<hbm>>) target(%dma_start3A_339 : memref<16384xf32, #tpu.memory_space<vmem>>) target_semaphore(%arg14 : memref<!tpu.dma_semaphore, #tpu.memory_space<semaphore_mem>>)
    %scan3A_343 = arith.constant 0 : i32
    %scan3A_344 = arith.constant 128 : i32
    %scan3A_345 = arith.addi %scan3A_343, %scan3A_344 : i32
    %scan3A_346 = arith.constant 1 : i32
    %scan3A_347:2 = scf.for %scan3A_1195 = %scan3A_343 to %scan3A_345 step %scan3A_346 iter_args(%scan3A_1196 = %broadcast_in_dim3A_38, %scan3A_1197 = %broadcast_in_dim3A_40) -> (vector<16xf32>, vector<16xi32>)  : i32 {
      %mul3A_1198 = arith.constant 128 : i32
      %mul3A_1199 = arith.muli %scan3A_1195, %mul3A_1198 : i32
      %add3A_1200 = arith.constant 32768 : i32
      %add3A_1201 = arith.addi %add3A_1200, %mul3A_1199 : i32
      %add3A_1202 = arith.constant 0 : i32
      %add3A_1203 = arith.addi %add3A_1201, %add3A_1202 : i32
      %get3A_1204 = arith.index_cast %add3A_1203 : i32 to index
      %get3A_1205 = tpu.vector_load %arg7[%get3A_1204] {strides = array<i32>} : memref<98304xf32, #tpu.memory_space<vmem>>, vector<16xf32>,
      %mul3A_1206 = arith.constant 128 : i32
      %mul3A_1207 = arith.muli %scan3A_1195, %mul3A_1206 : i32
      %add3A_1208 = arith.constant 32768 : i32
      %add3A_1209 = arith.addi %add3A_1208, %mul3A_1207 : i32
      %add3A_1210 = arith.constant 16 : i32
      %add3A_1211 = arith.addi %add3A_1209, %add3A_1210 : i32
      %get3A_1212 = arith.index_cast %add3A_1211 : i32 to index
      %get3A_1213 = tpu.vector_load %arg7[%get3A_1212] {strides = array<i32>} : memref<98304xf32, #tpu.memory_space<vmem>>, vector<16xf32>,
      %mul3A_1214 = arith.constant 128 : i32
      %mul3A_1215 = arith.muli %scan3A_1195, %mul3A_1214 : i32
      %add3A_1216 = arith.constant 32768 : i32
      %add3A_1217 = arith.addi %add3A_1216, %mul3A_1215 : i32
      %add3A_1218 = arith.constant 32 : i32
      %add3A_1219 = arith.addi %add3A_1217, %add3A_1218 : i32
      %get3A_1220 = arith.index_cast %add3A_1219 : i32 to index
      %get3A_1221 = tpu.vector_load %arg7[%get3A_1220] {strides = array<i32>} : memref<98304xf32, #tpu.memory_space<vmem>>, vector<16xf32>,
      %mul3A_1222 = arith.constant 128 : i32
      %mul3A_1223 = arith.muli %scan3A_1195, %mul3A_1222 : i32
      %add3A_1224 = arith.constant 32768 : i32
      %add3A_1225 = arith.addi %add3A_1224, %mul3A_1223 : i32
      %add3A_1226 = arith.constant 48 : i32
      %add3A_1227 = arith.addi %add3A_1225, %add3A_1226 : i32
      %get3A_1228 = arith.index_cast %add3A_1227 : i32 to index
      %get3A_1229 = tpu.vector_load %arg7[%get3A_1228] {strides = array<i32>} : memref<98304xf32, #tpu.memory_space<vmem>>, vector<16xf32>,
      %mul3A_1230 = arith.constant 128 : i32
      %mul3A_1231 = arith.muli %scan3A_1195, %mul3A_1230 : i32
      %add3A_1232 = arith.constant 32768 : i32
      %add3A_1233 = arith.addi %add3A_1232, %mul3A_1231 : i32
      %add3A_1234 = arith.constant 64 : i32
      %add3A_1235 = arith.addi %add3A_1233, %add3A_1234 : i32
      %get3A_1236 = arith.index_cast %add3A_1235 : i32 to index
      %get3A_1237 = tpu.vector_load %arg7[%get3A_1236] {strides = array<i32>} : memref<98304xf32, #tpu.memory_space<vmem>>, vector<16xf32>,
      %mul3A_1238 = arith.constant 128 : i32
      %mul3A_1239 = arith.muli %scan3A_1195, %mul3A_1238 : i32
      %add3A_1240 = arith.constant 32768 : i32
      %add3A_1241 = arith.addi %add3A_1240, %mul3A_1239 : i32
      %add3A_1242 = arith.constant 80 : i32
      %add3A_1243 = arith.addi %add3A_1241, %add3A_1242 : i32
      %get3A_1244 = arith.index_cast %add3A_1243 : i32 to index
      %get3A_1245 = tpu.vector_load %arg7[%get3A_1244] {strides = array<i32>} : memref<98304xf32, #tpu.memory_space<vmem>>, vector<16xf32>,
      %mul3A_1246 = arith.constant 128 : i32
      %mul3A_1247 = arith.muli %scan3A_1195, %mul3A_1246 : i32
      %add3A_1248 = arith.constant 32768 : i32
      %add3A_1249 = arith.addi %add3A_1248, %mul3A_1247 : i32
      %add3A_1250 = arith.constant 96 : i32
      %add3A_1251 = arith.addi %add3A_1249, %add3A_1250 : i32
      %get3A_1252 = arith.index_cast %add3A_1251 : i32 to index
      %get3A_1253 = tpu.vector_load %arg7[%get3A_1252] {strides = array<i32>} : memref<98304xf32, #tpu.memory_space<vmem>>, vector<16xf32>,
      %mul3A_1254 = arith.constant 128 : i32
      %mul3A_1255 = arith.muli %scan3A_1195, %mul3A_1254 : i32
      %add3A_1256 = arith.constant 32768 : i32
      %add3A_1257 = arith.addi %add3A_1256, %mul3A_1255 : i32
      %add3A_1258 = arith.constant 112 : i32
      %add3A_1259 = arith.addi %add3A_1257, %add3A_1258 : i32
      %get3A_1260 = arith.index_cast %add3A_1259 : i32 to index
      %get3A_1261 = tpu.vector_load %arg7[%get3A_1260] {strides = array<i32>} : memref<98304xf32, #tpu.memory_space<vmem>>, vector<16xf32>,
      %max3A_1262 = arith.maximumf %get3A_1205, %get3A_1213 : vector<16xf32>
      %max3A_1263 = arith.maximumf %get3A_1221, %get3A_1229 : vector<16xf32>
      %max3A_1264 = arith.maximumf %get3A_1237, %get3A_1245 : vector<16xf32>
      %max3A_1265 = arith.maximumf %get3A_1253, %get3A_1261 : vector<16xf32>
      %max3A_1266 = arith.maximumf %max3A_1262, %max3A_1263 : vector<16xf32>
      %max3A_1267 = arith.maximumf %max3A_1264, %max3A_1265 : vector<16xf32>
      %max3A_1268 = arith.maximumf %max3A_1266, %max3A_1267 : vector<16xf32>
      %gt3A = arith.cmpf ogt, %max3A_1268, %scan3A_1196 : vector<16xf32>
      %select_n3A_1269 = arith.select %gt3A, %max3A_1268, %scan3A_1196 : vector<16xi1>, vector<16xf32>
      %add3A_1270 = arith.constant 0 : i32
      %add3A_1271 = arith.addi %scan3A_1195, %add3A_1270 : i32
      %broadcast_in_dim3A_1272 = vector.broadcast %add3A_1271 : i32 to vector<16xi32>
      %select_n3A_1273 = arith.select %gt3A, %broadcast_in_dim3A_1272, %scan3A_1197 : vector<16xi1>, vector<16xi32>
      scf.yield %select_n3A_1269, %select_n3A_1273 : vector<16xf32>, vector<16xi32>
    }
    %scan3A_348 = arith.constant 128 : i32
    %dma_wait3A_349 = arith.constant 49152 : i32
    %dma_wait3A_350 = tpu.memref_slice %arg7[%dma_wait3A_349] : memref<98304xf32, #tpu.memory_space<vmem>> -> memref<16384xf32, #tpu.memory_space<vmem>>
    %dma_wait3A_351 = arith.constant 16384 : i32
    %dma_wait3A_352 = tpu.memref_slice %arg2[%add3A_51, %dma_wait3A_351] : memref<128x32768xf32, #tpu.memory_space<hbm>> -> memref<1x16384xf32, #tpu.memory_space<hbm>>
    %dma_wait3A_353 = tpu.memref_squeeze %dma_wait3A_352 : memref<1x16384xf32, #tpu.memory_space<hbm>> -> memref<16384xf32, #tpu.memory_space<hbm>>
    %dma_wait3A_354 = arith.constant 49152 : i32
    %dma_wait3A_355 = tpu.memref_slice %arg7[%dma_wait3A_354] : memref<98304xf32, #tpu.memory_space<vmem>> -> memref<16384xf32, #tpu.memory_space<vmem>>
    %dma_wait3A_356 = arith.constant 16384 : i32
    %dma_wait3A_357 = tpu.memref_slice %arg2[%add3A_51, %dma_wait3A_356] : memref<128x32768xf32, #tpu.memory_space<hbm>> -> memref<1x16384xf32, #tpu.memory_space<hbm>>
    %dma_wait3A_358 = tpu.memref_squeeze %dma_wait3A_357 : memref<1x16384xf32, #tpu.memory_space<hbm>> -> memref<16384xf32, #tpu.memory_space<hbm>>
    tpu.wait_dma2 semaphore(%arg12 : memref<!tpu.dma_semaphore, #tpu.memory_space<semaphore_mem>>) src(%dma_wait3A_358 : memref<16384xf32, #tpu.memory_space<hbm>>) dst(%dma_wait3A_355 : memref<16384xf32, #tpu.memory_space<vmem>>)
    %add3A_359 = arith.constant 3 : i32
    %add3A_360 = arith.addi %mul3A_2, %add3A_359 : i32
    %dma_start3A_361 = arith.constant 0 : i32
    %dma_start3A_362 = tpu.memref_slice %arg7[%dma_start3A_361] : memref<98304xf32, #tpu.memory_space<vmem>> -> memref<16384xf32, #tpu.memory_space<vmem>>
    %dma_start3A_363 = arith.constant 0 : i32
    %dma_start3A_364 = tpu.memref_slice %arg2[%add3A_360, %dma_start3A_363] : memref<128x32768xf32, #tpu.memory_space<hbm>> -> memref<1x16384xf32, #tpu.memory_space<hbm>>
    %dma_start3A_365 = tpu.memref_squeeze %dma_start3A_364 : memref<1x16384xf32, #tpu.memory_space<hbm>> -> memref<16384xf32, #tpu.memory_space<hbm>>
    %dma_start3A_366 = arith.constant 0 : i32
    %dma_start3A_367 = tpu.memref_slice %arg7[%dma_start3A_366] : memref<98304xf32, #tpu.memory_space<vmem>> -> memref<16384xf32, #tpu.memory_space<vmem>>
    %dma_start3A_368 = arith.constant 0 : i32
    %dma_start3A_369 = tpu.memref_slice %arg2[%add3A_360, %dma_start3A_368] : memref<128x32768xf32, #tpu.memory_space<hbm>> -> memref<1x16384xf32, #tpu.memory_space<hbm>>
    %dma_start3A_370 = tpu.memref_squeeze %dma_start3A_369 : memref<1x16384xf32, #tpu.memory_space<hbm>> -> memref<16384xf32, #tpu.memory_space<hbm>>
    tpu.enqueue_dma source(%dma_start3A_370 : memref<16384xf32, #tpu.memory_space<hbm>>) target(%dma_start3A_367 : memref<16384xf32, #tpu.memory_space<vmem>>) target_semaphore(%arg12 : memref<!tpu.dma_semaphore, #tpu.memory_space<semaphore_mem>>)
    %scan3A_371 = arith.constant 0 : i32
    %scan3A_372 = arith.constant 128 : i32
    %scan3A_373 = arith.addi %scan3A_371, %scan3A_372 : i32
    %scan3A_374 = arith.constant 1 : i32
    %scan3A_375:2 = scf.for %scan3A_1195 = %scan3A_371 to %scan3A_373 step %scan3A_374 iter_args(%scan3A_1196 = %scan3A_347#0, %scan3A_1197 = %scan3A_347#1) -> (vector<16xf32>, vector<16xi32>)  : i32 {
      %mul3A_1198 = arith.constant 128 : i32
      %mul3A_1199 = arith.muli %scan3A_1195, %mul3A_1198 : i32
      %add3A_1200 = arith.constant 49152 : i32
      %add3A_1201 = arith.addi %add3A_1200, %mul3A_1199 : i32
      %add3A_1202 = arith.constant 0 : i32
      %add3A_1203 = arith.addi %add3A_1201, %add3A_1202 : i32
      %get3A_1204 = arith.index_cast %add3A_1203 : i32 to index
      %get3A_1205 = tpu.vector_load %arg7[%get3A_1204] {strides = array<i32>} : memref<98304xf32, #tpu.memory_space<vmem>>, vector<16xf32>,
      %mul3A_1206 = arith.constant 128 : i32
      %mul3A_1207 = arith.muli %scan3A_1195, %mul3A_1206 : i32
      %add3A_1208 = arith.constant 49152 : i32
      %add3A_1209 = arith.addi %add3A_1208, %mul3A_1207 : i32
      %add3A_1210 = arith.constant 16 : i32
      %add3A_1211 = arith.addi %add3A_1209, %add3A_1210 : i32
      %get3A_1212 = arith.index_cast %add3A_1211 : i32 to index
      %get3A_1213 = tpu.vector_load %arg7[%get3A_1212] {strides = array<i32>} : memref<98304xf32, #tpu.memory_space<vmem>>, vector<16xf32>,
      %mul3A_1214 = arith.constant 128 : i32
      %mul3A_1215 = arith.muli %scan3A_1195, %mul3A_1214 : i32
      %add3A_1216 = arith.constant 49152 : i32
      %add3A_1217 = arith.addi %add3A_1216, %mul3A_1215 : i32
      %add3A_1218 = arith.constant 32 : i32
      %add3A_1219 = arith.addi %add3A_1217, %add3A_1218 : i32
      %get3A_1220 = arith.index_cast %add3A_1219 : i32 to index
      %get3A_1221 = tpu.vector_load %arg7[%get3A_1220] {strides = array<i32>} : memref<98304xf32, #tpu.memory_space<vmem>>, vector<16xf32>,
      %mul3A_1222 = arith.constant 128 : i32
      %mul3A_1223 = arith.muli %scan3A_1195, %mul3A_1222 : i32
      %add3A_1224 = arith.constant 49152 : i32
      %add3A_1225 = arith.addi %add3A_1224, %mul3A_1223 : i32
      %add3A_1226 = arith.constant 48 : i32
      %add3A_1227 = arith.addi %add3A_1225, %add3A_1226 : i32
      %get3A_1228 = arith.index_cast %add3A_1227 : i32 to index
      %get3A_1229 = tpu.vector_load %arg7[%get3A_1228] {strides = array<i32>} : memref<98304xf32, #tpu.memory_space<vmem>>, vector<16xf32>,
      %mul3A_1230 = arith.constant 128 : i32
      %mul3A_1231 = arith.muli %scan3A_1195, %mul3A_1230 : i32
      %add3A_1232 = arith.constant 49152 : i32
      %add3A_1233 = arith.addi %add3A_1232, %mul3A_1231 : i32
      %add3A_1234 = arith.constant 64 : i32
      %add3A_1235 = arith.addi %add3A_1233, %add3A_1234 : i32
      %get3A_1236 = arith.index_cast %add3A_1235 : i32 to index
      %get3A_1237 = tpu.vector_load %arg7[%get3A_1236] {strides = array<i32>} : memref<98304xf32, #tpu.memory_space<vmem>>, vector<16xf32>,
      %mul3A_1238 = arith.constant 128 : i32
      %mul3A_1239 = arith.muli %scan3A_1195, %mul3A_1238 : i32
      %add3A_1240 = arith.constant 49152 : i32
      %add3A_1241 = arith.addi %add3A_1240, %mul3A_1239 : i32
      %add3A_1242 = arith.constant 80 : i32
      %add3A_1243 = arith.addi %add3A_1241, %add3A_1242 : i32
      %get3A_1244 = arith.index_cast %add3A_1243 : i32 to index
      %get3A_1245 = tpu.vector_load %arg7[%get3A_1244] {strides = array<i32>} : memref<98304xf32, #tpu.memory_space<vmem>>, vector<16xf32>,
      %mul3A_1246 = arith.constant 128 : i32
      %mul3A_1247 = arith.muli %scan3A_1195, %mul3A_1246 : i32
      %add3A_1248 = arith.constant 49152 : i32
      %add3A_1249 = arith.addi %add3A_1248, %mul3A_1247 : i32
      %add3A_1250 = arith.constant 96 : i32
      %add3A_1251 = arith.addi %add3A_1249, %add3A_1250 : i32
      %get3A_1252 = arith.index_cast %add3A_1251 : i32 to index
      %get3A_1253 = tpu.vector_load %arg7[%get3A_1252] {strides = array<i32>} : memref<98304xf32, #tpu.memory_space<vmem>>, vector<16xf32>,
      %mul3A_1254 = arith.constant 128 : i32
      %mul3A_1255 = arith.muli %scan3A_1195, %mul3A_1254 : i32
      %add3A_1256 = arith.constant 49152 : i32
      %add3A_1257 = arith.addi %add3A_1256, %mul3A_1255 : i32
      %add3A_1258 = arith.constant 112 : i32
      %add3A_1259 = arith.addi %add3A_1257, %add3A_1258 : i32
      %get3A_1260 = arith.index_cast %add3A_1259 : i32 to index
      %get3A_1261 = tpu.vector_load %arg7[%get3A_1260] {strides = array<i32>} : memref<98304xf32, #tpu.memory_space<vmem>>, vector<16xf32>,
      %max3A_1262 = arith.maximumf %get3A_1205, %get3A_1213 : vector<16xf32>
      %max3A_1263 = arith.maximumf %get3A_1221, %get3A_1229 : vector<16xf32>
      %max3A_1264 = arith.maximumf %get3A_1237, %get3A_1245 : vector<16xf32>
      %max3A_1265 = arith.maximumf %get3A_1253, %get3A_1261 : vector<16xf32>
      %max3A_1266 = arith.maximumf %max3A_1262, %max3A_1263 : vector<16xf32>
      %max3A_1267 = arith.maximumf %max3A_1264, %max3A_1265 : vector<16xf32>
      %max3A_1268 = arith.maximumf %max3A_1266, %max3A_1267 : vector<16xf32>
      %gt3A = arith.cmpf ogt, %max3A_1268, %scan3A_1196 : vector<16xf32>
      %select_n3A_1269 = arith.select %gt3A, %max3A_1268, %scan3A_1196 : vector<16xi1>, vector<16xf32>
      %add3A_1270 = arith.constant 128 : i32
      %add3A_1271 = arith.addi %scan3A_1195, %add3A_1270 : i32
      %broadcast_in_dim3A_1272 = vector.broadcast %add3A_1271 : i32 to vector<16xi32>
      %select_n3A_1273 = arith.select %gt3A, %broadcast_in_dim3A_1272, %scan3A_1197 : vector<16xi1>, vector<16xi32>
      scf.yield %select_n3A_1269, %select_n3A_1273 : vector<16xf32>, vector<16xi32>
    }
    %scan3A_376 = arith.constant 128 : i32
    %xor3A_377 = arith.constant 8 : i32
    %xor3A_378 = vector.broadcast %xor3A_377 : i32 to vector<16xi32>
    %xor3A_379 = arith.xori %iota3A, %xor3A_378 : vector<16xi32>
    %broadcast_in_dim3A_380 = vector.shape_cast %xor3A_379 : vector<16xi32> to vector<16x1xi32>
    %gather3A_381 = vector.shape_cast %broadcast_in_dim3A_380 : vector<16x1xi32> to vector<16xi32>
    %gather3A_382 = tpu.dynamic_gather %scan3A_375#0[%gather3A_381] in [0] : vector<16xf32>, vector<16xi32> -> vector<16xf32>
    %max3A_383 = arith.maximumf %scan3A_375#0, %gather3A_382 : vector<16xf32>
    %xor3A_384 = arith.constant 4 : i32
    %xor3A_385 = vector.broadcast %xor3A_384 : i32 to vector<16xi32>
    %xor3A_386 = arith.xori %iota3A, %xor3A_385 : vector<16xi32>
    %broadcast_in_dim3A_387 = vector.shape_cast %xor3A_386 : vector<16xi32> to vector<16x1xi32>
    %gather3A_388 = vector.shape_cast %broadcast_in_dim3A_387 : vector<16x1xi32> to vector<16xi32>
    %gather3A_389 = tpu.dynamic_gather %max3A_383[%gather3A_388] in [0] : vector<16xf32>, vector<16xi32> -> vector<16xf32>
    %max3A_390 = arith.maximumf %max3A_383, %gather3A_389 : vector<16xf32>
    %xor3A_391 = arith.constant 2 : i32
    %xor3A_392 = vector.broadcast %xor3A_391 : i32 to vector<16xi32>
    %xor3A_393 = arith.xori %iota3A, %xor3A_392 : vector<16xi32>
    %broadcast_in_dim3A_394 = vector.shape_cast %xor3A_393 : vector<16xi32> to vector<16x1xi32>
    %gather3A_395 = vector.shape_cast %broadcast_in_dim3A_394 : vector<16x1xi32> to vector<16xi32>
    %gather3A_396 = tpu.dynamic_gather %max3A_390[%gather3A_395] in [0] : vector<16xf32>, vector<16xi32> -> vector<16xf32>
    %max3A_397 = arith.maximumf %max3A_390, %gather3A_396 : vector<16xf32>
    %xor3A_398 = arith.constant 1 : i32
    %xor3A_399 = vector.broadcast %xor3A_398 : i32 to vector<16xi32>
    %xor3A_400 = arith.xori %iota3A, %xor3A_399 : vector<16xi32>
    %broadcast_in_dim3A_401 = vector.shape_cast %xor3A_400 : vector<16xi32> to vector<16x1xi32>
    %gather3A_402 = vector.shape_cast %broadcast_in_dim3A_401 : vector<16x1xi32> to vector<16xi32>
    %gather3A_403 = tpu.dynamic_gather %max3A_397[%gather3A_402] in [0] : vector<16xf32>, vector<16xi32> -> vector<16xf32>
    %max3A_404 = arith.maximumf %max3A_397, %gather3A_403 : vector<16xf32>
    %eq3A_405 = arith.cmpf oeq, %scan3A_375#0, %max3A_404 : vector<16xf32>
    %jit3A_406 = arith.constant 2147483647 : i32
    %broadcast_in_dim3A_407 = vector.broadcast %jit3A_406 : i32 to vector<16xi32>
    %select_n3A_408 = arith.select %eq3A_405, %scan3A_375#1, %broadcast_in_dim3A_407 : vector<16xi1>, vector<16xi32>
    %xor3A_409 = arith.constant 8 : i32
    %xor3A_410 = vector.broadcast %xor3A_409 : i32 to vector<16xi32>
    %xor3A_411 = arith.xori %iota3A, %xor3A_410 : vector<16xi32>
    %broadcast_in_dim3A_412 = vector.shape_cast %xor3A_411 : vector<16xi32> to vector<16x1xi32>
    %gather3A_413 = vector.shape_cast %broadcast_in_dim3A_412 : vector<16x1xi32> to vector<16xi32>
    %gather3A_414 = tpu.dynamic_gather %select_n3A_408[%gather3A_413] in [0] : vector<16xi32>, vector<16xi32> -> vector<16xi32>
    %min3A_415 = arith.minsi %select_n3A_408, %gather3A_414 : vector<16xi32>
    %xor3A_416 = arith.constant 4 : i32
    %xor3A_417 = vector.broadcast %xor3A_416 : i32 to vector<16xi32>
    %xor3A_418 = arith.xori %iota3A, %xor3A_417 : vector<16xi32>
    %broadcast_in_dim3A_419 = vector.shape_cast %xor3A_418 : vector<16xi32> to vector<16x1xi32>
    %gather3A_420 = vector.shape_cast %broadcast_in_dim3A_419 : vector<16x1xi32> to vector<16xi32>
    %gather3A_421 = tpu.dynamic_gather %min3A_415[%gather3A_420] in [0] : vector<16xi32>, vector<16xi32> -> vector<16xi32>
    %min3A_422 = arith.minsi %min3A_415, %gather3A_421 : vector<16xi32>
    %xor3A_423 = arith.constant 2 : i32
    %xor3A_424 = vector.broadcast %xor3A_423 : i32 to vector<16xi32>
    %xor3A_425 = arith.xori %iota3A, %xor3A_424 : vector<16xi32>
    %broadcast_in_dim3A_426 = vector.shape_cast %xor3A_425 : vector<16xi32> to vector<16x1xi32>
    %gather3A_427 = vector.shape_cast %broadcast_in_dim3A_426 : vector<16x1xi32> to vector<16xi32>
    %gather3A_428 = tpu.dynamic_gather %min3A_422[%gather3A_427] in [0] : vector<16xi32>, vector<16xi32> -> vector<16xi32>
    %min3A_429 = arith.minsi %min3A_422, %gather3A_428 : vector<16xi32>
    %xor3A_430 = arith.constant 1 : i32
    %xor3A_431 = vector.broadcast %xor3A_430 : i32 to vector<16xi32>
    %xor3A_432 = arith.xori %iota3A, %xor3A_431 : vector<16xi32>
    %broadcast_in_dim3A_433 = vector.shape_cast %xor3A_432 : vector<16xi32> to vector<16x1xi32>
    %gather3A_434 = vector.shape_cast %broadcast_in_dim3A_433 : vector<16x1xi32> to vector<16xi32>
    %gather3A_435 = tpu.dynamic_gather %min3A_429[%gather3A_434] in [0] : vector<16xi32>, vector<16xi32> -> vector<16xi32>
    %min3A_436 = arith.minsi %min3A_429, %gather3A_435 : vector<16xi32>
    %slice3A_437 = vector.extract_strided_slice %min3A_436 {offsets = [0], sizes = [1], strides = [1]} : vector<16xi32> to vector<1xi32>
    %squeeze3A_438 = vector.extract %slice3A_437[0] : i32 from vector<1xi32>
    %jit3A_439 = arith.constant 128 : i32
    %div3A_440 = arith.divsi %squeeze3A_438, %jit3A_439 : i32
    %sign3A_441 = arith.constant 0 : i32
    %sign3A_442 = arith.cmpi sgt, %squeeze3A_438, %sign3A_441 : i32
    %sign3A_443 = arith.extui %sign3A_442 : i1 to i32
    %sign3A_444 = arith.constant 0 : i32
    %sign3A_445 = arith.cmpi slt, %squeeze3A_438, %sign3A_444 : i32
    %sign3A_446 = arith.extui %sign3A_445 : i1 to i32
    %sign3A_447 = arith.subi %sign3A_443, %sign3A_446 : i32
    %sign3A_448 = arith.constant 0 : i32
    %sign3A_449 = arith.cmpi sgt, %jit3A_439, %sign3A_448 : i32
    %sign3A_450 = arith.extui %sign3A_449 : i1 to i32
    %sign3A_451 = arith.constant 0 : i32
    %sign3A_452 = arith.cmpi slt, %jit3A_439, %sign3A_451 : i32
    %sign3A_453 = arith.extui %sign3A_452 : i1 to i32
    %sign3A_454 = arith.subi %sign3A_450, %sign3A_453 : i32
    %ne3A_455 = arith.cmpi ne, %sign3A_447, %sign3A_454 : i32
    %rem3A_456 = arith.remsi %squeeze3A_438, %jit3A_439 : i32
    %ne3A_457 = arith.constant 0 : i32
    %ne3A_458 = arith.cmpi ne, %rem3A_456, %ne3A_457 : i32
    %and3A_459 = arith.andi %ne3A_455, %ne3A_458 : i1
    %sub3A_460 = arith.constant 1 : i32
    %sub3A_461 = arith.subi %div3A_440, %sub3A_460 : i32
    %select_n3A_462 = arith.select %and3A_459, %sub3A_461, %div3A_440 : i32
    %add3A_463 = arith.constant 2 : i32
    %add3A_464 = arith.addi %add3A_463, %select_n3A_462 : i32
    %mul3A_465 = arith.constant 16384 : i32
    %mul3A_466 = arith.muli %add3A_464, %mul3A_465 : i32
    %jit3A_467 = arith.constant 128 : i32
    %eq3A_468 = arith.constant 0 : i32
    %eq3A_469 = arith.cmpi eq, %jit3A_467, %eq3A_468 : i32
    %jit3A_470 = arith.constant 1 : i32
    %select_n3A_471 = arith.select %eq3A_469, %jit3A_470, %jit3A_467 : i32
    %rem3A_472 = arith.remsi %squeeze3A_438, %select_n3A_471 : i32
    %ne3A_473 = arith.constant 0 : i32
    %ne3A_474 = arith.cmpi ne, %rem3A_472, %ne3A_473 : i32
    %lt3A_475 = arith.constant 0 : i32
    %lt3A_476 = arith.cmpi slt, %rem3A_472, %lt3A_475 : i32
    %lt3A_477 = arith.constant 0 : i32
    %lt3A_478 = arith.cmpi slt, %select_n3A_471, %lt3A_477 : i32
    %ne3A_479 = arith.xori %lt3A_476, %lt3A_478 : i1
    %and3A_480 = arith.andi %ne3A_479, %ne3A_474 : i1
    %add3A_481 = arith.addi %rem3A_472, %select_n3A_471 : i32
    %select_n3A_482 = arith.select %and3A_480, %add3A_481, %rem3A_472 : i32
    %mul3A_483 = arith.constant 128 : i32
    %mul3A_484 = arith.muli %select_n3A_482, %mul3A_483 : i32
    %add3A_485 = arith.addi %mul3A_466, %mul3A_484 : i32
    %mul3A_486 = arith.constant 128 : i32
    %mul3A_487 = arith.muli %squeeze3A_438, %mul3A_486 : i32
    %broadcast_in_dim3A_488 = vector.broadcast %mul3A_487 : i32 to vector<16xi32>
    %add3A_489 = arith.addi %broadcast_in_dim3A_488, %iota3A : vector<16xi32>
    %broadcast_in_dim3A_490 = arith.constant 2147483647 : i32
    %broadcast_in_dim3A_491 = vector.broadcast %broadcast_in_dim3A_490 : i32 to vector<16xi32>
    %add3A_492 = arith.constant 0 : i32
    %add3A_493 = arith.addi %add3A_485, %add3A_492 : i32
    %get3A_494 = arith.index_cast %add3A_493 : i32 to index
    %get3A_495 = tpu.vector_load %arg7[%get3A_494] {strides = array<i32>} : memref<98304xf32, #tpu.memory_space<vmem>>, vector<16xf32>,
    %eq3A_496 = arith.cmpf oeq, %get3A_495, %max3A_404 : vector<16xf32>
    %add3A_497 = arith.constant 0 : i32
    %add3A_498 = vector.broadcast %add3A_497 : i32 to vector<16xi32>
    %add3A_499 = arith.addi %add3A_489, %add3A_498 : vector<16xi32>
    %jit3A_500 = arith.constant 2147483647 : i32
    %broadcast_in_dim3A_501 = vector.broadcast %jit3A_500 : i32 to vector<16xi32>
    %select_n3A_502 = arith.select %eq3A_496, %add3A_499, %broadcast_in_dim3A_501 : vector<16xi1>, vector<16xi32>
    %min3A_503 = arith.minsi %broadcast_in_dim3A_491, %select_n3A_502 : vector<16xi32>
    %add3A_504 = arith.constant 16 : i32
    %add3A_505 = arith.addi %add3A_485, %add3A_504 : i32
    %get3A_506 = arith.index_cast %add3A_505 : i32 to index
    %get3A_507 = tpu.vector_load %arg7[%get3A_506] {strides = array<i32>} : memref<98304xf32, #tpu.memory_space<vmem>>, vector<16xf32>,
    %eq3A_508 = arith.cmpf oeq, %get3A_507, %max3A_404 : vector<16xf32>
    %add3A_509 = arith.constant 16 : i32
    %add3A_510 = vector.broadcast %add3A_509 : i32 to vector<16xi32>
    %add3A_511 = arith.addi %add3A_489, %add3A_510 : vector<16xi32>
    %jit3A_512 = arith.constant 2147483647 : i32
    %broadcast_in_dim3A_513 = vector.broadcast %jit3A_512 : i32 to vector<16xi32>
    %select_n3A_514 = arith.select %eq3A_508, %add3A_511, %broadcast_in_dim3A_513 : vector<16xi1>, vector<16xi32>
    %min3A_515 = arith.minsi %min3A_503, %select_n3A_514 : vector<16xi32>
    %add3A_516 = arith.constant 32 : i32
    %add3A_517 = arith.addi %add3A_485, %add3A_516 : i32
    %get3A_518 = arith.index_cast %add3A_517 : i32 to index
    %get3A_519 = tpu.vector_load %arg7[%get3A_518] {strides = array<i32>} : memref<98304xf32, #tpu.memory_space<vmem>>, vector<16xf32>,
    %eq3A_520 = arith.cmpf oeq, %get3A_519, %max3A_404 : vector<16xf32>
    %add3A_521 = arith.constant 32 : i32
    %add3A_522 = vector.broadcast %add3A_521 : i32 to vector<16xi32>
    %add3A_523 = arith.addi %add3A_489, %add3A_522 : vector<16xi32>
    %jit3A_524 = arith.constant 2147483647 : i32
    %broadcast_in_dim3A_525 = vector.broadcast %jit3A_524 : i32 to vector<16xi32>
    %select_n3A_526 = arith.select %eq3A_520, %add3A_523, %broadcast_in_dim3A_525 : vector<16xi1>, vector<16xi32>
    %min3A_527 = arith.minsi %min3A_515, %select_n3A_526 : vector<16xi32>
    %add3A_528 = arith.constant 48 : i32
    %add3A_529 = arith.addi %add3A_485, %add3A_528 : i32
    %get3A_530 = arith.index_cast %add3A_529 : i32 to index
    %get3A_531 = tpu.vector_load %arg7[%get3A_530] {strides = array<i32>} : memref<98304xf32, #tpu.memory_space<vmem>>, vector<16xf32>,
    %eq3A_532 = arith.cmpf oeq, %get3A_531, %max3A_404 : vector<16xf32>
    %add3A_533 = arith.constant 48 : i32
    %add3A_534 = vector.broadcast %add3A_533 : i32 to vector<16xi32>
    %add3A_535 = arith.addi %add3A_489, %add3A_534 : vector<16xi32>
    %jit3A_536 = arith.constant 2147483647 : i32
    %broadcast_in_dim3A_537 = vector.broadcast %jit3A_536 : i32 to vector<16xi32>
    %select_n3A_538 = arith.select %eq3A_532, %add3A_535, %broadcast_in_dim3A_537 : vector<16xi1>, vector<16xi32>
    %min3A_539 = arith.minsi %min3A_527, %select_n3A_538 : vector<16xi32>
    %add3A_540 = arith.constant 64 : i32
    %add3A_541 = arith.addi %add3A_485, %add3A_540 : i32
    %get3A_542 = arith.index_cast %add3A_541 : i32 to index
    %get3A_543 = tpu.vector_load %arg7[%get3A_542] {strides = array<i32>} : memref<98304xf32, #tpu.memory_space<vmem>>, vector<16xf32>,
    %eq3A_544 = arith.cmpf oeq, %get3A_543, %max3A_404 : vector<16xf32>
    %add3A_545 = arith.constant 64 : i32
    %add3A_546 = vector.broadcast %add3A_545 : i32 to vector<16xi32>
    %add3A_547 = arith.addi %add3A_489, %add3A_546 : vector<16xi32>
    %jit3A_548 = arith.constant 2147483647 : i32
    %broadcast_in_dim3A_549 = vector.broadcast %jit3A_548 : i32 to vector<16xi32>
    %select_n3A_550 = arith.select %eq3A_544, %add3A_547, %broadcast_in_dim3A_549 : vector<16xi1>, vector<16xi32>
    %min3A_551 = arith.minsi %min3A_539, %select_n3A_550 : vector<16xi32>
    %add3A_552 = arith.constant 80 : i32
    %add3A_553 = arith.addi %add3A_485, %add3A_552 : i32
    %get3A_554 = arith.index_cast %add3A_553 : i32 to index
    %get3A_555 = tpu.vector_load %arg7[%get3A_554] {strides = array<i32>} : memref<98304xf32, #tpu.memory_space<vmem>>, vector<16xf32>,
    %eq3A_556 = arith.cmpf oeq, %get3A_555, %max3A_404 : vector<16xf32>
    %add3A_557 = arith.constant 80 : i32
    %add3A_558 = vector.broadcast %add3A_557 : i32 to vector<16xi32>
    %add3A_559 = arith.addi %add3A_489, %add3A_558 : vector<16xi32>
    %jit3A_560 = arith.constant 2147483647 : i32
    %broadcast_in_dim3A_561 = vector.broadcast %jit3A_560 : i32 to vector<16xi32>
    %select_n3A_562 = arith.select %eq3A_556, %add3A_559, %broadcast_in_dim3A_561 : vector<16xi1>, vector<16xi32>
    %min3A_563 = arith.minsi %min3A_551, %select_n3A_562 : vector<16xi32>
    %add3A_564 = arith.constant 96 : i32
    %add3A_565 = arith.addi %add3A_485, %add3A_564 : i32
    %get3A_566 = arith.index_cast %add3A_565 : i32 to index
    %get3A_567 = tpu.vector_load %arg7[%get3A_566] {strides = array<i32>} : memref<98304xf32, #tpu.memory_space<vmem>>, vector<16xf32>,
    %eq3A_568 = arith.cmpf oeq, %get3A_567, %max3A_404 : vector<16xf32>
    %add3A_569 = arith.constant 96 : i32
    %add3A_570 = vector.broadcast %add3A_569 : i32 to vector<16xi32>
    %add3A_571 = arith.addi %add3A_489, %add3A_570 : vector<16xi32>
    %jit3A_572 = arith.constant 2147483647 : i32
    %broadcast_in_dim3A_573 = vector.broadcast %jit3A_572 : i32 to vector<16xi32>
    %select_n3A_574 = arith.select %eq3A_568, %add3A_571, %broadcast_in_dim3A_573 : vector<16xi1>, vector<16xi32>
    %min3A_575 = arith.minsi %min3A_563, %select_n3A_574 : vector<16xi32>
    %add3A_576 = arith.constant 112 : i32
    %add3A_577 = arith.addi %add3A_485, %add3A_576 : i32
    %get3A_578 = arith.index_cast %add3A_577 : i32 to index
    %get3A_579 = tpu.vector_load %arg7[%get3A_578] {strides = array<i32>} : memref<98304xf32, #tpu.memory_space<vmem>>, vector<16xf32>,
    %eq3A_580 = arith.cmpf oeq, %get3A_579, %max3A_404 : vector<16xf32>
    %add3A_581 = arith.constant 112 : i32
    %add3A_582 = vector.broadcast %add3A_581 : i32 to vector<16xi32>
    %add3A_583 = arith.addi %add3A_489, %add3A_582 : vector<16xi32>
    %jit3A_584 = arith.constant 2147483647 : i32
    %broadcast_in_dim3A_585 = vector.broadcast %jit3A_584 : i32 to vector<16xi32>
    %select_n3A_586 = arith.select %eq3A_580, %add3A_583, %broadcast_in_dim3A_585 : vector<16xi1>, vector<16xi32>
    %min3A_587 = arith.minsi %min3A_575, %select_n3A_586 : vector<16xi32>
    %xor3A_588 = arith.constant 8 : i32
    %xor3A_589 = vector.broadcast %xor3A_588 : i32 to vector<16xi32>
    %xor3A_590 = arith.xori %iota3A, %xor3A_589 : vector<16xi32>
    %broadcast_in_dim3A_591 = vector.shape_cast %xor3A_590 : vector<16xi32> to vector<16x1xi32>
    %gather3A_592 = vector.shape_cast %broadcast_in_dim3A_591 : vector<16x1xi32> to vector<16xi32>
    %gather3A_593 = tpu.dynamic_gather %min3A_587[%gather3A_592] in [0] : vector<16xi32>, vector<16xi32> -> vector<16xi32>
    %min3A_594 = arith.minsi %min3A_587, %gather3A_593 : vector<16xi32>
    %xor3A_595 = arith.constant 4 : i32
    %xor3A_596 = vector.broadcast %xor3A_595 : i32 to vector<16xi32>
    %xor3A_597 = arith.xori %iota3A, %xor3A_596 : vector<16xi32>
    %broadcast_in_dim3A_598 = vector.shape_cast %xor3A_597 : vector<16xi32> to vector<16x1xi32>
    %gather3A_599 = vector.shape_cast %broadcast_in_dim3A_598 : vector<16x1xi32> to vector<16xi32>
    %gather3A_600 = tpu.dynamic_gather %min3A_594[%gather3A_599] in [0] : vector<16xi32>, vector<16xi32> -> vector<16xi32>
    %min3A_601 = arith.minsi %min3A_594, %gather3A_600 : vector<16xi32>
    %xor3A_602 = arith.constant 2 : i32
    %xor3A_603 = vector.broadcast %xor3A_602 : i32 to vector<16xi32>
    %xor3A_604 = arith.xori %iota3A, %xor3A_603 : vector<16xi32>
    %broadcast_in_dim3A_605 = vector.shape_cast %xor3A_604 : vector<16xi32> to vector<16x1xi32>
    %gather3A_606 = vector.shape_cast %broadcast_in_dim3A_605 : vector<16x1xi32> to vector<16xi32>
    %gather3A_607 = tpu.dynamic_gather %min3A_601[%gather3A_606] in [0] : vector<16xi32>, vector<16xi32> -> vector<16xi32>
    %min3A_608 = arith.minsi %min3A_601, %gather3A_607 : vector<16xi32>
    %xor3A_609 = arith.constant 1 : i32
    %xor3A_610 = vector.broadcast %xor3A_609 : i32 to vector<16xi32>
    %xor3A_611 = arith.xori %iota3A, %xor3A_610 : vector<16xi32>
    %broadcast_in_dim3A_612 = vector.shape_cast %xor3A_611 : vector<16xi32> to vector<16x1xi32>
    %gather3A_613 = vector.shape_cast %broadcast_in_dim3A_612 : vector<16x1xi32> to vector<16xi32>
    %gather3A_614 = tpu.dynamic_gather %min3A_608[%gather3A_613] in [0] : vector<16xi32>, vector<16xi32> -> vector<16xi32>
    %min3A_615 = arith.minsi %min3A_608, %gather3A_614 : vector<16xi32>
    %eq3A_616 = arith.constant 1 : i32
    %eq3A_617 = vector.broadcast %eq3A_616 : i32 to vector<16xi32>
    %eq3A_618 = arith.cmpi eq, %iota3A, %eq3A_617 : vector<16xi32>
    %select_n3A_619 = arith.select %eq3A_618, %min3A_615, %select_n3A_320 : vector<16xi1>, vector<16xi32>
    %dma_wait3A_620 = arith.constant 65536 : i32
    %dma_wait3A_621 = tpu.memref_slice %arg7[%dma_wait3A_620] : memref<98304xf32, #tpu.memory_space<vmem>> -> memref<16384xf32, #tpu.memory_space<vmem>>
    %dma_wait3A_622 = arith.constant 0 : i32
    %dma_wait3A_623 = tpu.memref_slice %arg2[%add3A_78, %dma_wait3A_622] : memref<128x32768xf32, #tpu.memory_space<hbm>> -> memref<1x16384xf32, #tpu.memory_space<hbm>>
    %dma_wait3A_624 = tpu.memref_squeeze %dma_wait3A_623 : memref<1x16384xf32, #tpu.memory_space<hbm>> -> memref<16384xf32, #tpu.memory_space<hbm>>
    %dma_wait3A_625 = arith.constant 65536 : i32
    %dma_wait3A_626 = tpu.memref_slice %arg7[%dma_wait3A_625] : memref<98304xf32, #tpu.memory_space<vmem>> -> memref<16384xf32, #tpu.memory_space<vmem>>
    %dma_wait3A_627 = arith.constant 0 : i32
    %dma_wait3A_628 = tpu.memref_slice %arg2[%add3A_78, %dma_wait3A_627] : memref<128x32768xf32, #tpu.memory_space<hbm>> -> memref<1x16384xf32, #tpu.memory_space<hbm>>
    %dma_wait3A_629 = tpu.memref_squeeze %dma_wait3A_628 : memref<1x16384xf32, #tpu.memory_space<hbm>> -> memref<16384xf32, #tpu.memory_space<hbm>>
    tpu.wait_dma2 semaphore(%arg13 : memref<!tpu.dma_semaphore, #tpu.memory_space<semaphore_mem>>) src(%dma_wait3A_629 : memref<16384xf32, #tpu.memory_space<hbm>>) dst(%dma_wait3A_626 : memref<16384xf32, #tpu.memory_space<vmem>>)
    %add3A_630 = arith.constant 3 : i32
    %add3A_631 = arith.addi %mul3A_2, %add3A_630 : i32
    %dma_start3A_632 = arith.constant 16384 : i32
    %dma_start3A_633 = tpu.memref_slice %arg7[%dma_start3A_632] : memref<98304xf32, #tpu.memory_space<vmem>> -> memref<16384xf32, #tpu.memory_space<vmem>>
    %dma_start3A_634 = arith.constant 16384 : i32
    %dma_start3A_635 = tpu.memref_slice %arg2[%add3A_631, %dma_start3A_634] : memref<128x32768xf32, #tpu.memory_space<hbm>> -> memref<1x16384xf32, #tpu.memory_space<hbm>>
    %dma_start3A_636 = tpu.memref_squeeze %dma_start3A_635 : memref<1x16384xf32, #tpu.memory_space<hbm>> -> memref<16384xf32, #tpu.memory_space<hbm>>
    %dma_start3A_637 = arith.constant 16384 : i32
    %dma_start3A_638 = tpu.memref_slice %arg7[%dma_start3A_637] : memref<98304xf32, #tpu.memory_space<vmem>> -> memref<16384xf32, #tpu.memory_space<vmem>>
    %dma_start3A_639 = arith.constant 16384 : i32
    %dma_start3A_640 = tpu.memref_slice %arg2[%add3A_631, %dma_start3A_639] : memref<128x32768xf32, #tpu.memory_space<hbm>> -> memref<1x16384xf32, #tpu.memory_space<hbm>>
    %dma_start3A_641 = tpu.memref_squeeze %dma_start3A_640 : memref<1x16384xf32, #tpu.memory_space<hbm>> -> memref<16384xf32, #tpu.memory_space<hbm>>
    tpu.enqueue_dma source(%dma_start3A_641 : memref<16384xf32, #tpu.memory_space<hbm>>) target(%dma_start3A_638 : memref<16384xf32, #tpu.memory_space<vmem>>) target_semaphore(%arg13 : memref<!tpu.dma_semaphore, #tpu.memory_space<semaphore_mem>>)
    %scan3A_642 = arith.constant 0 : i32
    %scan3A_643 = arith.constant 128 : i32
    %scan3A_644 = arith.addi %scan3A_642, %scan3A_643 : i32
    %scan3A_645 = arith.constant 1 : i32
    %scan3A_646:2 = scf.for %scan3A_1195 = %scan3A_642 to %scan3A_644 step %scan3A_645 iter_args(%scan3A_1196 = %broadcast_in_dim3A_38, %scan3A_1197 = %broadcast_in_dim3A_40) -> (vector<16xf32>, vector<16xi32>)  : i32 {
      %mul3A_1198 = arith.constant 128 : i32
      %mul3A_1199 = arith.muli %scan3A_1195, %mul3A_1198 : i32
      %add3A_1200 = arith.constant 65536 : i32
      %add3A_1201 = arith.addi %add3A_1200, %mul3A_1199 : i32
      %add3A_1202 = arith.constant 0 : i32
      %add3A_1203 = arith.addi %add3A_1201, %add3A_1202 : i32
      %get3A_1204 = arith.index_cast %add3A_1203 : i32 to index
      %get3A_1205 = tpu.vector_load %arg7[%get3A_1204] {strides = array<i32>} : memref<98304xf32, #tpu.memory_space<vmem>>, vector<16xf32>,
      %mul3A_1206 = arith.constant 128 : i32
      %mul3A_1207 = arith.muli %scan3A_1195, %mul3A_1206 : i32
      %add3A_1208 = arith.constant 65536 : i32
      %add3A_1209 = arith.addi %add3A_1208, %mul3A_1207 : i32
      %add3A_1210 = arith.constant 16 : i32
      %add3A_1211 = arith.addi %add3A_1209, %add3A_1210 : i32
      %get3A_1212 = arith.index_cast %add3A_1211 : i32 to index
      %get3A_1213 = tpu.vector_load %arg7[%get3A_1212] {strides = array<i32>} : memref<98304xf32, #tpu.memory_space<vmem>>, vector<16xf32>,
      %mul3A_1214 = arith.constant 128 : i32
      %mul3A_1215 = arith.muli %scan3A_1195, %mul3A_1214 : i32
      %add3A_1216 = arith.constant 65536 : i32
      %add3A_1217 = arith.addi %add3A_1216, %mul3A_1215 : i32
      %add3A_1218 = arith.constant 32 : i32
      %add3A_1219 = arith.addi %add3A_1217, %add3A_1218 : i32
      %get3A_1220 = arith.index_cast %add3A_1219 : i32 to index
      %get3A_1221 = tpu.vector_load %arg7[%get3A_1220] {strides = array<i32>} : memref<98304xf32, #tpu.memory_space<vmem>>, vector<16xf32>,
      %mul3A_1222 = arith.constant 128 : i32
      %mul3A_1223 = arith.muli %scan3A_1195, %mul3A_1222 : i32
      %add3A_1224 = arith.constant 65536 : i32
      %add3A_1225 = arith.addi %add3A_1224, %mul3A_1223 : i32
      %add3A_1226 = arith.constant 48 : i32
      %add3A_1227 = arith.addi %add3A_1225, %add3A_1226 : i32
      %get3A_1228 = arith.index_cast %add3A_1227 : i32 to index
      %get3A_1229 = tpu.vector_load %arg7[%get3A_1228] {strides = array<i32>} : memref<98304xf32, #tpu.memory_space<vmem>>, vector<16xf32>,
      %mul3A_1230 = arith.constant 128 : i32
      %mul3A_1231 = arith.muli %scan3A_1195, %mul3A_1230 : i32
      %add3A_1232 = arith.constant 65536 : i32
      %add3A_1233 = arith.addi %add3A_1232, %mul3A_1231 : i32
      %add3A_1234 = arith.constant 64 : i32
      %add3A_1235 = arith.addi %add3A_1233, %add3A_1234 : i32
      %get3A_1236 = arith.index_cast %add3A_1235 : i32 to index
      %get3A_1237 = tpu.vector_load %arg7[%get3A_1236] {strides = array<i32>} : memref<98304xf32, #tpu.memory_space<vmem>>, vector<16xf32>,
      %mul3A_1238 = arith.constant 128 : i32
      %mul3A_1239 = arith.muli %scan3A_1195, %mul3A_1238 : i32
      %add3A_1240 = arith.constant 65536 : i32
      %add3A_1241 = arith.addi %add3A_1240, %mul3A_1239 : i32
      %add3A_1242 = arith.constant 80 : i32
      %add3A_1243 = arith.addi %add3A_1241, %add3A_1242 : i32
      %get3A_1244 = arith.index_cast %add3A_1243 : i32 to index
      %get3A_1245 = tpu.vector_load %arg7[%get3A_1244] {strides = array<i32>} : memref<98304xf32, #tpu.memory_space<vmem>>, vector<16xf32>,
      %mul3A_1246 = arith.constant 128 : i32
      %mul3A_1247 = arith.muli %scan3A_1195, %mul3A_1246 : i32
      %add3A_1248 = arith.constant 65536 : i32
      %add3A_1249 = arith.addi %add3A_1248, %mul3A_1247 : i32
      %add3A_1250 = arith.constant 96 : i32
      %add3A_1251 = arith.addi %add3A_1249, %add3A_1250 : i32
      %get3A_1252 = arith.index_cast %add3A_1251 : i32 to index
      %get3A_1253 = tpu.vector_load %arg7[%get3A_1252] {strides = array<i32>} : memref<98304xf32, #tpu.memory_space<vmem>>, vector<16xf32>,
      %mul3A_1254 = arith.constant 128 : i32
      %mul3A_1255 = arith.muli %scan3A_1195, %mul3A_1254 : i32
      %add3A_1256 = arith.constant 65536 : i32
      %add3A_1257 = arith.addi %add3A_1256, %mul3A_1255 : i32
      %add3A_1258 = arith.constant 112 : i32
      %add3A_1259 = arith.addi %add3A_1257, %add3A_1258 : i32
      %get3A_1260 = arith.index_cast %add3A_1259 : i32 to index
      %get3A_1261 = tpu.vector_load %arg7[%get3A_1260] {strides = array<i32>} : memref<98304xf32, #tpu.memory_space<vmem>>, vector<16xf32>,
      %max3A_1262 = arith.maximumf %get3A_1205, %get3A_1213 : vector<16xf32>
      %max3A_1263 = arith.maximumf %get3A_1221, %get3A_1229 : vector<16xf32>
      %max3A_1264 = arith.maximumf %get3A_1237, %get3A_1245 : vector<16xf32>
      %max3A_1265 = arith.maximumf %get3A_1253, %get3A_1261 : vector<16xf32>
      %max3A_1266 = arith.maximumf %max3A_1262, %max3A_1263 : vector<16xf32>
      %max3A_1267 = arith.maximumf %max3A_1264, %max3A_1265 : vector<16xf32>
      %max3A_1268 = arith.maximumf %max3A_1266, %max3A_1267 : vector<16xf32>
      %gt3A = arith.cmpf ogt, %max3A_1268, %scan3A_1196 : vector<16xf32>
      %select_n3A_1269 = arith.select %gt3A, %max3A_1268, %scan3A_1196 : vector<16xi1>, vector<16xf32>
      %add3A_1270 = arith.constant 0 : i32
      %add3A_1271 = arith.addi %scan3A_1195, %add3A_1270 : i32
      %broadcast_in_dim3A_1272 = vector.broadcast %add3A_1271 : i32 to vector<16xi32>
      %select_n3A_1273 = arith.select %gt3A, %broadcast_in_dim3A_1272, %scan3A_1197 : vector<16xi1>, vector<16xi32>
      scf.yield %select_n3A_1269, %select_n3A_1273 : vector<16xf32>, vector<16xi32>
    }
    %scan3A_647 = arith.constant 128 : i32
    %dma_wait3A_648 = arith.constant 81920 : i32
    %dma_wait3A_649 = tpu.memref_slice %arg7[%dma_wait3A_648] : memref<98304xf32, #tpu.memory_space<vmem>> -> memref<16384xf32, #tpu.memory_space<vmem>>
    %dma_wait3A_650 = arith.constant 16384 : i32
    %dma_wait3A_651 = tpu.memref_slice %arg2[%add3A_332, %dma_wait3A_650] : memref<128x32768xf32, #tpu.memory_space<hbm>> -> memref<1x16384xf32, #tpu.memory_space<hbm>>
    %dma_wait3A_652 = tpu.memref_squeeze %dma_wait3A_651 : memref<1x16384xf32, #tpu.memory_space<hbm>> -> memref<16384xf32, #tpu.memory_space<hbm>>
    %dma_wait3A_653 = arith.constant 81920 : i32
    %dma_wait3A_654 = tpu.memref_slice %arg7[%dma_wait3A_653] : memref<98304xf32, #tpu.memory_space<vmem>> -> memref<16384xf32, #tpu.memory_space<vmem>>
    %dma_wait3A_655 = arith.constant 16384 : i32
    %dma_wait3A_656 = tpu.memref_slice %arg2[%add3A_332, %dma_wait3A_655] : memref<128x32768xf32, #tpu.memory_space<hbm>> -> memref<1x16384xf32, #tpu.memory_space<hbm>>
    %dma_wait3A_657 = tpu.memref_squeeze %dma_wait3A_656 : memref<1x16384xf32, #tpu.memory_space<hbm>> -> memref<16384xf32, #tpu.memory_space<hbm>>
    tpu.wait_dma2 semaphore(%arg14 : memref<!tpu.dma_semaphore, #tpu.memory_space<semaphore_mem>>) src(%dma_wait3A_657 : memref<16384xf32, #tpu.memory_space<hbm>>) dst(%dma_wait3A_654 : memref<16384xf32, #tpu.memory_space<vmem>>)
    %scan3A_658 = arith.constant 0 : i32
    %scan3A_659 = arith.constant 128 : i32
    %scan3A_660 = arith.addi %scan3A_658, %scan3A_659 : i32
    %scan3A_661 = arith.constant 1 : i32
    %scan3A_662:2 = scf.for %scan3A_1195 = %scan3A_658 to %scan3A_660 step %scan3A_661 iter_args(%scan3A_1196 = %scan3A_646#0, %scan3A_1197 = %scan3A_646#1) -> (vector<16xf32>, vector<16xi32>)  : i32 {
      %mul3A_1198 = arith.constant 128 : i32
      %mul3A_1199 = arith.muli %scan3A_1195, %mul3A_1198 : i32
      %add3A_1200 = arith.constant 81920 : i32
      %add3A_1201 = arith.addi %add3A_1200, %mul3A_1199 : i32
      %add3A_1202 = arith.constant 0 : i32
      %add3A_1203 = arith.addi %add3A_1201, %add3A_1202 : i32
      %get3A_1204 = arith.index_cast %add3A_1203 : i32 to index
      %get3A_1205 = tpu.vector_load %arg7[%get3A_1204] {strides = array<i32>} : memref<98304xf32, #tpu.memory_space<vmem>>, vector<16xf32>,
      %mul3A_1206 = arith.constant 128 : i32
      %mul3A_1207 = arith.muli %scan3A_1195, %mul3A_1206 : i32
      %add3A_1208 = arith.constant 81920 : i32
      %add3A_1209 = arith.addi %add3A_1208, %mul3A_1207 : i32
      %add3A_1210 = arith.constant 16 : i32
      %add3A_1211 = arith.addi %add3A_1209, %add3A_1210 : i32
      %get3A_1212 = arith.index_cast %add3A_1211 : i32 to index
      %get3A_1213 = tpu.vector_load %arg7[%get3A_1212] {strides = array<i32>} : memref<98304xf32, #tpu.memory_space<vmem>>, vector<16xf32>,
      %mul3A_1214 = arith.constant 128 : i32
      %mul3A_1215 = arith.muli %scan3A_1195, %mul3A_1214 : i32
      %add3A_1216 = arith.constant 81920 : i32
      %add3A_1217 = arith.addi %add3A_1216, %mul3A_1215 : i32
      %add3A_1218 = arith.constant 32 : i32
      %add3A_1219 = arith.addi %add3A_1217, %add3A_1218 : i32
      %get3A_1220 = arith.index_cast %add3A_1219 : i32 to index
      %get3A_1221 = tpu.vector_load %arg7[%get3A_1220] {strides = array<i32>} : memref<98304xf32, #tpu.memory_space<vmem>>, vector<16xf32>,
      %mul3A_1222 = arith.constant 128 : i32
      %mul3A_1223 = arith.muli %scan3A_1195, %mul3A_1222 : i32
      %add3A_1224 = arith.constant 81920 : i32
      %add3A_1225 = arith.addi %add3A_1224, %mul3A_1223 : i32
      %add3A_1226 = arith.constant 48 : i32
      %add3A_1227 = arith.addi %add3A_1225, %add3A_1226 : i32
      %get3A_1228 = arith.index_cast %add3A_1227 : i32 to index
      %get3A_1229 = tpu.vector_load %arg7[%get3A_1228] {strides = array<i32>} : memref<98304xf32, #tpu.memory_space<vmem>>, vector<16xf32>,
      %mul3A_1230 = arith.constant 128 : i32
      %mul3A_1231 = arith.muli %scan3A_1195, %mul3A_1230 : i32
      %add3A_1232 = arith.constant 81920 : i32
      %add3A_1233 = arith.addi %add3A_1232, %mul3A_1231 : i32
      %add3A_1234 = arith.constant 64 : i32
      %add3A_1235 = arith.addi %add3A_1233, %add3A_1234 : i32
      %get3A_1236 = arith.index_cast %add3A_1235 : i32 to index
      %get3A_1237 = tpu.vector_load %arg7[%get3A_1236] {strides = array<i32>} : memref<98304xf32, #tpu.memory_space<vmem>>, vector<16xf32>,
      %mul3A_1238 = arith.constant 128 : i32
      %mul3A_1239 = arith.muli %scan3A_1195, %mul3A_1238 : i32
      %add3A_1240 = arith.constant 81920 : i32
      %add3A_1241 = arith.addi %add3A_1240, %mul3A_1239 : i32
      %add3A_1242 = arith.constant 80 : i32
      %add3A_1243 = arith.addi %add3A_1241, %add3A_1242 : i32
      %get3A_1244 = arith.index_cast %add3A_1243 : i32 to index
      %get3A_1245 = tpu.vector_load %arg7[%get3A_1244] {strides = array<i32>} : memref<98304xf32, #tpu.memory_space<vmem>>, vector<16xf32>,
      %mul3A_1246 = arith.constant 128 : i32
      %mul3A_1247 = arith.muli %scan3A_1195, %mul3A_1246 : i32
      %add3A_1248 = arith.constant 81920 : i32
      %add3A_1249 = arith.addi %add3A_1248, %mul3A_1247 : i32
      %add3A_1250 = arith.constant 96 : i32
      %add3A_1251 = arith.addi %add3A_1249, %add3A_1250 : i32
      %get3A_1252 = arith.index_cast %add3A_1251 : i32 to index
      %get3A_1253 = tpu.vector_load %arg7[%get3A_1252] {strides = array<i32>} : memref<98304xf32, #tpu.memory_space<vmem>>, vector<16xf32>,
      %mul3A_1254 = arith.constant 128 : i32
      %mul3A_1255 = arith.muli %scan3A_1195, %mul3A_1254 : i32
      %add3A_1256 = arith.constant 81920 : i32
      %add3A_1257 = arith.addi %add3A_1256, %mul3A_1255 : i32
      %add3A_1258 = arith.constant 112 : i32
      %add3A_1259 = arith.addi %add3A_1257, %add3A_1258 : i32
      %get3A_1260 = arith.index_cast %add3A_1259 : i32 to index
      %get3A_1261 = tpu.vector_load %arg7[%get3A_1260] {strides = array<i32>} : memref<98304xf32, #tpu.memory_space<vmem>>, vector<16xf32>,
      %max3A_1262 = arith.maximumf %get3A_1205, %get3A_1213 : vector<16xf32>
      %max3A_1263 = arith.maximumf %get3A_1221, %get3A_1229 : vector<16xf32>
      %max3A_1264 = arith.maximumf %get3A_1237, %get3A_1245 : vector<16xf32>
      %max3A_1265 = arith.maximumf %get3A_1253, %get3A_1261 : vector<16xf32>
      %max3A_1266 = arith.maximumf %max3A_1262, %max3A_1263 : vector<16xf32>
      %max3A_1267 = arith.maximumf %max3A_1264, %max3A_1265 : vector<16xf32>
      %max3A_1268 = arith.maximumf %max3A_1266, %max3A_1267 : vector<16xf32>
      %gt3A = arith.cmpf ogt, %max3A_1268, %scan3A_1196 : vector<16xf32>
      %select_n3A_1269 = arith.select %gt3A, %max3A_1268, %scan3A_1196 : vector<16xi1>, vector<16xf32>
      %add3A_1270 = arith.constant 128 : i32
      %add3A_1271 = arith.addi %scan3A_1195, %add3A_1270 : i32
      %broadcast_in_dim3A_1272 = vector.broadcast %add3A_1271 : i32 to vector<16xi32>
      %select_n3A_1273 = arith.select %gt3A, %broadcast_in_dim3A_1272, %scan3A_1197 : vector<16xi1>, vector<16xi32>
      scf.yield %select_n3A_1269, %select_n3A_1273 : vector<16xf32>, vector<16xi32>
    }
    %scan3A_663 = arith.constant 128 : i32
    %xor3A_664 = arith.constant 8 : i32
    %xor3A_665 = vector.broadcast %xor3A_664 : i32 to vector<16xi32>
    %xor3A_666 = arith.xori %iota3A, %xor3A_665 : vector<16xi32>
    %broadcast_in_dim3A_667 = vector.shape_cast %xor3A_666 : vector<16xi32> to vector<16x1xi32>
    %gather3A_668 = vector.shape_cast %broadcast_in_dim3A_667 : vector<16x1xi32> to vector<16xi32>
    %gather3A_669 = tpu.dynamic_gather %scan3A_662#0[%gather3A_668] in [0] : vector<16xf32>, vector<16xi32> -> vector<16xf32>
    %max3A_670 = arith.maximumf %scan3A_662#0, %gather3A_669 : vector<16xf32>
    %xor3A_671 = arith.constant 4 : i32
    %xor3A_672 = vector.broadcast %xor3A_671 : i32 to vector<16xi32>
    %xor3A_673 = arith.xori %iota3A, %xor3A_672 : vector<16xi32>
    %broadcast_in_dim3A_674 = vector.shape_cast %xor3A_673 : vector<16xi32> to vector<16x1xi32>
    %gather3A_675 = vector.shape_cast %broadcast_in_dim3A_674 : vector<16x1xi32> to vector<16xi32>
    %gather3A_676 = tpu.dynamic_gather %max3A_670[%gather3A_675] in [0] : vector<16xf32>, vector<16xi32> -> vector<16xf32>
    %max3A_677 = arith.maximumf %max3A_670, %gather3A_676 : vector<16xf32>
    %xor3A_678 = arith.constant 2 : i32
    %xor3A_679 = vector.broadcast %xor3A_678 : i32 to vector<16xi32>
    %xor3A_680 = arith.xori %iota3A, %xor3A_679 : vector<16xi32>
    %broadcast_in_dim3A_681 = vector.shape_cast %xor3A_680 : vector<16xi32> to vector<16x1xi32>
    %gather3A_682 = vector.shape_cast %broadcast_in_dim3A_681 : vector<16x1xi32> to vector<16xi32>
    %gather3A_683 = tpu.dynamic_gather %max3A_677[%gather3A_682] in [0] : vector<16xf32>, vector<16xi32> -> vector<16xf32>
    %max3A_684 = arith.maximumf %max3A_677, %gather3A_683 : vector<16xf32>
    %xor3A_685 = arith.constant 1 : i32
    %xor3A_686 = vector.broadcast %xor3A_685 : i32 to vector<16xi32>
    %xor3A_687 = arith.xori %iota3A, %xor3A_686 : vector<16xi32>
    %broadcast_in_dim3A_688 = vector.shape_cast %xor3A_687 : vector<16xi32> to vector<16x1xi32>
    %gather3A_689 = vector.shape_cast %broadcast_in_dim3A_688 : vector<16x1xi32> to vector<16xi32>
    %gather3A_690 = tpu.dynamic_gather %max3A_684[%gather3A_689] in [0] : vector<16xf32>, vector<16xi32> -> vector<16xf32>
    %max3A_691 = arith.maximumf %max3A_684, %gather3A_690 : vector<16xf32>
    %eq3A_692 = arith.cmpf oeq, %scan3A_662#0, %max3A_691 : vector<16xf32>
    %jit3A_693 = arith.constant 2147483647 : i32
    %broadcast_in_dim3A_694 = vector.broadcast %jit3A_693 : i32 to vector<16xi32>
    %select_n3A_695 = arith.select %eq3A_692, %scan3A_662#1, %broadcast_in_dim3A_694 : vector<16xi1>, vector<16xi32>
    %xor3A_696 = arith.constant 8 : i32
    %xor3A_697 = vector.broadcast %xor3A_696 : i32 to vector<16xi32>
    %xor3A_698 = arith.xori %iota3A, %xor3A_697 : vector<16xi32>
    %broadcast_in_dim3A_699 = vector.shape_cast %xor3A_698 : vector<16xi32> to vector<16x1xi32>
    %gather3A_700 = vector.shape_cast %broadcast_in_dim3A_699 : vector<16x1xi32> to vector<16xi32>
    %gather3A_701 = tpu.dynamic_gather %select_n3A_695[%gather3A_700] in [0] : vector<16xi32>, vector<16xi32> -> vector<16xi32>
    %min3A_702 = arith.minsi %select_n3A_695, %gather3A_701 : vector<16xi32>
    %xor3A_703 = arith.constant 4 : i32
    %xor3A_704 = vector.broadcast %xor3A_703 : i32 to vector<16xi32>
    %xor3A_705 = arith.xori %iota3A, %xor3A_704 : vector<16xi32>
    %broadcast_in_dim3A_706 = vector.shape_cast %xor3A_705 : vector<16xi32> to vector<16x1xi32>
    %gather3A_707 = vector.shape_cast %broadcast_in_dim3A_706 : vector<16x1xi32> to vector<16xi32>
    %gather3A_708 = tpu.dynamic_gather %min3A_702[%gather3A_707] in [0] : vector<16xi32>, vector<16xi32> -> vector<16xi32>
    %min3A_709 = arith.minsi %min3A_702, %gather3A_708 : vector<16xi32>
    %xor3A_710 = arith.constant 2 : i32
    %xor3A_711 = vector.broadcast %xor3A_710 : i32 to vector<16xi32>
    %xor3A_712 = arith.xori %iota3A, %xor3A_711 : vector<16xi32>
    %broadcast_in_dim3A_713 = vector.shape_cast %xor3A_712 : vector<16xi32> to vector<16x1xi32>
    %gather3A_714 = vector.shape_cast %broadcast_in_dim3A_713 : vector<16x1xi32> to vector<16xi32>
    %gather3A_715 = tpu.dynamic_gather %min3A_709[%gather3A_714] in [0] : vector<16xi32>, vector<16xi32> -> vector<16xi32>
    %min3A_716 = arith.minsi %min3A_709, %gather3A_715 : vector<16xi32>
    %xor3A_717 = arith.constant 1 : i32
    %xor3A_718 = vector.broadcast %xor3A_717 : i32 to vector<16xi32>
    %xor3A_719 = arith.xori %iota3A, %xor3A_718 : vector<16xi32>
    %broadcast_in_dim3A_720 = vector.shape_cast %xor3A_719 : vector<16xi32> to vector<16x1xi32>
    %gather3A_721 = vector.shape_cast %broadcast_in_dim3A_720 : vector<16x1xi32> to vector<16xi32>
    %gather3A_722 = tpu.dynamic_gather %min3A_716[%gather3A_721] in [0] : vector<16xi32>, vector<16xi32> -> vector<16xi32>
    %min3A_723 = arith.minsi %min3A_716, %gather3A_722 : vector<16xi32>
    %slice3A_724 = vector.extract_strided_slice %min3A_723 {offsets = [0], sizes = [1], strides = [1]} : vector<16xi32> to vector<1xi32>
    %squeeze3A_725 = vector.extract %slice3A_724[0] : i32 from vector<1xi32>
    %jit3A_726 = arith.constant 128 : i32
    %div3A_727 = arith.divsi %squeeze3A_725, %jit3A_726 : i32
    %sign3A_728 = arith.constant 0 : i32
    %sign3A_729 = arith.cmpi sgt, %squeeze3A_725, %sign3A_728 : i32
    %sign3A_730 = arith.extui %sign3A_729 : i1 to i32
    %sign3A_731 = arith.constant 0 : i32
    %sign3A_732 = arith.cmpi slt, %squeeze3A_725, %sign3A_731 : i32
    %sign3A_733 = arith.extui %sign3A_732 : i1 to i32
    %sign3A_734 = arith.subi %sign3A_730, %sign3A_733 : i32
    %sign3A_735 = arith.constant 0 : i32
    %sign3A_736 = arith.cmpi sgt, %jit3A_726, %sign3A_735 : i32
    %sign3A_737 = arith.extui %sign3A_736 : i1 to i32
    %sign3A_738 = arith.constant 0 : i32
    %sign3A_739 = arith.cmpi slt, %jit3A_726, %sign3A_738 : i32
    %sign3A_740 = arith.extui %sign3A_739 : i1 to i32
    %sign3A_741 = arith.subi %sign3A_737, %sign3A_740 : i32
    %ne3A_742 = arith.cmpi ne, %sign3A_734, %sign3A_741 : i32
    %rem3A_743 = arith.remsi %squeeze3A_725, %jit3A_726 : i32
    %ne3A_744 = arith.constant 0 : i32
    %ne3A_745 = arith.cmpi ne, %rem3A_743, %ne3A_744 : i32
    %and3A_746 = arith.andi %ne3A_742, %ne3A_745 : i1
    %sub3A_747 = arith.constant 1 : i32
    %sub3A_748 = arith.subi %div3A_727, %sub3A_747 : i32
    %select_n3A_749 = arith.select %and3A_746, %sub3A_748, %div3A_727 : i32
    %add3A_750 = arith.constant 4 : i32
    %add3A_751 = arith.addi %add3A_750, %select_n3A_749 : i32
    %mul3A_752 = arith.constant 16384 : i32
    %mul3A_753 = arith.muli %add3A_751, %mul3A_752 : i32
    %jit3A_754 = arith.constant 128 : i32
    %eq3A_755 = arith.constant 0 : i32
    %eq3A_756 = arith.cmpi eq, %jit3A_754, %eq3A_755 : i32
    %jit3A_757 = arith.constant 1 : i32
    %select_n3A_758 = arith.select %eq3A_756, %jit3A_757, %jit3A_754 : i32
    %rem3A_759 = arith.remsi %squeeze3A_725, %select_n3A_758 : i32
    %ne3A_760 = arith.constant 0 : i32
    %ne3A_761 = arith.cmpi ne, %rem3A_759, %ne3A_760 : i32
    %lt3A_762 = arith.constant 0 : i32
    %lt3A_763 = arith.cmpi slt, %rem3A_759, %lt3A_762 : i32
    %lt3A_764 = arith.constant 0 : i32
    %lt3A_765 = arith.cmpi slt, %select_n3A_758, %lt3A_764 : i32
    %ne3A_766 = arith.xori %lt3A_763, %lt3A_765 : i1
    %and3A_767 = arith.andi %ne3A_766, %ne3A_761 : i1
    %add3A_768 = arith.addi %rem3A_759, %select_n3A_758 : i32
    %select_n3A_769 = arith.select %and3A_767, %add3A_768, %rem3A_759 : i32
    %mul3A_770 = arith.constant 128 : i32
    %mul3A_771 = arith.muli %select_n3A_769, %mul3A_770 : i32
    %add3A_772 = arith.addi %mul3A_753, %mul3A_771 : i32
    %mul3A_773 = arith.constant 128 : i32
    %mul3A_774 = arith.muli %squeeze3A_725, %mul3A_773 : i32
    %broadcast_in_dim3A_775 = vector.broadcast %mul3A_774 : i32 to vector<16xi32>
    %add3A_776 = arith.addi %broadcast_in_dim3A_775, %iota3A : vector<16xi32>
    %broadcast_in_dim3A_777 = arith.constant 2147483647 : i32
    %broadcast_in_dim3A_778 = vector.broadcast %broadcast_in_dim3A_777 : i32 to vector<16xi32>
    %add3A_779 = arith.constant 0 : i32
    %add3A_780 = arith.addi %add3A_772, %add3A_779 : i32
    %get3A_781 = arith.index_cast %add3A_780 : i32 to index
    %get3A_782 = tpu.vector_load %arg7[%get3A_781] {strides = array<i32>} : memref<98304xf32, #tpu.memory_space<vmem>>, vector<16xf32>,
    %eq3A_783 = arith.cmpf oeq, %get3A_782, %max3A_691 : vector<16xf32>
    %add3A_784 = arith.constant 0 : i32
    %add3A_785 = vector.broadcast %add3A_784 : i32 to vector<16xi32>
    %add3A_786 = arith.addi %add3A_776, %add3A_785 : vector<16xi32>
    %jit3A_787 = arith.constant 2147483647 : i32
    %broadcast_in_dim3A_788 = vector.broadcast %jit3A_787 : i32 to vector<16xi32>
    %select_n3A_789 = arith.select %eq3A_783, %add3A_786, %broadcast_in_dim3A_788 : vector<16xi1>, vector<16xi32>
    %min3A_790 = arith.minsi %broadcast_in_dim3A_778, %select_n3A_789 : vector<16xi32>
    %add3A_791 = arith.constant 16 : i32
    %add3A_792 = arith.addi %add3A_772, %add3A_791 : i32
    %get3A_793 = arith.index_cast %add3A_792 : i32 to index
    %get3A_794 = tpu.vector_load %arg7[%get3A_793] {strides = array<i32>} : memref<98304xf32, #tpu.memory_space<vmem>>, vector<16xf32>,
    %eq3A_795 = arith.cmpf oeq, %get3A_794, %max3A_691 : vector<16xf32>
    %add3A_796 = arith.constant 16 : i32
    %add3A_797 = vector.broadcast %add3A_796 : i32 to vector<16xi32>
    %add3A_798 = arith.addi %add3A_776, %add3A_797 : vector<16xi32>
    %jit3A_799 = arith.constant 2147483647 : i32
    %broadcast_in_dim3A_800 = vector.broadcast %jit3A_799 : i32 to vector<16xi32>
    %select_n3A_801 = arith.select %eq3A_795, %add3A_798, %broadcast_in_dim3A_800 : vector<16xi1>, vector<16xi32>
    %min3A_802 = arith.minsi %min3A_790, %select_n3A_801 : vector<16xi32>
    %add3A_803 = arith.constant 32 : i32
    %add3A_804 = arith.addi %add3A_772, %add3A_803 : i32
    %get3A_805 = arith.index_cast %add3A_804 : i32 to index
    %get3A_806 = tpu.vector_load %arg7[%get3A_805] {strides = array<i32>} : memref<98304xf32, #tpu.memory_space<vmem>>, vector<16xf32>,
    %eq3A_807 = arith.cmpf oeq, %get3A_806, %max3A_691 : vector<16xf32>
    %add3A_808 = arith.constant 32 : i32
    %add3A_809 = vector.broadcast %add3A_808 : i32 to vector<16xi32>
    %add3A_810 = arith.addi %add3A_776, %add3A_809 : vector<16xi32>
    %jit3A_811 = arith.constant 2147483647 : i32
    %broadcast_in_dim3A_812 = vector.broadcast %jit3A_811 : i32 to vector<16xi32>
    %select_n3A_813 = arith.select %eq3A_807, %add3A_810, %broadcast_in_dim3A_812 : vector<16xi1>, vector<16xi32>
    %min3A_814 = arith.minsi %min3A_802, %select_n3A_813 : vector<16xi32>
    %add3A_815 = arith.constant 48 : i32
    %add3A_816 = arith.addi %add3A_772, %add3A_815 : i32
    %get3A_817 = arith.index_cast %add3A_816 : i32 to index
    %get3A_818 = tpu.vector_load %arg7[%get3A_817] {strides = array<i32>} : memref<98304xf32, #tpu.memory_space<vmem>>, vector<16xf32>,
    %eq3A_819 = arith.cmpf oeq, %get3A_818, %max3A_691 : vector<16xf32>
    %add3A_820 = arith.constant 48 : i32
    %add3A_821 = vector.broadcast %add3A_820 : i32 to vector<16xi32>
    %add3A_822 = arith.addi %add3A_776, %add3A_821 : vector<16xi32>
    %jit3A_823 = arith.constant 2147483647 : i32
    %broadcast_in_dim3A_824 = vector.broadcast %jit3A_823 : i32 to vector<16xi32>
    %select_n3A_825 = arith.select %eq3A_819, %add3A_822, %broadcast_in_dim3A_824 : vector<16xi1>, vector<16xi32>
    %min3A_826 = arith.minsi %min3A_814, %select_n3A_825 : vector<16xi32>
    %add3A_827 = arith.constant 64 : i32
    %add3A_828 = arith.addi %add3A_772, %add3A_827 : i32
    %get3A_829 = arith.index_cast %add3A_828 : i32 to index
    %get3A_830 = tpu.vector_load %arg7[%get3A_829] {strides = array<i32>} : memref<98304xf32, #tpu.memory_space<vmem>>, vector<16xf32>,
    %eq3A_831 = arith.cmpf oeq, %get3A_830, %max3A_691 : vector<16xf32>
    %add3A_832 = arith.constant 64 : i32
    %add3A_833 = vector.broadcast %add3A_832 : i32 to vector<16xi32>
    %add3A_834 = arith.addi %add3A_776, %add3A_833 : vector<16xi32>
    %jit3A_835 = arith.constant 2147483647 : i32
    %broadcast_in_dim3A_836 = vector.broadcast %jit3A_835 : i32 to vector<16xi32>
    %select_n3A_837 = arith.select %eq3A_831, %add3A_834, %broadcast_in_dim3A_836 : vector<16xi1>, vector<16xi32>
    %min3A_838 = arith.minsi %min3A_826, %select_n3A_837 : vector<16xi32>
    %add3A_839 = arith.constant 80 : i32
    %add3A_840 = arith.addi %add3A_772, %add3A_839 : i32
    %get3A_841 = arith.index_cast %add3A_840 : i32 to index
    %get3A_842 = tpu.vector_load %arg7[%get3A_841] {strides = array<i32>} : memref<98304xf32, #tpu.memory_space<vmem>>, vector<16xf32>,
    %eq3A_843 = arith.cmpf oeq, %get3A_842, %max3A_691 : vector<16xf32>
    %add3A_844 = arith.constant 80 : i32
    %add3A_845 = vector.broadcast %add3A_844 : i32 to vector<16xi32>
    %add3A_846 = arith.addi %add3A_776, %add3A_845 : vector<16xi32>
    %jit3A_847 = arith.constant 2147483647 : i32
    %broadcast_in_dim3A_848 = vector.broadcast %jit3A_847 : i32 to vector<16xi32>
    %select_n3A_849 = arith.select %eq3A_843, %add3A_846, %broadcast_in_dim3A_848 : vector<16xi1>, vector<16xi32>
    %min3A_850 = arith.minsi %min3A_838, %select_n3A_849 : vector<16xi32>
    %add3A_851 = arith.constant 96 : i32
    %add3A_852 = arith.addi %add3A_772, %add3A_851 : i32
    %get3A_853 = arith.index_cast %add3A_852 : i32 to index
    %get3A_854 = tpu.vector_load %arg7[%get3A_853] {strides = array<i32>} : memref<98304xf32, #tpu.memory_space<vmem>>, vector<16xf32>,
    %eq3A_855 = arith.cmpf oeq, %get3A_854, %max3A_691 : vector<16xf32>
    %add3A_856 = arith.constant 96 : i32
    %add3A_857 = vector.broadcast %add3A_856 : i32 to vector<16xi32>
    %add3A_858 = arith.addi %add3A_776, %add3A_857 : vector<16xi32>
    %jit3A_859 = arith.constant 2147483647 : i32
    %broadcast_in_dim3A_860 = vector.broadcast %jit3A_859 : i32 to vector<16xi32>
    %select_n3A_861 = arith.select %eq3A_855, %add3A_858, %broadcast_in_dim3A_860 : vector<16xi1>, vector<16xi32>
    %min3A_862 = arith.minsi %min3A_850, %select_n3A_861 : vector<16xi32>
    %add3A_863 = arith.constant 112 : i32
    %add3A_864 = arith.addi %add3A_772, %add3A_863 : i32
    %get3A_865 = arith.index_cast %add3A_864 : i32 to index
    %get3A_866 = tpu.vector_load %arg7[%get3A_865] {strides = array<i32>} : memref<98304xf32, #tpu.memory_space<vmem>>, vector<16xf32>,
    %eq3A_867 = arith.cmpf oeq, %get3A_866, %max3A_691 : vector<16xf32>
    %add3A_868 = arith.constant 112 : i32
    %add3A_869 = vector.broadcast %add3A_868 : i32 to vector<16xi32>
    %add3A_870 = arith.addi %add3A_776, %add3A_869 : vector<16xi32>
    %jit3A_871 = arith.constant 2147483647 : i32
    %broadcast_in_dim3A_872 = vector.broadcast %jit3A_871 : i32 to vector<16xi32>
    %select_n3A_873 = arith.select %eq3A_867, %add3A_870, %broadcast_in_dim3A_872 : vector<16xi1>, vector<16xi32>
    %min3A_874 = arith.minsi %min3A_862, %select_n3A_873 : vector<16xi32>
    %xor3A_875 = arith.constant 8 : i32
    %xor3A_876 = vector.broadcast %xor3A_875 : i32 to vector<16xi32>
    %xor3A_877 = arith.xori %iota3A, %xor3A_876 : vector<16xi32>
    %broadcast_in_dim3A_878 = vector.shape_cast %xor3A_877 : vector<16xi32> to vector<16x1xi32>
    %gather3A_879 = vector.shape_cast %broadcast_in_dim3A_878 : vector<16x1xi32> to vector<16xi32>
    %gather3A_880 = tpu.dynamic_gather %min3A_874[%gather3A_879] in [0] : vector<16xi32>, vector<16xi32> -> vector<16xi32>
    %min3A_881 = arith.minsi %min3A_874, %gather3A_880 : vector<16xi32>
    %xor3A_882 = arith.constant 4 : i32
    %xor3A_883 = vector.broadcast %xor3A_882 : i32 to vector<16xi32>
    %xor3A_884 = arith.xori %iota3A, %xor3A_883 : vector<16xi32>
    %broadcast_in_dim3A_885 = vector.shape_cast %xor3A_884 : vector<16xi32> to vector<16x1xi32>
    %gather3A_886 = vector.shape_cast %broadcast_in_dim3A_885 : vector<16x1xi32> to vector<16xi32>
    %gather3A_887 = tpu.dynamic_gather %min3A_881[%gather3A_886] in [0] : vector<16xi32>, vector<16xi32> -> vector<16xi32>
    %min3A_888 = arith.minsi %min3A_881, %gather3A_887 : vector<16xi32>
    %xor3A_889 = arith.constant 2 : i32
    %xor3A_890 = vector.broadcast %xor3A_889 : i32 to vector<16xi32>
    %xor3A_891 = arith.xori %iota3A, %xor3A_890 : vector<16xi32>
    %broadcast_in_dim3A_892 = vector.shape_cast %xor3A_891 : vector<16xi32> to vector<16x1xi32>
    %gather3A_893 = vector.shape_cast %broadcast_in_dim3A_892 : vector<16x1xi32> to vector<16xi32>
    %gather3A_894 = tpu.dynamic_gather %min3A_888[%gather3A_893] in [0] : vector<16xi32>, vector<16xi32> -> vector<16xi32>
    %min3A_895 = arith.minsi %min3A_888, %gather3A_894 : vector<16xi32>
    %xor3A_896 = arith.constant 1 : i32
    %xor3A_897 = vector.broadcast %xor3A_896 : i32 to vector<16xi32>
    %xor3A_898 = arith.xori %iota3A, %xor3A_897 : vector<16xi32>
    %broadcast_in_dim3A_899 = vector.shape_cast %xor3A_898 : vector<16xi32> to vector<16x1xi32>
    %gather3A_900 = vector.shape_cast %broadcast_in_dim3A_899 : vector<16x1xi32> to vector<16xi32>
    %gather3A_901 = tpu.dynamic_gather %min3A_895[%gather3A_900] in [0] : vector<16xi32>, vector<16xi32> -> vector<16xi32>
    %min3A_902 = arith.minsi %min3A_895, %gather3A_901 : vector<16xi32>
    %eq3A_903 = arith.constant 2 : i32
    %eq3A_904 = vector.broadcast %eq3A_903 : i32 to vector<16xi32>
    %eq3A_905 = arith.cmpi eq, %iota3A, %eq3A_904 : vector<16xi32>
    %select_n3A_906 = arith.select %eq3A_905, %min3A_902, %select_n3A_619 : vector<16xi1>, vector<16xi32>
    %dma_wait3A_907 = arith.constant 0 : i32
    %dma_wait3A_908 = tpu.memref_slice %arg7[%dma_wait3A_907] : memref<98304xf32, #tpu.memory_space<vmem>> -> memref<16384xf32, #tpu.memory_space<vmem>>
    %dma_wait3A_909 = arith.constant 0 : i32
    %dma_wait3A_910 = tpu.memref_slice %arg2[%add3A_360, %dma_wait3A_909] : memref<128x32768xf32, #tpu.memory_space<hbm>> -> memref<1x16384xf32, #tpu.memory_space<hbm>>
    %dma_wait3A_911 = tpu.memref_squeeze %dma_wait3A_910 : memref<1x16384xf32, #tpu.memory_space<hbm>> -> memref<16384xf32, #tpu.memory_space<hbm>>
    %dma_wait3A_912 = arith.constant 0 : i32
    %dma_wait3A_913 = tpu.memref_slice %arg7[%dma_wait3A_912] : memref<98304xf32, #tpu.memory_space<vmem>> -> memref<16384xf32, #tpu.memory_space<vmem>>
    %dma_wait3A_914 = arith.constant 0 : i32
    %dma_wait3A_915 = tpu.memref_slice %arg2[%add3A_360, %dma_wait3A_914] : memref<128x32768xf32, #tpu.memory_space<hbm>> -> memref<1x16384xf32, #tpu.memory_space<hbm>>
    %dma_wait3A_916 = tpu.memref_squeeze %dma_wait3A_915 : memref<1x16384xf32, #tpu.memory_space<hbm>> -> memref<16384xf32, #tpu.memory_space<hbm>>
    tpu.wait_dma2 semaphore(%arg12 : memref<!tpu.dma_semaphore, #tpu.memory_space<semaphore_mem>>) src(%dma_wait3A_916 : memref<16384xf32, #tpu.memory_space<hbm>>) dst(%dma_wait3A_913 : memref<16384xf32, #tpu.memory_space<vmem>>)
    %scan3A_917 = arith.constant 0 : i32
    %scan3A_918 = arith.constant 128 : i32
    %scan3A_919 = arith.addi %scan3A_917, %scan3A_918 : i32
    %scan3A_920 = arith.constant 1 : i32
    %scan3A_921:2 = scf.for %scan3A_1195 = %scan3A_917 to %scan3A_919 step %scan3A_920 iter_args(%scan3A_1196 = %broadcast_in_dim3A_38, %scan3A_1197 = %broadcast_in_dim3A_40) -> (vector<16xf32>, vector<16xi32>)  : i32 {
      %mul3A_1198 = arith.constant 128 : i32
      %mul3A_1199 = arith.muli %scan3A_1195, %mul3A_1198 : i32
      %add3A_1200 = arith.constant 0 : i32
      %add3A_1201 = arith.addi %add3A_1200, %mul3A_1199 : i32
      %add3A_1202 = arith.constant 0 : i32
      %add3A_1203 = arith.addi %add3A_1201, %add3A_1202 : i32
      %get3A_1204 = arith.index_cast %add3A_1203 : i32 to index
      %get3A_1205 = tpu.vector_load %arg7[%get3A_1204] {strides = array<i32>} : memref<98304xf32, #tpu.memory_space<vmem>>, vector<16xf32>,
      %mul3A_1206 = arith.constant 128 : i32
      %mul3A_1207 = arith.muli %scan3A_1195, %mul3A_1206 : i32
      %add3A_1208 = arith.constant 0 : i32
      %add3A_1209 = arith.addi %add3A_1208, %mul3A_1207 : i32
      %add3A_1210 = arith.constant 16 : i32
      %add3A_1211 = arith.addi %add3A_1209, %add3A_1210 : i32
      %get3A_1212 = arith.index_cast %add3A_1211 : i32 to index
      %get3A_1213 = tpu.vector_load %arg7[%get3A_1212] {strides = array<i32>} : memref<98304xf32, #tpu.memory_space<vmem>>, vector<16xf32>,
      %mul3A_1214 = arith.constant 128 : i32
      %mul3A_1215 = arith.muli %scan3A_1195, %mul3A_1214 : i32
      %add3A_1216 = arith.constant 0 : i32
      %add3A_1217 = arith.addi %add3A_1216, %mul3A_1215 : i32
      %add3A_1218 = arith.constant 32 : i32
      %add3A_1219 = arith.addi %add3A_1217, %add3A_1218 : i32
      %get3A_1220 = arith.index_cast %add3A_1219 : i32 to index
      %get3A_1221 = tpu.vector_load %arg7[%get3A_1220] {strides = array<i32>} : memref<98304xf32, #tpu.memory_space<vmem>>, vector<16xf32>,
      %mul3A_1222 = arith.constant 128 : i32
      %mul3A_1223 = arith.muli %scan3A_1195, %mul3A_1222 : i32
      %add3A_1224 = arith.constant 0 : i32
      %add3A_1225 = arith.addi %add3A_1224, %mul3A_1223 : i32
      %add3A_1226 = arith.constant 48 : i32
      %add3A_1227 = arith.addi %add3A_1225, %add3A_1226 : i32
      %get3A_1228 = arith.index_cast %add3A_1227 : i32 to index
      %get3A_1229 = tpu.vector_load %arg7[%get3A_1228] {strides = array<i32>} : memref<98304xf32, #tpu.memory_space<vmem>>, vector<16xf32>,
      %mul3A_1230 = arith.constant 128 : i32
      %mul3A_1231 = arith.muli %scan3A_1195, %mul3A_1230 : i32
      %add3A_1232 = arith.constant 0 : i32
      %add3A_1233 = arith.addi %add3A_1232, %mul3A_1231 : i32
      %add3A_1234 = arith.constant 64 : i32
      %add3A_1235 = arith.addi %add3A_1233, %add3A_1234 : i32
      %get3A_1236 = arith.index_cast %add3A_1235 : i32 to index
      %get3A_1237 = tpu.vector_load %arg7[%get3A_1236] {strides = array<i32>} : memref<98304xf32, #tpu.memory_space<vmem>>, vector<16xf32>,
      %mul3A_1238 = arith.constant 128 : i32
      %mul3A_1239 = arith.muli %scan3A_1195, %mul3A_1238 : i32
      %add3A_1240 = arith.constant 0 : i32
      %add3A_1241 = arith.addi %add3A_1240, %mul3A_1239 : i32
      %add3A_1242 = arith.constant 80 : i32
      %add3A_1243 = arith.addi %add3A_1241, %add3A_1242 : i32
      %get3A_1244 = arith.index_cast %add3A_1243 : i32 to index
      %get3A_1245 = tpu.vector_load %arg7[%get3A_1244] {strides = array<i32>} : memref<98304xf32, #tpu.memory_space<vmem>>, vector<16xf32>,
      %mul3A_1246 = arith.constant 128 : i32
      %mul3A_1247 = arith.muli %scan3A_1195, %mul3A_1246 : i32
      %add3A_1248 = arith.constant 0 : i32
      %add3A_1249 = arith.addi %add3A_1248, %mul3A_1247 : i32
      %add3A_1250 = arith.constant 96 : i32
      %add3A_1251 = arith.addi %add3A_1249, %add3A_1250 : i32
      %get3A_1252 = arith.index_cast %add3A_1251 : i32 to index
      %get3A_1253 = tpu.vector_load %arg7[%get3A_1252] {strides = array<i32>} : memref<98304xf32, #tpu.memory_space<vmem>>, vector<16xf32>,
      %mul3A_1254 = arith.constant 128 : i32
      %mul3A_1255 = arith.muli %scan3A_1195, %mul3A_1254 : i32
      %add3A_1256 = arith.constant 0 : i32
      %add3A_1257 = arith.addi %add3A_1256, %mul3A_1255 : i32
      %add3A_1258 = arith.constant 112 : i32
      %add3A_1259 = arith.addi %add3A_1257, %add3A_1258 : i32
      %get3A_1260 = arith.index_cast %add3A_1259 : i32 to index
      %get3A_1261 = tpu.vector_load %arg7[%get3A_1260] {strides = array<i32>} : memref<98304xf32, #tpu.memory_space<vmem>>, vector<16xf32>,
      %max3A_1262 = arith.maximumf %get3A_1205, %get3A_1213 : vector<16xf32>
      %max3A_1263 = arith.maximumf %get3A_1221, %get3A_1229 : vector<16xf32>
      %max3A_1264 = arith.maximumf %get3A_1237, %get3A_1245 : vector<16xf32>
      %max3A_1265 = arith.maximumf %get3A_1253, %get3A_1261 : vector<16xf32>
      %max3A_1266 = arith.maximumf %max3A_1262, %max3A_1263 : vector<16xf32>
      %max3A_1267 = arith.maximumf %max3A_1264, %max3A_1265 : vector<16xf32>
      %max3A_1268 = arith.maximumf %max3A_1266, %max3A_1267 : vector<16xf32>
      %gt3A = arith.cmpf ogt, %max3A_1268, %scan3A_1196 : vector<16xf32>
      %select_n3A_1269 = arith.select %gt3A, %max3A_1268, %scan3A_1196 : vector<16xi1>, vector<16xf32>
      %add3A_1270 = arith.constant 0 : i32
      %add3A_1271 = arith.addi %scan3A_1195, %add3A_1270 : i32
      %broadcast_in_dim3A_1272 = vector.broadcast %add3A_1271 : i32 to vector<16xi32>
      %select_n3A_1273 = arith.select %gt3A, %broadcast_in_dim3A_1272, %scan3A_1197 : vector<16xi1>, vector<16xi32>
      scf.yield %select_n3A_1269, %select_n3A_1273 : vector<16xf32>, vector<16xi32>
    }
    %scan3A_922 = arith.constant 128 : i32
    %dma_wait3A_923 = arith.constant 16384 : i32
    %dma_wait3A_924 = tpu.memref_slice %arg7[%dma_wait3A_923] : memref<98304xf32, #tpu.memory_space<vmem>> -> memref<16384xf32, #tpu.memory_space<vmem>>
    %dma_wait3A_925 = arith.constant 16384 : i32
    %dma_wait3A_926 = tpu.memref_slice %arg2[%add3A_631, %dma_wait3A_925] : memref<128x32768xf32, #tpu.memory_space<hbm>> -> memref<1x16384xf32, #tpu.memory_space<hbm>>
    %dma_wait3A_927 = tpu.memref_squeeze %dma_wait3A_926 : memref<1x16384xf32, #tpu.memory_space<hbm>> -> memref<16384xf32, #tpu.memory_space<hbm>>
    %dma_wait3A_928 = arith.constant 16384 : i32
    %dma_wait3A_929 = tpu.memref_slice %arg7[%dma_wait3A_928] : memref<98304xf32, #tpu.memory_space<vmem>> -> memref<16384xf32, #tpu.memory_space<vmem>>
    %dma_wait3A_930 = arith.constant 16384 : i32
    %dma_wait3A_931 = tpu.memref_slice %arg2[%add3A_631, %dma_wait3A_930] : memref<128x32768xf32, #tpu.memory_space<hbm>> -> memref<1x16384xf32, #tpu.memory_space<hbm>>
    %dma_wait3A_932 = tpu.memref_squeeze %dma_wait3A_931 : memref<1x16384xf32, #tpu.memory_space<hbm>> -> memref<16384xf32, #tpu.memory_space<hbm>>
    tpu.wait_dma2 semaphore(%arg13 : memref<!tpu.dma_semaphore, #tpu.memory_space<semaphore_mem>>) src(%dma_wait3A_932 : memref<16384xf32, #tpu.memory_space<hbm>>) dst(%dma_wait3A_929 : memref<16384xf32, #tpu.memory_space<vmem>>)
    %scan3A_933 = arith.constant 0 : i32
    %scan3A_934 = arith.constant 128 : i32
    %scan3A_935 = arith.addi %scan3A_933, %scan3A_934 : i32
    %scan3A_936 = arith.constant 1 : i32
    %scan3A_937:2 = scf.for %scan3A_1195 = %scan3A_933 to %scan3A_935 step %scan3A_936 iter_args(%scan3A_1196 = %scan3A_921#0, %scan3A_1197 = %scan3A_921#1) -> (vector<16xf32>, vector<16xi32>)  : i32 {
      %mul3A_1198 = arith.constant 128 : i32
      %mul3A_1199 = arith.muli %scan3A_1195, %mul3A_1198 : i32
      %add3A_1200 = arith.constant 16384 : i32
      %add3A_1201 = arith.addi %add3A_1200, %mul3A_1199 : i32
      %add3A_1202 = arith.constant 0 : i32
      %add3A_1203 = arith.addi %add3A_1201, %add3A_1202 : i32
      %get3A_1204 = arith.index_cast %add3A_1203 : i32 to index
      %get3A_1205 = tpu.vector_load %arg7[%get3A_1204] {strides = array<i32>} : memref<98304xf32, #tpu.memory_space<vmem>>, vector<16xf32>,
      %mul3A_1206 = arith.constant 128 : i32
      %mul3A_1207 = arith.muli %scan3A_1195, %mul3A_1206 : i32
      %add3A_1208 = arith.constant 16384 : i32
      %add3A_1209 = arith.addi %add3A_1208, %mul3A_1207 : i32
      %add3A_1210 = arith.constant 16 : i32
      %add3A_1211 = arith.addi %add3A_1209, %add3A_1210 : i32
      %get3A_1212 = arith.index_cast %add3A_1211 : i32 to index
      %get3A_1213 = tpu.vector_load %arg7[%get3A_1212] {strides = array<i32>} : memref<98304xf32, #tpu.memory_space<vmem>>, vector<16xf32>,
      %mul3A_1214 = arith.constant 128 : i32
      %mul3A_1215 = arith.muli %scan3A_1195, %mul3A_1214 : i32
      %add3A_1216 = arith.constant 16384 : i32
      %add3A_1217 = arith.addi %add3A_1216, %mul3A_1215 : i32
      %add3A_1218 = arith.constant 32 : i32
      %add3A_1219 = arith.addi %add3A_1217, %add3A_1218 : i32
      %get3A_1220 = arith.index_cast %add3A_1219 : i32 to index
      %get3A_1221 = tpu.vector_load %arg7[%get3A_1220] {strides = array<i32>} : memref<98304xf32, #tpu.memory_space<vmem>>, vector<16xf32>,
      %mul3A_1222 = arith.constant 128 : i32
      %mul3A_1223 = arith.muli %scan3A_1195, %mul3A_1222 : i32
      %add3A_1224 = arith.constant 16384 : i32
      %add3A_1225 = arith.addi %add3A_1224, %mul3A_1223 : i32
      %add3A_1226 = arith.constant 48 : i32
      %add3A_1227 = arith.addi %add3A_1225, %add3A_1226 : i32
      %get3A_1228 = arith.index_cast %add3A_1227 : i32 to index
      %get3A_1229 = tpu.vector_load %arg7[%get3A_1228] {strides = array<i32>} : memref<98304xf32, #tpu.memory_space<vmem>>, vector<16xf32>,
      %mul3A_1230 = arith.constant 128 : i32
      %mul3A_1231 = arith.muli %scan3A_1195, %mul3A_1230 : i32
      %add3A_1232 = arith.constant 16384 : i32
      %add3A_1233 = arith.addi %add3A_1232, %mul3A_1231 : i32
      %add3A_1234 = arith.constant 64 : i32
      %add3A_1235 = arith.addi %add3A_1233, %add3A_1234 : i32
      %get3A_1236 = arith.index_cast %add3A_1235 : i32 to index
      %get3A_1237 = tpu.vector_load %arg7[%get3A_1236] {strides = array<i32>} : memref<98304xf32, #tpu.memory_space<vmem>>, vector<16xf32>,
      %mul3A_1238 = arith.constant 128 : i32
      %mul3A_1239 = arith.muli %scan3A_1195, %mul3A_1238 : i32
      %add3A_1240 = arith.constant 16384 : i32
      %add3A_1241 = arith.addi %add3A_1240, %mul3A_1239 : i32
      %add3A_1242 = arith.constant 80 : i32
      %add3A_1243 = arith.addi %add3A_1241, %add3A_1242 : i32
      %get3A_1244 = arith.index_cast %add3A_1243 : i32 to index
      %get3A_1245 = tpu.vector_load %arg7[%get3A_1244] {strides = array<i32>} : memref<98304xf32, #tpu.memory_space<vmem>>, vector<16xf32>,
      %mul3A_1246 = arith.constant 128 : i32
      %mul3A_1247 = arith.muli %scan3A_1195, %mul3A_1246 : i32
      %add3A_1248 = arith.constant 16384 : i32
      %add3A_1249 = arith.addi %add3A_1248, %mul3A_1247 : i32
      %add3A_1250 = arith.constant 96 : i32
      %add3A_1251 = arith.addi %add3A_1249, %add3A_1250 : i32
      %get3A_1252 = arith.index_cast %add3A_1251 : i32 to index
      %get3A_1253 = tpu.vector_load %arg7[%get3A_1252] {strides = array<i32>} : memref<98304xf32, #tpu.memory_space<vmem>>, vector<16xf32>,
      %mul3A_1254 = arith.constant 128 : i32
      %mul3A_1255 = arith.muli %scan3A_1195, %mul3A_1254 : i32
      %add3A_1256 = arith.constant 16384 : i32
      %add3A_1257 = arith.addi %add3A_1256, %mul3A_1255 : i32
      %add3A_1258 = arith.constant 112 : i32
      %add3A_1259 = arith.addi %add3A_1257, %add3A_1258 : i32
      %get3A_1260 = arith.index_cast %add3A_1259 : i32 to index
      %get3A_1261 = tpu.vector_load %arg7[%get3A_1260] {strides = array<i32>} : memref<98304xf32, #tpu.memory_space<vmem>>, vector<16xf32>,
      %max3A_1262 = arith.maximumf %get3A_1205, %get3A_1213 : vector<16xf32>
      %max3A_1263 = arith.maximumf %get3A_1221, %get3A_1229 : vector<16xf32>
      %max3A_1264 = arith.maximumf %get3A_1237, %get3A_1245 : vector<16xf32>
      %max3A_1265 = arith.maximumf %get3A_1253, %get3A_1261 : vector<16xf32>
      %max3A_1266 = arith.maximumf %max3A_1262, %max3A_1263 : vector<16xf32>
      %max3A_1267 = arith.maximumf %max3A_1264, %max3A_1265 : vector<16xf32>
      %max3A_1268 = arith.maximumf %max3A_1266, %max3A_1267 : vector<16xf32>
      %gt3A = arith.cmpf ogt, %max3A_1268, %scan3A_1196 : vector<16xf32>
      %select_n3A_1269 = arith.select %gt3A, %max3A_1268, %scan3A_1196 : vector<16xi1>, vector<16xf32>
      %add3A_1270 = arith.constant 128 : i32
      %add3A_1271 = arith.addi %scan3A_1195, %add3A_1270 : i32
      %broadcast_in_dim3A_1272 = vector.broadcast %add3A_1271 : i32 to vector<16xi32>
      %select_n3A_1273 = arith.select %gt3A, %broadcast_in_dim3A_1272, %scan3A_1197 : vector<16xi1>, vector<16xi32>
      scf.yield %select_n3A_1269, %select_n3A_1273 : vector<16xf32>, vector<16xi32>
    }
    %scan3A_938 = arith.constant 128 : i32
    %xor3A_939 = arith.constant 8 : i32
    %xor3A_940 = vector.broadcast %xor3A_939 : i32 to vector<16xi32>
    %xor3A_941 = arith.xori %iota3A, %xor3A_940 : vector<16xi32>
    %broadcast_in_dim3A_942 = vector.shape_cast %xor3A_941 : vector<16xi32> to vector<16x1xi32>
    %gather3A_943 = vector.shape_cast %broadcast_in_dim3A_942 : vector<16x1xi32> to vector<16xi32>
    %gather3A_944 = tpu.dynamic_gather %scan3A_937#0[%gather3A_943] in [0] : vector<16xf32>, vector<16xi32> -> vector<16xf32>
    %max3A_945 = arith.maximumf %scan3A_937#0, %gather3A_944 : vector<16xf32>
    %xor3A_946 = arith.constant 4 : i32
    %xor3A_947 = vector.broadcast %xor3A_946 : i32 to vector<16xi32>
    %xor3A_948 = arith.xori %iota3A, %xor3A_947 : vector<16xi32>
    %broadcast_in_dim3A_949 = vector.shape_cast %xor3A_948 : vector<16xi32> to vector<16x1xi32>
    %gather3A_950 = vector.shape_cast %broadcast_in_dim3A_949 : vector<16x1xi32> to vector<16xi32>
    %gather3A_951 = tpu.dynamic_gather %max3A_945[%gather3A_950] in [0] : vector<16xf32>, vector<16xi32> -> vector<16xf32>
    %max3A_952 = arith.maximumf %max3A_945, %gather3A_951 : vector<16xf32>
    %xor3A_953 = arith.constant 2 : i32
    %xor3A_954 = vector.broadcast %xor3A_953 : i32 to vector<16xi32>
    %xor3A_955 = arith.xori %iota3A, %xor3A_954 : vector<16xi32>
    %broadcast_in_dim3A_956 = vector.shape_cast %xor3A_955 : vector<16xi32> to vector<16x1xi32>
    %gather3A_957 = vector.shape_cast %broadcast_in_dim3A_956 : vector<16x1xi32> to vector<16xi32>
    %gather3A_958 = tpu.dynamic_gather %max3A_952[%gather3A_957] in [0] : vector<16xf32>, vector<16xi32> -> vector<16xf32>
    %max3A_959 = arith.maximumf %max3A_952, %gather3A_958 : vector<16xf32>
    %xor3A_960 = arith.constant 1 : i32
    %xor3A_961 = vector.broadcast %xor3A_960 : i32 to vector<16xi32>
    %xor3A_962 = arith.xori %iota3A, %xor3A_961 : vector<16xi32>
    %broadcast_in_dim3A_963 = vector.shape_cast %xor3A_962 : vector<16xi32> to vector<16x1xi32>
    %gather3A_964 = vector.shape_cast %broadcast_in_dim3A_963 : vector<16x1xi32> to vector<16xi32>
    %gather3A_965 = tpu.dynamic_gather %max3A_959[%gather3A_964] in [0] : vector<16xf32>, vector<16xi32> -> vector<16xf32>
    %max3A_966 = arith.maximumf %max3A_959, %gather3A_965 : vector<16xf32>
    %eq3A_967 = arith.cmpf oeq, %scan3A_937#0, %max3A_966 : vector<16xf32>
    %jit3A_968 = arith.constant 2147483647 : i32
    %broadcast_in_dim3A_969 = vector.broadcast %jit3A_968 : i32 to vector<16xi32>
    %select_n3A_970 = arith.select %eq3A_967, %scan3A_937#1, %broadcast_in_dim3A_969 : vector<16xi1>, vector<16xi32>
    %xor3A_971 = arith.constant 8 : i32
    %xor3A_972 = vector.broadcast %xor3A_971 : i32 to vector<16xi32>
    %xor3A_973 = arith.xori %iota3A, %xor3A_972 : vector<16xi32>
    %broadcast_in_dim3A_974 = vector.shape_cast %xor3A_973 : vector<16xi32> to vector<16x1xi32>
    %gather3A_975 = vector.shape_cast %broadcast_in_dim3A_974 : vector<16x1xi32> to vector<16xi32>
    %gather3A_976 = tpu.dynamic_gather %select_n3A_970[%gather3A_975] in [0] : vector<16xi32>, vector<16xi32> -> vector<16xi32>
    %min3A_977 = arith.minsi %select_n3A_970, %gather3A_976 : vector<16xi32>
    %xor3A_978 = arith.constant 4 : i32
    %xor3A_979 = vector.broadcast %xor3A_978 : i32 to vector<16xi32>
    %xor3A_980 = arith.xori %iota3A, %xor3A_979 : vector<16xi32>
    %broadcast_in_dim3A_981 = vector.shape_cast %xor3A_980 : vector<16xi32> to vector<16x1xi32>
    %gather3A_982 = vector.shape_cast %broadcast_in_dim3A_981 : vector<16x1xi32> to vector<16xi32>
    %gather3A_983 = tpu.dynamic_gather %min3A_977[%gather3A_982] in [0] : vector<16xi32>, vector<16xi32> -> vector<16xi32>
    %min3A_984 = arith.minsi %min3A_977, %gather3A_983 : vector<16xi32>
    %xor3A_985 = arith.constant 2 : i32
    %xor3A_986 = vector.broadcast %xor3A_985 : i32 to vector<16xi32>
    %xor3A_987 = arith.xori %iota3A, %xor3A_986 : vector<16xi32>
    %broadcast_in_dim3A_988 = vector.shape_cast %xor3A_987 : vector<16xi32> to vector<16x1xi32>
    %gather3A_989 = vector.shape_cast %broadcast_in_dim3A_988 : vector<16x1xi32> to vector<16xi32>
    %gather3A_990 = tpu.dynamic_gather %min3A_984[%gather3A_989] in [0] : vector<16xi32>, vector<16xi32> -> vector<16xi32>
    %min3A_991 = arith.minsi %min3A_984, %gather3A_990 : vector<16xi32>
    %xor3A_992 = arith.constant 1 : i32
    %xor3A_993 = vector.broadcast %xor3A_992 : i32 to vector<16xi32>
    %xor3A_994 = arith.xori %iota3A, %xor3A_993 : vector<16xi32>
    %broadcast_in_dim3A_995 = vector.shape_cast %xor3A_994 : vector<16xi32> to vector<16x1xi32>
    %gather3A_996 = vector.shape_cast %broadcast_in_dim3A_995 : vector<16x1xi32> to vector<16xi32>
    %gather3A_997 = tpu.dynamic_gather %min3A_991[%gather3A_996] in [0] : vector<16xi32>, vector<16xi32> -> vector<16xi32>
    %min3A_998 = arith.minsi %min3A_991, %gather3A_997 : vector<16xi32>
    %slice3A_999 = vector.extract_strided_slice %min3A_998 {offsets = [0], sizes = [1], strides = [1]} : vector<16xi32> to vector<1xi32>
    %squeeze3A_1000 = vector.extract %slice3A_999[0] : i32 from vector<1xi32>
    %jit3A_1001 = arith.constant 128 : i32
    %div3A_1002 = arith.divsi %squeeze3A_1000, %jit3A_1001 : i32
    %sign3A_1003 = arith.constant 0 : i32
    %sign3A_1004 = arith.cmpi sgt, %squeeze3A_1000, %sign3A_1003 : i32
    %sign3A_1005 = arith.extui %sign3A_1004 : i1 to i32
    %sign3A_1006 = arith.constant 0 : i32
    %sign3A_1007 = arith.cmpi slt, %squeeze3A_1000, %sign3A_1006 : i32
    %sign3A_1008 = arith.extui %sign3A_1007 : i1 to i32
    %sign3A_1009 = arith.subi %sign3A_1005, %sign3A_1008 : i32
    %sign3A_1010 = arith.constant 0 : i32
    %sign3A_1011 = arith.cmpi sgt, %jit3A_1001, %sign3A_1010 : i32
    %sign3A_1012 = arith.extui %sign3A_1011 : i1 to i32
    %sign3A_1013 = arith.constant 0 : i32
    %sign3A_1014 = arith.cmpi slt, %jit3A_1001, %sign3A_1013 : i32
    %sign3A_1015 = arith.extui %sign3A_1014 : i1 to i32
    %sign3A_1016 = arith.subi %sign3A_1012, %sign3A_1015 : i32
    %ne3A_1017 = arith.cmpi ne, %sign3A_1009, %sign3A_1016 : i32
    %rem3A_1018 = arith.remsi %squeeze3A_1000, %jit3A_1001 : i32
    %ne3A_1019 = arith.constant 0 : i32
    %ne3A_1020 = arith.cmpi ne, %rem3A_1018, %ne3A_1019 : i32
    %and3A_1021 = arith.andi %ne3A_1017, %ne3A_1020 : i1
    %sub3A_1022 = arith.constant 1 : i32
    %sub3A_1023 = arith.subi %div3A_1002, %sub3A_1022 : i32
    %select_n3A_1024 = arith.select %and3A_1021, %sub3A_1023, %div3A_1002 : i32
    %add3A_1025 = arith.constant 0 : i32
    %add3A_1026 = arith.addi %add3A_1025, %select_n3A_1024 : i32
    %mul3A_1027 = arith.constant 16384 : i32
    %mul3A_1028 = arith.muli %add3A_1026, %mul3A_1027 : i32
    %jit3A_1029 = arith.constant 128 : i32
    %eq3A_1030 = arith.constant 0 : i32
    %eq3A_1031 = arith.cmpi eq, %jit3A_1029, %eq3A_1030 : i32
    %jit3A_1032 = arith.constant 1 : i32
    %select_n3A_1033 = arith.select %eq3A_1031, %jit3A_1032, %jit3A_1029 : i32
    %rem3A_1034 = arith.remsi %squeeze3A_1000, %select_n3A_1033 : i32
    %ne3A_1035 = arith.constant 0 : i32
    %ne3A_1036 = arith.cmpi ne, %rem3A_1034, %ne3A_1035 : i32
    %lt3A_1037 = arith.constant 0 : i32
    %lt3A_1038 = arith.cmpi slt, %rem3A_1034, %lt3A_1037 : i32
    %lt3A_1039 = arith.constant 0 : i32
    %lt3A_1040 = arith.cmpi slt, %select_n3A_1033, %lt3A_1039 : i32
    %ne3A_1041 = arith.xori %lt3A_1038, %lt3A_1040 : i1
    %and3A_1042 = arith.andi %ne3A_1041, %ne3A_1036 : i1
    %add3A_1043 = arith.addi %rem3A_1034, %select_n3A_1033 : i32
    %select_n3A_1044 = arith.select %and3A_1042, %add3A_1043, %rem3A_1034 : i32
    %mul3A_1045 = arith.constant 128 : i32
    %mul3A_1046 = arith.muli %select_n3A_1044, %mul3A_1045 : i32
    %add3A_1047 = arith.addi %mul3A_1028, %mul3A_1046 : i32
    %mul3A_1048 = arith.constant 128 : i32
    %mul3A_1049 = arith.muli %squeeze3A_1000, %mul3A_1048 : i32
    %broadcast_in_dim3A_1050 = vector.broadcast %mul3A_1049 : i32 to vector<16xi32>
    %add3A_1051 = arith.addi %broadcast_in_dim3A_1050, %iota3A : vector<16xi32>
    %broadcast_in_dim3A_1052 = arith.constant 2147483647 : i32
    %broadcast_in_dim3A_1053 = vector.broadcast %broadcast_in_dim3A_1052 : i32 to vector<16xi32>
    %add3A_1054 = arith.constant 0 : i32
    %add3A_1055 = arith.addi %add3A_1047, %add3A_1054 : i32
    %get3A_1056 = arith.index_cast %add3A_1055 : i32 to index
    %get3A_1057 = tpu.vector_load %arg7[%get3A_1056] {strides = array<i32>} : memref<98304xf32, #tpu.memory_space<vmem>>, vector<16xf32>,
    %eq3A_1058 = arith.cmpf oeq, %get3A_1057, %max3A_966 : vector<16xf32>
    %add3A_1059 = arith.constant 0 : i32
    %add3A_1060 = vector.broadcast %add3A_1059 : i32 to vector<16xi32>
    %add3A_1061 = arith.addi %add3A_1051, %add3A_1060 : vector<16xi32>
    %jit3A_1062 = arith.constant 2147483647 : i32
    %broadcast_in_dim3A_1063 = vector.broadcast %jit3A_1062 : i32 to vector<16xi32>
    %select_n3A_1064 = arith.select %eq3A_1058, %add3A_1061, %broadcast_in_dim3A_1063 : vector<16xi1>, vector<16xi32>
    %min3A_1065 = arith.minsi %broadcast_in_dim3A_1053, %select_n3A_1064 : vector<16xi32>
    %add3A_1066 = arith.constant 16 : i32
    %add3A_1067 = arith.addi %add3A_1047, %add3A_1066 : i32
    %get3A_1068 = arith.index_cast %add3A_1067 : i32 to index
    %get3A_1069 = tpu.vector_load %arg7[%get3A_1068] {strides = array<i32>} : memref<98304xf32, #tpu.memory_space<vmem>>, vector<16xf32>,
    %eq3A_1070 = arith.cmpf oeq, %get3A_1069, %max3A_966 : vector<16xf32>
    %add3A_1071 = arith.constant 16 : i32
    %add3A_1072 = vector.broadcast %add3A_1071 : i32 to vector<16xi32>
    %add3A_1073 = arith.addi %add3A_1051, %add3A_1072 : vector<16xi32>
    %jit3A_1074 = arith.constant 2147483647 : i32
    %broadcast_in_dim3A_1075 = vector.broadcast %jit3A_1074 : i32 to vector<16xi32>
    %select_n3A_1076 = arith.select %eq3A_1070, %add3A_1073, %broadcast_in_dim3A_1075 : vector<16xi1>, vector<16xi32>
    %min3A_1077 = arith.minsi %min3A_1065, %select_n3A_1076 : vector<16xi32>
    %add3A_1078 = arith.constant 32 : i32
    %add3A_1079 = arith.addi %add3A_1047, %add3A_1078 : i32
    %get3A_1080 = arith.index_cast %add3A_1079 : i32 to index
    %get3A_1081 = tpu.vector_load %arg7[%get3A_1080] {strides = array<i32>} : memref<98304xf32, #tpu.memory_space<vmem>>, vector<16xf32>,
    %eq3A_1082 = arith.cmpf oeq, %get3A_1081, %max3A_966 : vector<16xf32>
    %add3A_1083 = arith.constant 32 : i32
    %add3A_1084 = vector.broadcast %add3A_1083 : i32 to vector<16xi32>
    %add3A_1085 = arith.addi %add3A_1051, %add3A_1084 : vector<16xi32>
    %jit3A_1086 = arith.constant 2147483647 : i32
    %broadcast_in_dim3A_1087 = vector.broadcast %jit3A_1086 : i32 to vector<16xi32>
    %select_n3A_1088 = arith.select %eq3A_1082, %add3A_1085, %broadcast_in_dim3A_1087 : vector<16xi1>, vector<16xi32>
    %min3A_1089 = arith.minsi %min3A_1077, %select_n3A_1088 : vector<16xi32>
    %add3A_1090 = arith.constant 48 : i32
    %add3A_1091 = arith.addi %add3A_1047, %add3A_1090 : i32
    %get3A_1092 = arith.index_cast %add3A_1091 : i32 to index
    %get3A_1093 = tpu.vector_load %arg7[%get3A_1092] {strides = array<i32>} : memref<98304xf32, #tpu.memory_space<vmem>>, vector<16xf32>,
    %eq3A_1094 = arith.cmpf oeq, %get3A_1093, %max3A_966 : vector<16xf32>
    %add3A_1095 = arith.constant 48 : i32
    %add3A_1096 = vector.broadcast %add3A_1095 : i32 to vector<16xi32>
    %add3A_1097 = arith.addi %add3A_1051, %add3A_1096 : vector<16xi32>
    %jit3A_1098 = arith.constant 2147483647 : i32
    %broadcast_in_dim3A_1099 = vector.broadcast %jit3A_1098 : i32 to vector<16xi32>
    %select_n3A_1100 = arith.select %eq3A_1094, %add3A_1097, %broadcast_in_dim3A_1099 : vector<16xi1>, vector<16xi32>
    %min3A_1101 = arith.minsi %min3A_1089, %select_n3A_1100 : vector<16xi32>
    %add3A_1102 = arith.constant 64 : i32
    %add3A_1103 = arith.addi %add3A_1047, %add3A_1102 : i32
    %get3A_1104 = arith.index_cast %add3A_1103 : i32 to index
    %get3A_1105 = tpu.vector_load %arg7[%get3A_1104] {strides = array<i32>} : memref<98304xf32, #tpu.memory_space<vmem>>, vector<16xf32>,
    %eq3A_1106 = arith.cmpf oeq, %get3A_1105, %max3A_966 : vector<16xf32>
    %add3A_1107 = arith.constant 64 : i32
    %add3A_1108 = vector.broadcast %add3A_1107 : i32 to vector<16xi32>
    %add3A_1109 = arith.addi %add3A_1051, %add3A_1108 : vector<16xi32>
    %jit3A_1110 = arith.constant 2147483647 : i32
    %broadcast_in_dim3A_1111 = vector.broadcast %jit3A_1110 : i32 to vector<16xi32>
    %select_n3A_1112 = arith.select %eq3A_1106, %add3A_1109, %broadcast_in_dim3A_1111 : vector<16xi1>, vector<16xi32>
    %min3A_1113 = arith.minsi %min3A_1101, %select_n3A_1112 : vector<16xi32>
    %add3A_1114 = arith.constant 80 : i32
    %add3A_1115 = arith.addi %add3A_1047, %add3A_1114 : i32
    %get3A_1116 = arith.index_cast %add3A_1115 : i32 to index
    %get3A_1117 = tpu.vector_load %arg7[%get3A_1116] {strides = array<i32>} : memref<98304xf32, #tpu.memory_space<vmem>>, vector<16xf32>,
    %eq3A_1118 = arith.cmpf oeq, %get3A_1117, %max3A_966 : vector<16xf32>
    %add3A_1119 = arith.constant 80 : i32
    %add3A_1120 = vector.broadcast %add3A_1119 : i32 to vector<16xi32>
    %add3A_1121 = arith.addi %add3A_1051, %add3A_1120 : vector<16xi32>
    %jit3A_1122 = arith.constant 2147483647 : i32
    %broadcast_in_dim3A_1123 = vector.broadcast %jit3A_1122 : i32 to vector<16xi32>
    %select_n3A_1124 = arith.select %eq3A_1118, %add3A_1121, %broadcast_in_dim3A_1123 : vector<16xi1>, vector<16xi32>
    %min3A_1125 = arith.minsi %min3A_1113, %select_n3A_1124 : vector<16xi32>
    %add3A_1126 = arith.constant 96 : i32
    %add3A_1127 = arith.addi %add3A_1047, %add3A_1126 : i32
    %get3A_1128 = arith.index_cast %add3A_1127 : i32 to index
    %get3A_1129 = tpu.vector_load %arg7[%get3A_1128] {strides = array<i32>} : memref<98304xf32, #tpu.memory_space<vmem>>, vector<16xf32>,
    %eq3A_1130 = arith.cmpf oeq, %get3A_1129, %max3A_966 : vector<16xf32>
    %add3A_1131 = arith.constant 96 : i32
    %add3A_1132 = vector.broadcast %add3A_1131 : i32 to vector<16xi32>
    %add3A_1133 = arith.addi %add3A_1051, %add3A_1132 : vector<16xi32>
    %jit3A_1134 = arith.constant 2147483647 : i32
    %broadcast_in_dim3A_1135 = vector.broadcast %jit3A_1134 : i32 to vector<16xi32>
    %select_n3A_1136 = arith.select %eq3A_1130, %add3A_1133, %broadcast_in_dim3A_1135 : vector<16xi1>, vector<16xi32>
    %min3A_1137 = arith.minsi %min3A_1125, %select_n3A_1136 : vector<16xi32>
    %add3A_1138 = arith.constant 112 : i32
    %add3A_1139 = arith.addi %add3A_1047, %add3A_1138 : i32
    %get3A_1140 = arith.index_cast %add3A_1139 : i32 to index
    %get3A_1141 = tpu.vector_load %arg7[%get3A_1140] {strides = array<i32>} : memref<98304xf32, #tpu.memory_space<vmem>>, vector<16xf32>,
    %eq3A_1142 = arith.cmpf oeq, %get3A_1141, %max3A_966 : vector<16xf32>
    %add3A_1143 = arith.constant 112 : i32
    %add3A_1144 = vector.broadcast %add3A_1143 : i32 to vector<16xi32>
    %add3A_1145 = arith.addi %add3A_1051, %add3A_1144 : vector<16xi32>
    %jit3A_1146 = arith.constant 2147483647 : i32
    %broadcast_in_dim3A_1147 = vector.broadcast %jit3A_1146 : i32 to vector<16xi32>
    %select_n3A_1148 = arith.select %eq3A_1142, %add3A_1145, %broadcast_in_dim3A_1147 : vector<16xi1>, vector<16xi32>
    %min3A_1149 = arith.minsi %min3A_1137, %select_n3A_1148 : vector<16xi32>
    %xor3A_1150 = arith.constant 8 : i32
    %xor3A_1151 = vector.broadcast %xor3A_1150 : i32 to vector<16xi32>
    %xor3A_1152 = arith.xori %iota3A, %xor3A_1151 : vector<16xi32>
    %broadcast_in_dim3A_1153 = vector.shape_cast %xor3A_1152 : vector<16xi32> to vector<16x1xi32>
    %gather3A_1154 = vector.shape_cast %broadcast_in_dim3A_1153 : vector<16x1xi32> to vector<16xi32>
    %gather3A_1155 = tpu.dynamic_gather %min3A_1149[%gather3A_1154] in [0] : vector<16xi32>, vector<16xi32> -> vector<16xi32>
    %min3A_1156 = arith.minsi %min3A_1149, %gather3A_1155 : vector<16xi32>
    %xor3A_1157 = arith.constant 4 : i32
    %xor3A_1158 = vector.broadcast %xor3A_1157 : i32 to vector<16xi32>
    %xor3A_1159 = arith.xori %iota3A, %xor3A_1158 : vector<16xi32>
    %broadcast_in_dim3A_1160 = vector.shape_cast %xor3A_1159 : vector<16xi32> to vector<16x1xi32>
    %gather3A_1161 = vector.shape_cast %broadcast_in_dim3A_1160 : vector<16x1xi32> to vector<16xi32>
    %gather3A_1162 = tpu.dynamic_gather %min3A_1156[%gather3A_1161] in [0] : vector<16xi32>, vector<16xi32> -> vector<16xi32>
    %min3A_1163 = arith.minsi %min3A_1156, %gather3A_1162 : vector<16xi32>
    %xor3A_1164 = arith.constant 2 : i32
    %xor3A_1165 = vector.broadcast %xor3A_1164 : i32 to vector<16xi32>
    %xor3A_1166 = arith.xori %iota3A, %xor3A_1165 : vector<16xi32>
    %broadcast_in_dim3A_1167 = vector.shape_cast %xor3A_1166 : vector<16xi32> to vector<16x1xi32>
    %gather3A_1168 = vector.shape_cast %broadcast_in_dim3A_1167 : vector<16x1xi32> to vector<16xi32>
    %gather3A_1169 = tpu.dynamic_gather %min3A_1163[%gather3A_1168] in [0] : vector<16xi32>, vector<16xi32> -> vector<16xi32>
    %min3A_1170 = arith.minsi %min3A_1163, %gather3A_1169 : vector<16xi32>
    %xor3A_1171 = arith.constant 1 : i32
    %xor3A_1172 = vector.broadcast %xor3A_1171 : i32 to vector<16xi32>
    %xor3A_1173 = arith.xori %iota3A, %xor3A_1172 : vector<16xi32>
    %broadcast_in_dim3A_1174 = vector.shape_cast %xor3A_1173 : vector<16xi32> to vector<16x1xi32>
    %gather3A_1175 = vector.shape_cast %broadcast_in_dim3A_1174 : vector<16x1xi32> to vector<16xi32>
    %gather3A_1176 = tpu.dynamic_gather %min3A_1170[%gather3A_1175] in [0] : vector<16xi32>, vector<16xi32> -> vector<16xi32>
    %min3A_1177 = arith.minsi %min3A_1170, %gather3A_1176 : vector<16xi32>
    %eq3A_1178 = arith.constant 3 : i32
    %eq3A_1179 = vector.broadcast %eq3A_1178 : i32 to vector<16xi32>
    %eq3A_1180 = arith.cmpi eq, %iota3A, %eq3A_1179 : vector<16xi32>
    %select_n3A_1181 = arith.select %eq3A_1180, %min3A_1177, %select_n3A_906 : vector<16xi1>, vector<16xi32>
    %get3A_1182 = arith.index_cast %mul3A_2 : i32 to index
    %get3A_1183 = tpu.vector_load %arg9[%get3A_1182] {strides = array<i32>} : memref<144xi32, #tpu.memory_space<vmem>>, vector<16xi32>,
    %and3A_1184 = arith.constant 31 : i32
    %and3A_1185 = vector.broadcast %and3A_1184 : i32 to vector<16xi32>
    %and3A_1186 = arith.andi %get3A_1183, %and3A_1185 : vector<16xi32>
    %get3A_1187 = arith.index_cast %mul3A_2 : i32 to index
    %get3A_1188 = tpu.vector_load %arg10[%get3A_1187] {strides = array<i32>} : memref<144xf32, #tpu.memory_space<vmem>>, vector<16xf32>,
    %gather3A_1189 = tpu.vector_load_idx %arg8[%and3A_1186] : memref<32xi32, #tpu.memory_space<vmem>>[vector<16xi32>], vector<16xi32>,
    %lt3A_1190 = arith.constant 5.000000e-02 : f32
    %lt3A_1191 = vector.broadcast %lt3A_1190 : f32 to vector<16xf32>
    %lt3A_1192 = arith.cmpf olt, %get3A_1188, %lt3A_1191 : vector<16xf32>
    %select_n3A_1193 = arith.select %lt3A_1192, %gather3A_1189, %select_n3A_1181 : vector<16xi1>, vector<16xi32>
    %swap3A = arith.constant 0 : index
    %swap3A_1194 = tpu.vector_load %arg11[%swap3A] {strides = array<i32>} : memref<16xi32, #tpu.memory_space<vmem>>, vector<16xi32>,
    tpu.vector_store %arg11[%swap3A], %select_n3A_1193 {strides = array<i32>} : memref<16xi32, #tpu.memory_space<vmem>>, vector<16xi32>,
    "tpu.region"() ({
      %run_scoped3A = tpu.sem_alloc : memref<!tpu.dma_semaphore, #tpu.memory_space<semaphore_mem>>
      %dma_start3A_1195 = arith.constant 0 : i32
      %dma_start3A_1196 = tpu.memref_slice %arg6[%add3A, %dma_start3A_1195] : memref<32x16xi32, #tpu.memory_space<hbm>> -> memref<1x16xi32, #tpu.memory_space<hbm>>
      %dma_start3A_1197 = tpu.memref_squeeze %dma_start3A_1196 : memref<1x16xi32, #tpu.memory_space<hbm>> -> memref<16xi32, #tpu.memory_space<hbm>>
      %dma_start3A_1198 = arith.constant 0 : i32
      %dma_start3A_1199 = tpu.memref_slice %arg6[%add3A, %dma_start3A_1198] : memref<32x16xi32, #tpu.memory_space<hbm>> -> memref<1x16xi32, #tpu.memory_space<hbm>>
      %dma_start3A_1200 = tpu.memref_squeeze %dma_start3A_1199 : memref<1x16xi32, #tpu.memory_space<hbm>> -> memref<16xi32, #tpu.memory_space<hbm>>
      tpu.enqueue_dma source(%arg11 : memref<16xi32, #tpu.memory_space<vmem>>) target(%dma_start3A_1200 : memref<16xi32, #tpu.memory_space<hbm>>) target_semaphore(%run_scoped3A : memref<!tpu.dma_semaphore, #tpu.memory_space<semaphore_mem>>)
      %dma_wait3A_1201 = arith.constant 0 : i32
      %dma_wait3A_1202 = tpu.memref_slice %arg6[%add3A, %dma_wait3A_1201] : memref<32x16xi32, #tpu.memory_space<hbm>> -> memref<1x16xi32, #tpu.memory_space<hbm>>
      %dma_wait3A_1203 = tpu.memref_squeeze %dma_wait3A_1202 : memref<1x16xi32, #tpu.memory_space<hbm>> -> memref<16xi32, #tpu.memory_space<hbm>>
      %dma_wait3A_1204 = arith.constant 0 : i32
      %dma_wait3A_1205 = tpu.memref_slice %arg6[%add3A, %dma_wait3A_1204] : memref<32x16xi32, #tpu.memory_space<hbm>> -> memref<1x16xi32, #tpu.memory_space<hbm>>
      %dma_wait3A_1206 = tpu.memref_squeeze %dma_wait3A_1205 : memref<1x16xi32, #tpu.memory_space<hbm>> -> memref<16xi32, #tpu.memory_space<hbm>>
      tpu.wait_dma2 semaphore(%run_scoped3A : memref<!tpu.dma_semaphore, #tpu.memory_space<semaphore_mem>>) src(%arg11 : memref<16xi32, #tpu.memory_space<vmem>>) dst(%dma_wait3A_1206 : memref<16xi32, #tpu.memory_space<hbm>>)
      tpu.yield
    }) : () -> ()
    return
  }
}

</mosaic_0001>

<sc_bundles>
// kernel: kernel.3.cloned.1.call-start
scs
__scs_entry_jumppad:
0x0: {  	(pc) =	sbr.rel $0x88, $3  }
0x1: {  	(tag) =	ssettag $0x0;
	lr =	simm.s32 $0x1  }
0x2: {  	[smem:$0x3F9D] =	sst lr;
	_ =	strace $0xD0000000  }
0x3: {  	_ = 	snop  }
0x4: {  	_ = 	snop  }
0x5: {  	_ = 	snop  }
0x6: {  	_ = 	snop  }
0x7: {  	_ = 	snop  }
__scs_overlays_trampoline_lowered:
0x8: {  	[smem:$0x3FAC] =	sst s0  }
0x9: {  	[smem:$0x3FAD] =	sst s1  }
0xa: {  	[smem:$0x3FAE] =	sst s2  }
0xb: {  	[smem:$0x3FAF] =	sst s3  }
0xc: {  	[smem:$0x3FB0] =	sst s4  }
0xd: {  	[smem:$0x3FB1] =	sst s5  }
0xe: {  	[smem:$0x3FB2] =	sst s6  }
0xf: {  	[smem:$0x3FB3] =	sst s7  }
0x10: {  	[smem:$0x3FB4] =	sst s8  }
0x11: {  	[smem:$0x3FB5] =	sst s9;
	s0 =	simm.s32 @!p0 $0x0  }
0x12: {  	s1 =	sld [smem:$0x3F9B];
	s0 =	simm.s32 @p0 $0x1  }
0x13: {  	[smem:$0x3FB6] =	sst s0;
	s0 =	simm.s32 @!p1 $0x0  }
0x14: {  	s2 =	sld [smem:$0x3F9A];
	s0 =	simm.s32 @p1 $0x1  }
0x15: {  	[smem:$0x3FB7] =	sst s0;
	s0 =	simm.s32 @!p2 $0x0  }
0x16: {  	s3 =	sld [smem:$0x3FDB];
	s0 =	simm.s32 @p2 $0x1  }
0x17: {  	s4 =	simm.s32 $0x1BF5;
	[smem:$0x3FB9] =	sst s0  }
0x18: {  	s0 =	sld [smem:$0x3F9C];
	_ =	swait.ge [sflag:s4], $0x0  }
0x19: {  	s7 =	sld [smem:$0x3F9D]  }
0x1a: {  	s8 =	sadd.s32 $0xFFFFE003, lr  }
0x1b: {  	s9 =	sadd.s32 $0xFFFFFEF7, lr;
	s5 =	simm.s32 $0xFFFFFFFF;
	p2 =	slt.u32 s8, $0xFFFFF086  }
0x1c: {  	p1 =	slt.u32 s9, $0xF7A;
	s5 =	simm.s32 @!p2 $0x0  }
0x1d: {  	s5 =	simm.s32 @p1 $0x1;
	p0 =	seq.s32 s7, s2  }
0x1e: {  	s7 =	smul.u32 @!p0 $0xF7A, s2;
	p2 =	seq.s32 @!p0 s5, $0x0  }
0x1f: {  	s9 =	smul.u32 $0xF7A, s1;
	s8 =	simm.s32 @!p0 $0x1BF5;
	p2 =	por !p2, p0  }
0x20: {  	[sflag:s8] =	ssyncset.s32 @!p0 $0xFFFFF086;
	s6 =	sadd.s32 @!p0 s3, s7;
	s7 =	simm.s32 @!p0 $0x108  }
0x21: {  	s3 =	sadd.s32 s3, s9;
	s6 =	sadd.s32 @!p0 $0x88, s6;
	s7 =	simm.s32 @p2 $0x1082  }
0x22: {  	[simem:s7], [sflag:s8] =	dma.local @!p0 [hbm:s6], $0xF7A  }
0x23: {  	s9 =	sor.u32 $0xD0000000, s2;
	s6 =	simm.s32 $0x108;
	_ =	swait.ge @!p0 [sflag:s8], $0x0  }
0x24: {  	s3 =	sadd.s32 $0x88, s3;
	s6 =	simm.s32 @!p1 $0x1082;
	[sflag:s4] =	ssyncset.s32 $0xFFFFF086  }
0x25: {  	[simem:s6], [sflag:s4] =	dma.local [hbm:s3], $0xF7A  }
0x26: {  	[smem:$0x3F9D] =	sst s1;
	(tag) =	ssettag s2;
	_ =	strace s9  }
0x27: {  	s1 =	sld [smem:$0x3FAD]  }
0x28: {  	s2 =	sld [smem:$0x3FAE]  }
0x29: {  	s4 =	sld [smem:$0x3FB0]  }
0x2a: {  	p0 =	seq.s32 s5, $0x0;
	s5 =	sld [smem:$0x3FB1]  }
0x2b: {  	s6 =	sld [smem:$0x3FB2]  }
0x2c: {  	s7 =	sld [smem:$0x3FB3]  }
0x2d: {  	s3 =	simm.s32 $0x108;
	s8 =	sld [smem:$0x3FB4]  }
0x2e: {  	s3 =	simm.s32 @!p0 $0x1082;
	s9 =	sld [smem:$0x3FB5]  }
0x2f: {  	lr =	sadd.s32 s0, s3;
	s0 =	sld [smem:$0x3FAC]  }
0x30: {  	s3 =	sld [smem:$0x3FAF]  }
0x31: {  	[smem:$0x3FB8] =	sst s10  }
0x32: {  	s10 =	sld [smem:$0x3FB6];
	_ =	sdelay $0x3  }
0x33: {  	p0 =	seq.s32 s10, $0x1;
	s10 =	sld [smem:$0x3FB8];
	_ =	sdelay $0x3  }
0x34: {  	[smem:$0x3FB8] =	sst s10  }
0x35: {  	s10 =	sld [smem:$0x3FB7];
	_ =	sdelay $0x3  }
0x36: {  	p1 =	seq.s32 s10, $0x1;
	s10 =	sld [smem:$0x3FB8];
	_ =	sdelay $0x3  }
0x37: {  	[smem:$0x3FB8] =	sst s10  }
0x38: {  	s10 =	sld [smem:$0x3FB9]  }
0x39: {  	_ = 	snop;
	(pc) =	sbr.ind lr, $3  }
0x3a: {  	_ = 	snop  }
0x3b: {  	_ = 	snop  }
0x3c: {  	p2 =	seq.s32 s10, $0x1;
	s10 =	sld [smem:$0x3FB8]  }
0x3d: {  	_ =	shalt  }
0x3e: {  	_ =	shalt  }
0x3f: {  	_ =	shalt  }
0x40: {  	_ =	shalt  }
0x41: {  	_ =	shalt  }
0x42: {  	_ =	shalt  }
0x43: {  	_ =	shalt  }
0x44: {  	_ =	shalt  }
0x45: {  	_ =	shalt  }
0x46: {  	_ =	shalt  }
0x47: {  	_ =	shalt  }
0x48: {  	_ =	shalt  }
0x49: {  	_ =	shalt  }
0x4a: {  	_ =	shalt  }
0x4b: {  	_ =	shalt  }
0x4c: {  	_ =	shalt  }
0x4d: {  	_ =	shalt  }
0x4e: {  	_ =	shalt  }
0x4f: {  	_ =	shalt  }
0x50: {  	_ =	shalt  }
0x51: {  	_ =	shalt  }
0x52: {  	_ =	shalt  }
0x53: {  	_ =	shalt  }
0x54: {  	_ =	shalt  }
0x55: {  	_ =	shalt  }
0x56: {  	_ =	shalt  }
0x57: {  	_ =	shalt  }
0x58: {  	_ =	shalt  }
0x59: {  	_ =	shalt  }
0x5a: {  	_ =	shalt  }
0x5b: {  	_ =	shalt  }
0x5c: {  	_ =	shalt  }
0x5d: {  	_ =	shalt  }
0x5e: {  	_ =	shalt  }
0x5f: {  	_ =	shalt  }
0x60: {  	_ =	shalt  }
0x61: {  	_ =	shalt  }
0x62: {  	_ =	shalt  }
0x63: {  	_ =	shalt  }
0x64: {  	_ =	shalt  }
0x65: {  	_ =	shalt  }
0x66: {  	_ =	shalt  }
0x67: {  	_ =	shalt  }
0x68: {  	_ =	shalt  }
0x69: {  	_ =	shalt  }
0x6a: {  	_ =	shalt  }
0x6b: {  	_ =	shalt  }
0x6c: {  	_ =	shalt  }
0x6d: {  	_ =	shalt  }
0x6e: {  	_ =	shalt  }
0x6f: {  	_ =	shalt  }
0x70: {  	_ =	shalt  }
0x71: {  	_ =	shalt  }
0x72: {  	_ =	shalt  }
0x73: {  	_ =	shalt  }
0x74: {  	_ =	shalt  }
0x75: {  	_ =	shalt  }
0x76: {  	_ =	shalt  }
0x77: {  	_ =	shalt  }
0x78: {  	_ =	shalt  }
0x79: {  	_ =	shalt  }
0x7a: {  	_ =	shalt  }
0x7b: {  	_ =	shalt  }
0x7c: {  	_ =	shalt  }
0x7d: {  	_ =	shalt  }
0x7e: {  	_ =	shalt  }
0x7f: {  	_ =	shalt  }
0x80: {  	_ =	shalt  }
0x81: {  	_ =	shalt  }
0x82: {  	_ =	shalt  }
0x83: {  	_ =	shalt  }
0x84: {  	_ =	shalt  }
0x85: {  	_ =	shalt  }
0x86: {  	_ =	shalt  }
0x87: {  	_ =	shalt  }
.Lfunc_end0:
.L_simem_size_0:
called_computation_lowered:
.L_overlay_start_0:
0x88: {  	s2 =	sld [smem:$0x3FD9]  }
0x89: {  	s3 =	sld [smem:$0x3FFE];
	_ =	sdelay $0x1  }
0x8a: {  	s1 =	srdreg.scid  }
0x8b: {  	s0 =	sand.u32 $0x1, s1  }
0x8c: {  	s17 =	sshll.u32 s0, $0xA;
	s2 =	sadd.s32 s3, s2  }
0x8d: {  	s2 =	sadd.s32 s2, s17  }
0x8e: {  	[smem:$0x3FC4] =	sst s2  }
0x8f: {  	_ = 	snop  }
0x90: {  	s2 =	sld [smem:$0x3FC9]  }
0x91: {  	s18 =	sld [smem:$0x3FC8]  }
0x92: {  	s4 =	sld [smem:$0x3FC7]  }
0x93: {  	s5 =	sld [smem:$0x3FC6];
	(tm) =	ssettm $0x1  }
0x94: {  	s6 =	sld [smem:$0x3FFB];
	_ =	sdelay $0x3  }
0x95: {  	_ =	strace s6  }
0x96: {  	s6 =	sld [smem:$0x3FFC];
	_ =	sdelay $0x3  }
0x97: {  	_ =	strace s6  }
0x98: {  	s6 =	sld [smem:$0x3FFD];
	_ =	sdelay $0x3  }
0x99: {  	_ =	strace s6  }
0x9a: {  	_ =	strace $0x8FFFFFFF  }
0x9b: {  	s19 =	sld [smem:$0x3FDB];
	_ =	sdelay $0x1  }
0x9c: {  	s7 =	simm.s32 $_scs_section_size  }
0x9d: {  	s8 =	simm.s32 $_size__tile_overlayer_lowered;
	s9 =	simm.s32 $_tile_overlayer_lowered  }
0x9e: {  	s22 =	simm.s32 $0x1BFF;
	s21 =	sshll.u32 s9, $0x1;
	s6 =	sadd.s32 s7, s19  }
0x9f: {  	s10 =	simm.s32 $0x0;
	s20 =	sshll.u32 s8, $0x1;
	s8 =	sadd.s32 s21, s6  }
0xa0: {  	[timem:s10], [sflag:s22] =	dma.local [hbm:s8], s20  }
0xa1: {  	_ =	swait.ge [sflag:s22], s20  }
0xa2: {  	s7 =	ssub.s32 $0x0, s20;
	[sflag:s22] =	ssyncset.done $0x0  }
0xa3: {  	[sflag:s22] =	ssyncadd.s32 s7;
	_ =	sdelay $0x1  }
0xa4: {  	s23 =	simm.s32 $0x1B8B  }
0xa5: {  	_ =	swait.ge [sflag:s23], $0x1  }
0xa6: {  	[sflag:s23] =	ssyncset.done $0x0  }
0xa7: {  	s25 =	simm.s32 $0x1B8E;
	s24 =	sld [smem:$0x3FFE];
	[sflag:s23] =	ssyncadd.s32 $0xFFFFFFFF  }
0xa8: {  	s26 =	simm.s32 $execute0_lowered;
	[smem:$0x3FD2] =	sst s25  }
0xa9: {  	s8 =	sshll.u32 s26, $0x1;
	_ =	strace $0x80000046;
	[dreg:$0x1] =	wrdreg $0xFFFFFFFF  }
0xaa: {  	s28 =	simm.s32 $_size_execute0_lowered;
	s6 =	sadd.s32 s6, s8;
	[dreg:$0x0] =	wrdreg $0x0  }
0xab: {  	s8 =	sshll.u32 s28, $0x1;
	[dreg:$0x2] =	wrdreg s6  }
0xac: {  	[dreg:$0x3] =	wrdreg s8  }
0xad: {  	[dreg:$0x4] =	wrdreg $0xC0  }
0xae: {  	_ =	task [dreg:s10], $0x5FFFF  }
0xaf: {  	[dreg:$0x1] =	wrdreg $0xFFFFFFFF  }
0xb0: {  	[dreg:$0x0] =	wrdreg $0x60  }
0xb1: {  	[dreg:$0x2] =	wrdreg s2  }
0xb2: {  	[dreg:$0x3] =	wrdreg s18  }
0xb3: {  	[dreg:$0x4] =	wrdreg s4  }
0xb4: {  	[dreg:$0x5] =	wrdreg s5  }
0xb5: {  	[dreg:$0x6] =	wrdreg s24  }
0xb6: {  	[dreg:$0x7] =	wrdreg $0x9  }
0xb7: {  	_ =	task.clear_ibuf [dreg:s10], $0x8FFFF;
	_ =	strace $0x90000046  }
0xb8: {  	s29 =	simm.s32 $0x9;
	_ =	strace $0x80000048  }
0xb9: {  	_ =	swait.ge [sflag:s29], $0x1  }
0xba: {  	[sflag:s29] =	ssyncadd.s32 $0xFFFFFFFF  }
0xbb: {  	_ =	strace $0x90000048  }
0xbc: {  	_ =	sfence  }
0xbd: {  	s30 =	sld [smem:$0x0];
	_ =	sdelay $0x2  }
0xbe: {  	s31 =	sshll.u32 s1, $0xD;
	s1 =	sshrl.u32 s1, $0x2  }
0xbf: {  	s3 =	sand.u32 $0x4000, s31;
	s1 =	sadd.s32 s1, s30  }
0xc0: {  	s0 =	sor.u32 s3, s0;
	s1 =	sshll.u32 s1, $0x11  }
0xc1: {  	s0 =	sor.u32 s1, s0  }
0xc2: {  	s0 =	sadd.s32 $0x8F2B, s0  }
0xc3: {  	[sflag:s0] =	ssyncadd.remote.s32 $0x1  }
0xc4: {  	_ =	sfence.sel $0xFFFF  }
0xc5: {  	[dreg:$0x0] =	wrdreg $0xFFFFFFFF;
	(pc) =	sbr.abs _section_cstart, $3  }
0xc6: {  	[dreg:$0x1] =	wrdreg $0xFFFFFFFF  }
0xc7: {  	_ =	task.clear_ibuf [dreg:s10], $0x2FFFF;
	_ =	strace $0x9FFFFFFF  }
0xc8: {  	(tm) =	ssettm $0x7FFFFFFF  }
0xc9: {  	_ =	shalt  }
tec
execute0_lowered:
.L_overlay_start_1:
0x0: {  	(tag) =	ssettag $0x1  }
0x1: {  	s0 =	rddreg [dreg:$0x0]  }
0x2: {  	s1 =	rddreg [dreg:$0x4];
	s6 =	stileid.u32  }
0x3: {  	s2 =	srdreg.scid;
	s5 =	simm.s32 $0x0;
	s17 =	simm.s32 $0x80  }
0x4: {  	s18 =	simm.s32 $0x400;
	s19 =	simm.s32 $0x4000;
	s21 =	simm.s32 $0x18000  }
0x5: {  	s22 =	simm.s32 $0x4;
	s28 =	simm.s32 $0x2;
	s29 =	simm.s32 $0x10000  }
0x6: {  	s30 =	simm.s32 $0x3;
	s31 =	simm.s32 $0x14000;
	s3 =	sshll.u32 s6, $0x4  }
0x7: {  	s2 =	sand.u32 $0x1, s2;
	[smem:$0x7FF] =	sst s5;
	s3 =	sand.u32 $0x70, s3  }
0x8: {  	s4 =	sshll.u32 s2, $0x4;
	_ =	strace $0x80000047;
	s2 =	ssub.s32 $0x2, s2  }
0x9: {  	s1 =	sadd.s32 s3, s1;
	s23 =	sor.u32 s6, s4;
	s6 =	sshll.u32 s6, $0x9  }
0xa: {  	s7 =	sshrl.u32 s2, $0x1;
	s4 =	sshll.u32 s23, $0x11;
	s9 =	sand.u32 $0x200, s6  }
0xb: {  	v0 =	vimm.s32 $0xFEDCBA98;
	v1 =	vimm.s32 $0x76543210;
	v2 =	vimm.s32 $0xBA98FEDC;
	s2 =	ssub.s32 s2, s7;
	s6 =	sshll.u32 s23, $0x2;
	s3 =	sshll.u32 s23, $0x4  }
0xc: {  	v3 =	vimm.s32 $0x32107654;
	v4 =	vimm.s32 $0xDCFE98BA;
	s23 =	simm.s32 $0x18080;
	s13 =	sand.u32 $0x3C0000, s4;
	s8 =	sor.u32 s9, s4  }
0xd: {  	v5 =	vimm.s32 $0x54761032;
	v6 =	vimm.s32 $0xEFCDAB89;
	s10 =	sor.u32 $0x80, s9;
	s12 =	sor.u32 $0x100, s9;
	s15 =	sor.u32 $0x180, s9  }
0xe: {  	v7 =	vimm.s32 $0x67452301;
	vm0 =	vcmask $0x310;
	vm1 =	vcmask $0x710;
	s3 =	sand.u32 $0x180, s3;
	s16 =	smax.u32 s2, $0x1;
	s2 =	simm.s32 $0x0  }
0xf: {  	v0 =	vunpack.c.l.s4.s8 v0;
	v1 =	vunpack.c.l.s4.s8 v1;
	v2 =	vunpack.c.l.s4.s8 v2;
	s24 =	sor.u32 s9, s13;
	s8 =	sshrl.u32 s8, $0x3;
	s11 =	sor.u32 s10, s4  }
0x10: {  	v3 =	vunpack.c.l.s4.s8 v3;
	v4 =	vunpack.c.l.s4.s8 v4;
	v5 =	vunpack.c.l.s4.s8 v5;
	s10 =	sor.u32 s10, s13;
	s14 =	sor.u32 s12, s4;
	s12 =	sor.u32 s12, s13  }
0x11: {  	v6 =	vunpack.c.l.s4.s8 v6;
	v7 =	vunpack.c.l.s4.s8 v7;
	v0 =	vunpack.c.0.s8.s32 v0;
	s4 =	sor.u32 s15, s4;
	s13 =	sor.u32 s15, s13;
	s26 =	sadd.s32 s3, s1  }
0x12: {  	v2 =	vunpack.c.0.s8.s32 v2;
	v3 =	vunpack.c.0.s8.s32 v3;
	v4 =	vunpack.c.0.s8.s32 v4;
	s7 =	sshrl.u32 s24, $0x3;
	s8 =	sor.u32 $0x4000, s8;
	s11 =	sshrl.u32 s11, $0x3  }
0x13: {  	v5 =	vunpack.c.0.s8.s32 v5;
	v6 =	vunpack.c.0.s8.s32 v6;
	v7 =	vunpack.c.0.s8.s32 v7;
	s10 =	sshrl.u32 s10, $0x3;
	s14 =	sshrl.u32 s14, $0x3;
	s25 =	sshrl.u32 s12, $0x3  }
0x14: {  	vm2 =	vcmask $0xB10;
	v1 =	vunpack.c.0.s8.s32 v1;
	v2 =	vcombine.low v3, v2;
	s4 =	sshrl.u32 s4, $0x3;
	s13 =	sshrl.u32 s13, $0x3;
	s15 =	sadd.s32 $0x400, s26  }
0x15: {  	v0 =	vand.u32 $0xF, v0;
	v3 =	vcombine.low v5, v4;
	v4 =	vcombine.low v7, v6;
	s24 =	simm.s32 $0x18180;
	s26 =	simm.s32 $0xC000;
	s7 =	sadd.s32 s0, s7  }
0x16: {  	v0 =	vcombine.low v0, v1;
	v1 =	vand.u32 $0xF, v2;
	v2 =	vlaneseq.u32;
	s11 =	sor.u32 $0x4000, s11;
	s8 =	sadd.s32 s0, s8;
	s14 =	sor.u32 $0x4000, s14  }
0x17: {  	v3 =	vand.u32 $0xF, v3;
	v4 =	vand.u32 $0xF, v4;
	s9 =	sadd.s32 s0, s10;
	s4 =	sor.u32 $0x4000, s4;
	s13 =	sadd.s32 s0, s13;
	v5 =	vor.u32 $0x10, v2  }
0x18: {  	v6 =	vor.u32 $0x20, v2;
	v7 =	vor.u32 $0x30, v2;
	v8 =	vor.u32 $0x40, v2;
	s10 =	sadd.s32 s0, s11;
	s11 =	sadd.s32 s0, s25;
	s12 =	sadd.s32 s0, s14  }
0x19: {  	v9 =	vor.u32 $0x50, v2;
	v10 =	vor.u32 $0x60, v2;
	v11 =	vor.u32 $0x70, v2;
	s14 =	sadd.s32 s0, s4;
	s25 =	simm.s32 $0x1;
	s0 =	simm.s32 $0x18280  }
.LBB2_1:
0x1a: {  	[tilespmem:s5], [sflag:$0x1] =	stream.strided.gather [hbm4b:s7+s17], $0x4000, s18, s17, $0x38;
	[tilespmem:$0x18300] =	vst v63  }
0x1b: {  	_ = 	snop  }
0x1c: {  	[tilespmem:s19], [sflag:$0x2] =	stream.strided.gather [hbm4b:s8+s17], $0x4000, s18, s17, $0x38;
	[tilespmem:$0x18300] =	vst v63  }
0x1d: {  	s1 =	simm.s32 $0x8000  }
0x1e: {  	[tilespmem:s1], [sflag:$0x3] =	stream.strided.gather [hbm4b:s9+s17], $0x4000, s18, s17, $0x38;
	[tilespmem:$0x18300] =	vst v63  }
0x1f: {  	s4 =	rddreg [dreg:$0x1]  }
0x20: {  	[tilespmem:s21], [sflag:$0x4] =	stream.linear.gather [hbm4b:s4+s5], $0x80, $0x38;
	[tilespmem:$0x18300] =	vst v63  }
0x21: {  	_ =	swait.ge [sflag:s22], $0x80  }
0x22: {  	[sflag:s22] =	ssyncset.done $0x0  }
0x23: {  	[sflag:s22] =	ssyncadd.s32 $0xFFFFFF80  }
0x24: {  	s20 =	rddreg [dreg:$0x2]  }
0x25: {  	[tilespmem:s23], [sflag:$0x4] =	stream.linear.gather [hbm4b:s20+s5], $0x80, $0x38;
	[tilespmem:$0x18300] =	vst v63  }
0x26: {  	_ =	swait.ge [sflag:s22], $0x80  }
0x27: {  	[sflag:s22] =	ssyncset.done $0x0  }
0x28: {  	[sflag:s22] =	ssyncadd.s32 $0xFFFFFF80  }
0x29: {  	s3 =	rddreg [dreg:$0x3]  }
0x2a: {  	[tilespmem:s24], [sflag:$0x4] =	stream.linear.gather [hbm4b:s3+s5], $0x80, $0x38;
	[tilespmem:$0x18300] =	vst v63  }
0x2b: {  	_ =	swait.ge [sflag:s22], $0x80  }
0x2c: {  	[sflag:s22] =	ssyncset.done $0x0  }
0x2d: {  	[sflag:s22] =	ssyncadd.s32 $0xFFFFFF80  }
0x2e: {  	_ =	swait.ge [sflag:s25], $0x4000  }
0x2f: {  	[sflag:s25] =	ssyncset.done $0x0  }
0x30: {  	s4 =	simm.s32 $0x40;
	[sflag:s25] =	ssyncadd.s32 $0xFFFFC000  }
0x31: {  	[tilespmem:s26], [sflag:$0x1] =	stream.strided.gather [hbm4b:s10+s17], $0x4000, s18, s17, $0x38;
	[tilespmem:$0x18300] =	vst v63  }
0x32: {  	v12 =	vld [tilespmem:s4+$0xFFFFFFC0]  }
0x33: {  	v13 =	vld [tilespmem:s4+$0xFFFFFFD0]  }
0x34: {  	v16 =	vld [tilespmem:s4+$0xFFFFFFE0]  }
0x35: {  	v18 =	vld [tilespmem:s4+$0xFFFFFFF0]  }
0x36: {  	v19 =	vld [tilespmem:s4+$0x0]  }
0x37: {  	v21 =	vld [tilespmem:s4+$0x10]  }
0x38: {  	v22 =	vld [tilespmem:s4+$0x20]  }
0x39: {  	s20 =	simm.s32 $0xC0;
	v23 =	vld [tilespmem:s4+$0x30]  }
0x3a: {  	v15 =	vld [tilespmem:s20+$0xFFFFFFC0]  }
0x3b: {  	v17 =	vld [tilespmem:s20+$0xFFFFFFD0]  }
0x3c: {  	v20 =	vld [tilespmem:s20+$0xFFFFFFE0]  }
0x3d: {  	v14 =	vld [tilespmem:s20+$0xFFFFFFF0];
	v13 =	vmax.f32 v12, v13  }
0x3e: {  	v12 =	vld [tilespmem:s20+$0x0];
	v18 =	vmax.f32 v16, v18;
	v19 =	vmax.f32 v19, v21;
	v21 =	vmax.f32 v22, v23  }
0x3f: {  	v16 =	vld [tilespmem:s20+$0x10];
	v18 =	vmax.f32 v13, v18;
	v21 =	vmax.f32 v19, v21  }
0x40: {  	s1 =	simm.s32 $0x140;
	v13 =	vimm.f32 $-Inf;
	v19 =	vld [tilespmem:s20+$0x20];
	v22 =	vmax.f32 v18, v21  }
0x41: {  	s3 =	simm.s32 $0x1;
	s4 =	simm.s32 $0x0;
	v18 =	vimm.s32 $0x0;
	v21 =	vld [tilespmem:s20+$0x30];
	s20 =	simm.s32 $0x2;
	vm3 =	vgt.f32 v22, v13  }
.LBB2_2:
0x42: {  	v23 =	vld [tilespmem:s1+$0xFFFFFFC0];
	p0 =	sne.s32 s20, $0x7F;
	v13 =	vsel vm3, v22, v13;
	v18 =	vsel vm3, s4, v18;
	v22 =	vmov v14;
	s4 =	smov.u32 s3;
	s3 =	smov.u32 s20  }
0x43: {  	v24 =	vld [tilespmem:s1+$0xFFFFFFD0]  }
0x44: {  	v25 =	vld [tilespmem:s1+$0xFFFFFFE0]  }
.Ltmp0:
0x45: {  	v26 =	vmax.f32 v15, v17;
	v14 =	vld [tilespmem:s1+$0xFFFFFFF0];
	(pc) =	sbr.rel @p0 .LBB2_2-.Ltmp0, $4  }
0x46: {  	v27 =	vmax.f32 v20, v22;
	v20 =	vmax.f32 v12, v16;
	v12 =	vld [tilespmem:s1+$0x0];
	v19 =	vmax.f32 v19, v21  }
0x47: {  	v21 =	vmax.f32 v26, v27;
	v16 =	vld [tilespmem:s1+$0x10];
	v26 =	vmax.f32 v20, v19;
	v15 =	vmov v23  }
0x48: {  	v19 =	vld [tilespmem:s1+$0x20];
	v22 =	vmax.f32 v21, v26;
	v17 =	vmov v24  }
0x49: {  	s20 =	sadd.s32 $0x1, s20;
	v21 =	vld [tilespmem:s1+$0x30];
	s1 =	sadd.s32 $0x80, s1;
	vm3 =	vgt.f32 v22, v13;
	v20 =	vmov v25  }
0x4a: {  	_ =	swait.ge [sflag:s28], $0x4000  }
0x4b: {  	[sflag:s28] =	ssyncset.done $0x0  }
0x4c: {  	s1 =	simm.s32 $0x80;
	s20 =	simm.s32 $0x0;
	[sflag:s28] =	ssyncadd.s32 $0xFFFFC000  }
0x4d: {  	[tilespmem:s29], [sflag:$0x2] =	stream.strided.gather [hbm4b:s11+s1], $0x4000, s18, s1, $0x38;
	[tilespmem:$0x18300] =	vst v63  }
0x4e: {  	v23 =	vld [tilespmem:s20+$0x4000]  }
0x4f: {  	v24 =	vld [tilespmem:s20+$0x4010]  }
0x50: {  	v25 =	vld [tilespmem:s20+$0x4020]  }
0x51: {  	v26 =	vld [tilespmem:s20+$0x4030]  }
0x52: {  	v27 =	vld [tilespmem:s20+$0x4040]  }
0x53: {  	v28 =	vld [tilespmem:s20+$0x4050]  }
0x54: {  	v29 =	vld [tilespmem:s20+$0x4060]  }
0x55: {  	v30 =	vld [tilespmem:s20+$0x4070];
	s20 =	simm.s32 $0x80  }
0x56: {  	v31 =	vld [tilespmem:s20+$0x4000]  }
0x57: {  	v32 =	vld [tilespmem:s20+$0x4010]  }
0x58: {  	v33 =	vld [tilespmem:s20+$0x4020]  }
0x59: {  	v34 =	vld [tilespmem:s20+$0x4030]  }
0x5a: {  	v15 =	vmax.f32 v15, v17;
	v35 =	vld [tilespmem:s20+$0x4040]  }
0x5b: {  	v14 =	vmax.f32 v20, v14;
	v12 =	vmax.f32 v12, v16;
	v16 =	vmax.f32 v19, v21;
	v37 =	vld [tilespmem:s20+$0x4050]  }
0x5c: {  	v17 =	vsel vm3, v22, v13;
	v13 =	vmax.f32 v15, v14;
	v19 =	vld [tilespmem:s20+$0x4060];
	v12 =	vmax.f32 v12, v16  }
0x5d: {  	v36 =	vsel vm3, s4, v18;
	s4 =	simm.s32 $0x100;
	v15 =	vld [tilespmem:s20+$0x4070];
	v12 =	vmax.f32 v13, v12  }
0x5e: {  	v18 =	vld [tilespmem:s4+$0x4010];
	vm3 =	vgt.f32 v12, v17;
	v14 =	vmax.f32 v23, v24  }
0x5f: {  	v13 =	vld [tilespmem:s4+$0x4000];
	v16 =	vmax.f32 v25, v26;
	v20 =	vmax.f32 v27, v28;
	v21 =	vmax.f32 v29, v30  }
0x60: {  	v12 =	vsel vm3, v12, v17;
	v14 =	vmax.f32 v14, v16;
	v17 =	vmax.f32 v20, v21;
	v16 =	vld [tilespmem:s4+$0x4020]  }
0x61: {  	v21 =	vsel vm3, s3, v36;
	v22 =	vmax.f32 v31, v32;
	v20 =	vmax.f32 v14, v17;
	v17 =	vld [tilespmem:s4+$0x4030]  }
0x62: {  	v23 =	vmax.f32 v33, v34;
	v63 =	vmax.f32 v35, v37;
	v15 =	vmax.f32 v19, v15;
	v19 =	vld [tilespmem:s4+$0x4050]  }
0x63: {  	v14 =	vld [tilespmem:s4+$0x4040];
	v22 =	vmax.f32 v22, v23;
	v23 =	vmax.f32 v63, v15;
	vm3 =	vgt.f32 v20, v12  }
0x64: {  	s3 =	simm.s32 $0x600;
	v15 =	vsel vm3, v20, v12;
	v12 =	vsel vm3, s1, v21;
	v20 =	vld [tilespmem:s4+$0x4060];
	v21 =	vmax.f32 v22, v23  }
.LBB2_4:
0x65: {  	p0 =	sne.s32 s3, $0xFE00;
	v22 =	vld [tilespmem:s4+$0x4070];
	s4 =	sshra.s32 s3, $0x2;
	vm3 =	vgt.f32 v21, v15;
	s1 =	sadd.s32 $0x1, s1;
	v23 =	vmov v16  }
0x66: {  	v24 =	vld [tilespmem:s4+$0x4000];
	v15 =	vsel vm3, v21, v15;
	v12 =	vsel vm3, s1, v12;
	v21 =	vmov v17  }
0x67: {  	v25 =	vld [tilespmem:s4+$0x4010]  }
.Ltmp1:
0x68: {  	v16 =	vld [tilespmem:s4+$0x4020];
	(pc) =	sbr.rel @p0 .LBB2_4-.Ltmp1, $4  }
0x69: {  	v26 =	vmax.f32 v13, v18;
	v17 =	vld [tilespmem:s4+$0x4030]  }
0x6a: {  	v23 =	vmax.f32 v23, v21;
	v21 =	vmax.f32 v14, v19;
	v14 =	vld [tilespmem:s4+$0x4040];
	v20 =	vmax.f32 v20, v22  }
0x6b: {  	v22 =	vmax.f32 v26, v23;
	v19 =	vld [tilespmem:s4+$0x4050];
	v21 =	vmax.f32 v21, v20;
	v13 =	vmov v24  }
0x6c: {  	s3 =	sadd.s32 $0x200, s3;
	v20 =	vld [tilespmem:s4+$0x4060];
	v21 =	vmax.f32 v22, v21;
	v18 =	vmov v25  }
0x6d: {  	v22 =	vld [tilespmem:s4+$0x4070];
	_ =	sdelay $0x3  }
0x6e: {  	v13 =	vmax.f32 v13, v18  }
0x6f: {  	v16 =	vmax.f32 v16, v17;
	v14 =	vmax.f32 v14, v19;
	v17 =	vmax.f32 v20, v22  }
0x70: {  	vm3 =	vgt.f32 v21, v15;
	v13 =	vmax.f32 v13, v16;
	v14 =	vmax.f32 v14, v17  }
0x71: {  	v15 =	vsel vm3, v21, v15;
	v13 =	vmax.f32 v13, v14  }
0x72: {  	vm4 =	vgt.f32 v13, v15  }
0x73: {  	v13 =	vsel vm4, v13, v15  }
0x74: {  	v14 =	vperm.xlane v13, v0;
	_ =	sdelay $0x1  }
0x75: {  	v14 =	vmax.f32 v13, v14  }
0x76: {  	v15 =	vperm.xlane v14, v1;
	_ =	sdelay $0x1  }
0x77: {  	v14 =	vmax.f32 v14, v15  }
0x78: {  	v15 =	vperm.xlane v14, v3;
	_ =	sdelay $0x1  }
0x79: {  	v14 =	vmax.f32 v14, v15  }
0x7a: {  	v15 =	vperm.xlane v14, v4  }
0x7b: {  	s1 =	sadd.s32 $0x1, s1  }
0x7c: {  	v12 =	vsel vm3, s1, v12;
	s1 =	sadd.s32 $0x1, s1;
	v14 =	vmax.f32 v14, v15  }
0x7d: {  	v12 =	vsel vm4, s1, v12;
	vm3 =	veq.f32 v13, v14  }
0x7e: {  	v12 =	vnsel vm3, $0x7FFFFFFF, v12  }
0x7f: {  	v13 =	vperm.xlane v12, v0;
	_ =	sdelay $0x1  }
0x80: {  	vm3 =	vlt.s32 v12, v13  }
0x81: {  	v12 =	vsel vm3, v12, v13  }
0x82: {  	v13 =	vperm.xlane v12, v1;
	_ =	sdelay $0x1  }
0x83: {  	vm3 =	vlt.s32 v12, v13  }
0x84: {  	v12 =	vsel vm3, v12, v13  }
0x85: {  	v13 =	vperm.xlane v12, v3;
	_ =	sdelay $0x1  }
0x86: {  	vm3 =	vlt.s32 v12, v13  }
0x87: {  	v12 =	vsel vm3, v12, v13  }
0x88: {  	v13 =	vperm.xlane v12, v4;
	_ =	sdelay $0x1  }
0x89: {  	vm3 =	vlt.s32 v12, v13  }
0x8a: {  	v12 =	vsel vm3, v12, v13  }
0x8b: {  	(v2sf) =	vpush v12, $0x0;
	_ =	sdelay $0xe  }
0x8c: {  	s1 =	spop (v2sf)  }
0x8d: {  	s3 =	sshra.s32 s1, $0x1F  }
0x8e: {  	s3 =	sshrl.u32 s3, $0x19  }
0x8f: {  	s3 =	sadd.s32 s3, s1  }
0x90: {  	s20 =	sand.u32 $0xFFFFFF80, s3  }
0x91: {  	p0 =	slt.s32 s1, $0x1;
	p1 =	sne.s32 s1, s20  }
0x92: {  	p0 =	por !p0, !p1  }
0x93: {  	s4 =	simm.s32 $0x1;
	p0 =	por !p0, !p0  }
0x94: {  	s3 =	sshrl.u32 s3, $0x7;
	s4 =	simm.s32 @!p0 $0x0  }
0x95: {  	s1 =	sshll.u32 s1, $0x7;
	s3 =	ssub.s32 s3, s4  }
0x96: {  	s20 =	sadd.s32 $0x4000, s1;
	s3 =	sshll.u32 s3, $0x10  }
0x97: {  	s4 =	sand.u32 $0x3F80, s20;
	s3 =	sshra.s32 s3, $0x2  }
0x98: {  	s3 =	sor.u32 s4, s3  }
0x99: {  	v12 =	vld [tilespmem:s3+$0x10];
	_ =	sdelay $0x2  }
0x9a: {  	v13 =	vld [tilespmem:s3+$0x0];
	_ =	sdelay $0x1  }
0x9b: {  	vm3 =	veq.f32 v12, v14;
	v12 =	vor.u32 s1, v5  }
0x9c: {  	v15 =	vor.u32 s1, v2;
	v16 =	vld [tilespmem:s3+$0x20];
	v12 =	vnsel vm3, $0x7FFFFFFF, v12  }
0x9d: {  	vm3 =	vlt.s32 v15, v12  }
0x9e: {  	vm9 =	veq.f32 v13, v14;
	v13 =	vsel vm3, v15, v12  }
0x9f: {  	v15 =	vld [tilespmem:s3+$0x30];
	v12 =	vsel vm9, v13, v12;
	v13 =	vor.u32 s1, v6  }
0xa0: {  	vm3 =	vlt.s32 v12, v13  }
0xa1: {  	vm10 =	veq.f32 v16, v14;
	v16 =	vld [tilespmem:s3+$0x40];
	v13 =	vsel vm3, v12, v13  }
0xa2: {  	v12 =	vsel vm10, v13, v12;
	v13 =	vor.u32 s1, v7  }
0xa3: {  	vm3 =	vlt.s32 v12, v13  }
0xa4: {  	v17 =	vld [tilespmem:s3+$0x60];
	vm11 =	veq.f32 v15, v14;
	v13 =	vsel vm3, v12, v13  }
0xa5: {  	v15 =	vld [tilespmem:s3+$0x50];
	v12 =	vsel vm11, v13, v12;
	v13 =	vor.u32 s1, v8  }
0xa6: {  	vm12 =	veq.f32 v16, v14;
	v16 =	vld [tilespmem:s3+$0x70];
	_ =	swait.ge [sflag:s30], $0x4000;
	vm3 =	vlt.s32 v12, v13  }
0xa7: {  	[sflag:s30] =	ssyncset.done $0x0;
	v13 =	vsel vm3, v12, v13  }
0xa8: {  	s4 =	simm.s32 $0x0;
	[sflag:s30] =	ssyncadd.s32 $0xFFFFC000;
	v12 =	vsel vm12, v13, v12;
	v13 =	vor.u32 s1, v9  }
0xa9: {  	[tilespmem:s31], [sflag:$0x3] =	stream.strided.gather [hbm4b:s12+s17], $0x4000, s18, s17, $0x38;
	vm3 =	vlt.s32 v12, v13;
	[tilespmem:$0x18300] =	vst v63  }
0xaa: {  	vm14 =	veq.f32 v17, v14;
	v17 =	vld [tilespmem:s4+$0x8010];
	vm13 =	veq.f32 v15, v14;
	v13 =	vsel vm3, v12, v13  }
0xab: {  	v18 =	vld [tilespmem:s4+$0x8020];
	v12 =	vsel vm13, v13, v12;
	v13 =	vor.u32 s1, v10  }
0xac: {  	v19 =	vld [tilespmem:s4+$0x8050];
	vm3 =	vlt.s32 v12, v13  }
0xad: {  	v20 =	vld [tilespmem:s4+$0x8060];
	v13 =	vsel vm3, v12, v13  }
0xae: {  	s20 =	simm.s32 $0x80;
	v21 =	vld [tilespmem:s4+$0x8070];
	v12 =	vsel vm14, v13, v12;
	v13 =	vor.u32 s1, v11  }
0xaf: {  	v23 =	vld [tilespmem:s20+$0x8010];
	vm3 =	vlt.s32 v12, v13  }
0xb0: {  	vm15 =	veq.f32 v16, v14;
	v24 =	vld [tilespmem:s20+$0x8020];
	v13 =	vsel vm3, v12, v13  }
0xb1: {  	v25 =	vld [tilespmem:s20+$0x8030];
	v12 =	vsel vm15, v13, v12  }
0xb2: {  	v27 =	vld [tilespmem:s20+$0x8050];
	v16 =	vperm.xlane v12, v0  }
0xb3: {  	v15 =	vld [tilespmem:s4+$0x8000]  }
0xb4: {  	v14 =	vld [tilespmem:s4+$0x8030];
	vm3 =	vlt.s32 v12, v16  }
0xb5: {  	v13 =	vld [tilespmem:s4+$0x8040];
	v12 =	vsel vm3, v12, v16  }
0xb6: {  	v28 =	vld [tilespmem:s20+$0x8060];
	v22 =	vperm.xlane v12, v1  }
0xb7: {  	v29 =	vld [tilespmem:s20+$0x8070]  }
0xb8: {  	v16 =	vld [tilespmem:s20+$0x8000];
	vm3 =	vlt.s32 v12, v22  }
0xb9: {  	v62 =	vimm.f32 $-Inf;
	v17 =	vmax.f32 v15, v17;
	s1 =	simm.s32 $0x100;
	v12 =	vsel vm3, v12, v22;
	v22 =	vld [tilespmem:s20+$0x8040]  }
0xba: {  	v14 =	vmax.f32 v18, v14;
	v15 =	vld [tilespmem:s1+$0x8000];
	v18 =	vmax.f32 v13, v19;
	v19 =	vmax.f32 v20, v21  }
0xbb: {  	v14 =	vmax.f32 v17, v14;
	v20 =	vld [tilespmem:s1+$0x8010];
	v17 =	vmax.f32 v18, v19;
	v26 =	vperm.xlane v12, v3  }
0xbc: {  	v30 =	vimm.s32 $0x0;
	v63 =	vmax.f32 v28, v29;
	v18 =	vld [tilespmem:s1+$0x8020];
	v14 =	vmax.f32 v14, v17  }
0xbd: {  	v19 =	vld [tilespmem:s1+$0x8030];
	v16 =	vmax.f32 v16, v23;
	v23 =	vmax.f32 v24, v25;
	vm3 =	vlt.s32 v12, v26  }
0xbe: {  	v21 =	vld [tilespmem:s1+$0x8050];
	v23 =	vmax.f32 v16, v23;
	v12 =	vsel vm3, v12, v26;
	v22 =	vmax.f32 v22, v27  }
0xbf: {  	s3 =	simm.s32 $0x0;
	v17 =	vld [tilespmem:s1+$0x8040];
	vm3 =	vgt.f32 v14, v62;
	v13 =	vperm.xlane v12, v4;
	v24 =	vmax.f32 v22, v63  }
0xc0: {  	s4 =	simm.s32 $0x600;
	v16 =	vsel vm3, v14, v62;
	v14 =	vsel vm3, s3, v30;
	v22 =	vld [tilespmem:s1+$0x8060];
	v23 =	vmax.f32 v23, v24  }
.LBB2_6:
0xc1: {  	p0 =	sne.s32 s4, $0xFE00;
	v24 =	vld [tilespmem:s1+$0x8070];
	s1 =	sshra.s32 s4, $0x2;
	vm3 =	vgt.f32 v23, v16;
	s3 =	sadd.s32 $0x1, s3;
	v25 =	vmov v18  }
0xc2: {  	v26 =	vld [tilespmem:s1+$0x8000];
	v16 =	vsel vm3, v23, v16;
	v14 =	vsel vm3, s3, v14;
	v23 =	vmov v19  }
0xc3: {  	v27 =	vld [tilespmem:s1+$0x8010]  }
.Ltmp2:
0xc4: {  	v18 =	vld [tilespmem:s1+$0x8020];
	(pc) =	sbr.rel @p0 .LBB2_6-.Ltmp2, $4  }
0xc5: {  	v28 =	vmax.f32 v15, v20;
	v19 =	vld [tilespmem:s1+$0x8030]  }
0xc6: {  	v25 =	vmax.f32 v25, v23;
	v23 =	vmax.f32 v17, v21;
	v17 =	vld [tilespmem:s1+$0x8040];
	v22 =	vmax.f32 v22, v24  }
0xc7: {  	v24 =	vmax.f32 v28, v25;
	v21 =	vld [tilespmem:s1+$0x8050];
	v23 =	vmax.f32 v23, v22;
	v15 =	vmov v26  }
0xc8: {  	s4 =	sadd.s32 $0x200, s4;
	v22 =	vld [tilespmem:s1+$0x8060];
	v23 =	vmax.f32 v24, v23;
	v20 =	vmov v27  }
0xc9: {  	v24 =	vld [tilespmem:s1+$0x8070];
	_ =	swait.ge [sflag:s25], $0x4000  }
0xca: {  	s1 =	simm.s32 $0x80;
	[sflag:s25] =	ssyncset.done $0x0  }
0xcb: {  	s4 =	simm.s32 $0x0;
	s20 =	simm.s32 $0x0;
	[sflag:s25] =	ssyncadd.s32 $0xFFFFC000  }
0xcc: {  	[tilespmem:s4], [sflag:$0x1] =	stream.strided.gather [hbm4b:s13+s1], $0x4000, s18, s1, $0x38;
	[tilespmem:$0x18300] =	vst v63  }
0xcd: {  	v25 =	vld [tilespmem:s20+$0xC000]  }
0xce: {  	v26 =	vld [tilespmem:s20+$0xC010]  }
0xcf: {  	v27 =	vld [tilespmem:s20+$0xC020]  }
0xd0: {  	v28 =	vld [tilespmem:s20+$0xC030]  }
0xd1: {  	v29 =	vld [tilespmem:s20+$0xC040]  }
0xd2: {  	v30 =	vld [tilespmem:s20+$0xC050]  }
0xd3: {  	v31 =	vld [tilespmem:s20+$0xC060]  }
0xd4: {  	v32 =	vld [tilespmem:s20+$0xC070];
	s20 =	simm.s32 $0x80  }
0xd5: {  	v33 =	vld [tilespmem:s20+$0xC000]  }
0xd6: {  	v34 =	vld [tilespmem:s20+$0xC010]  }
0xd7: {  	v35 =	vld [tilespmem:s20+$0xC020]  }
0xd8: {  	v36 =	vld [tilespmem:s20+$0xC030]  }
0xd9: {  	v15 =	vmax.f32 v15, v20;
	v37 =	vld [tilespmem:s20+$0xC040]  }
0xda: {  	v18 =	vmax.f32 v18, v19;
	v17 =	vmax.f32 v17, v21;
	v19 =	vmax.f32 v22, v24;
	v21 =	vld [tilespmem:s20+$0xC050]  }
0xdb: {  	vm3 =	vgt.f32 v23, v16;
	v15 =	vmax.f32 v15, v18;
	v22 =	vld [tilespmem:s20+$0xC060];
	v17 =	vmax.f32 v17, v19  }
0xdc: {  	s3 =	sadd.s32 $0x1, s3;
	v16 =	vsel vm3, v23, v16;
	s4 =	simm.s32 $0x100;
	v23 =	vld [tilespmem:s20+$0xC070];
	v17 =	vmax.f32 v15, v17  }
0xdd: {  	v14 =	vsel vm3, s3, v14;
	v20 =	vld [tilespmem:s4+$0xC010];
	vm3 =	vgt.f32 v17, v16;
	v18 =	vmax.f32 v25, v26  }
0xde: {  	v15 =	vld [tilespmem:s4+$0xC000];
	v19 =	vmax.f32 v27, v28;
	v58 =	vmax.f32 v29, v30;
	v59 =	vmax.f32 v31, v32  }
0xdf: {  	s3 =	sadd.s32 $0x1, s3;
	v17 =	vsel vm3, v17, v16;
	v16 =	vmax.f32 v18, v19;
	v19 =	vmax.f32 v58, v59;
	v18 =	vld [tilespmem:s4+$0xC020]  }
0xe0: {  	v14 =	vsel vm3, s3, v14;
	v60 =	vmax.f32 v33, v34;
	v24 =	vmax.f32 v16, v19;
	v19 =	vld [tilespmem:s4+$0xC030]  }
0xe1: {  	v61 =	vmax.f32 v35, v36;
	v62 =	vmax.f32 v37, v21;
	v22 =	vmax.f32 v22, v23;
	v21 =	vld [tilespmem:s4+$0xC050]  }
0xe2: {  	v16 =	vld [tilespmem:s4+$0xC040];
	v23 =	vmax.f32 v60, v61;
	v63 =	vmax.f32 v62, v22;
	vm3 =	vgt.f32 v24, v17  }
0xe3: {  	s3 =	simm.s32 $0x600;
	v22 =	vld [tilespmem:s4+$0xC060];
	v23 =	vmax.f32 v23, v63;
	v17 =	vsel vm3, v24, v17;
	v14 =	vsel vm3, s1, v14  }
.LBB2_8:
0xe4: {  	p0 =	sne.s32 s3, $0xFE00;
	v24 =	vld [tilespmem:s4+$0xC070];
	s4 =	sshra.s32 s3, $0x2;
	vm3 =	vgt.f32 v23, v17;
	s1 =	sadd.s32 $0x1, s1;
	v25 =	vmov v18  }
0xe5: {  	v26 =	vld [tilespmem:s4+$0xC000];
	v17 =	vsel vm3, v23, v17;
	v14 =	vsel vm3, s1, v14;
	v23 =	vmov v19  }
0xe6: {  	v27 =	vld [tilespmem:s4+$0xC010]  }
.Ltmp3:
0xe7: {  	v18 =	vld [tilespmem:s4+$0xC020];
	(pc) =	sbr.rel @p0 .LBB2_8-.Ltmp3, $4  }
0xe8: {  	v28 =	vmax.f32 v15, v20;
	v19 =	vld [tilespmem:s4+$0xC030]  }
0xe9: {  	v25 =	vmax.f32 v25, v23;
	v23 =	vmax.f32 v16, v21;
	v16 =	vld [tilespmem:s4+$0xC040];
	v22 =	vmax.f32 v22, v24  }
0xea: {  	v24 =	vmax.f32 v28, v25;
	v21 =	vld [tilespmem:s4+$0xC050];
	v23 =	vmax.f32 v23, v22;
	v15 =	vmov v26  }
0xeb: {  	s3 =	sadd.s32 $0x200, s3;
	v22 =	vld [tilespmem:s4+$0xC060];
	v23 =	vmax.f32 v24, v23;
	v20 =	vmov v27  }
0xec: {  	v24 =	vld [tilespmem:s4+$0xC070];
	_ =	sdelay $0x3  }
0xed: {  	v15 =	vmax.f32 v15, v20  }
0xee: {  	v18 =	vmax.f32 v18, v19;
	v16 =	vmax.f32 v16, v21;
	v19 =	vmax.f32 v22, v24  }
0xef: {  	vm3 =	vgt.f32 v23, v17;
	v15 =	vmax.f32 v15, v18;
	v16 =	vmax.f32 v16, v19  }
0xf0: {  	v17 =	vsel vm3, v23, v17;
	v15 =	vmax.f32 v15, v16  }
0xf1: {  	vm4 =	vgt.f32 v15, v17  }
0xf2: {  	v15 =	vsel vm4, v15, v17  }
0xf3: {  	v16 =	vperm.xlane v15, v0;
	_ =	sdelay $0x1  }
0xf4: {  	v16 =	vmax.f32 v15, v16  }
0xf5: {  	v17 =	vperm.xlane v16, v1;
	_ =	sdelay $0x1  }
0xf6: {  	v16 =	vmax.f32 v16, v17  }
0xf7: {  	v17 =	vperm.xlane v16, v3;
	_ =	sdelay $0x1  }
0xf8: {  	v16 =	vmax.f32 v16, v17  }
0xf9: {  	v17 =	vperm.xlane v16, v4  }
0xfa: {  	s1 =	sadd.s32 $0x1, s1  }
0xfb: {  	v14 =	vsel vm3, s1, v14;
	s1 =	sadd.s32 $0x1, s1;
	v16 =	vmax.f32 v16, v17  }
0xfc: {  	v14 =	vsel vm4, s1, v14;
	vm3 =	veq.f32 v15, v16  }
0xfd: {  	v14 =	vnsel vm3, $0x7FFFFFFF, v14  }
0xfe: {  	v15 =	vperm.xlane v14, v0;
	_ =	sdelay $0x1  }
0xff: {  	vm3 =	vlt.s32 v14, v15  }
0x100: {  	v14 =	vsel vm3, v14, v15  }
0x101: {  	v15 =	vperm.xlane v14, v1;
	_ =	sdelay $0x1  }
0x102: {  	vm3 =	vlt.s32 v14, v15  }
0x103: {  	v14 =	vsel vm3, v14, v15  }
0x104: {  	v15 =	vperm.xlane v14, v3;
	_ =	sdelay $0x1  }
0x105: {  	vm3 =	vlt.s32 v14, v15  }
0x106: {  	v14 =	vsel vm3, v14, v15  }
0x107: {  	v15 =	vperm.xlane v14, v4;
	_ =	sdelay $0x1  }
0x108: {  	vm3 =	vlt.s32 v14, v15  }
0x109: {  	v14 =	vsel vm3, v14, v15  }
0x10a: {  	(v2sf) =	vpush v14, $0x0;
	_ =	sdelay $0xe  }
0x10b: {  	s1 =	spop (v2sf)  }
0x10c: {  	s3 =	sshra.s32 s1, $0x1F  }
0x10d: {  	s3 =	sshrl.u32 s3, $0x19  }
0x10e: {  	s3 =	sadd.s32 s3, s1  }
0x10f: {  	s20 =	sand.u32 $0xFFFFFF80, s3  }
0x110: {  	p0 =	slt.s32 s1, $0x1;
	p1 =	sne.s32 s1, s20  }
0x111: {  	p0 =	por !p0, !p1  }
0x112: {  	s4 =	simm.s32 $0x1;
	p0 =	por !p0, !p0  }
0x113: {  	s3 =	sshrl.u32 s3, $0x7;
	s4 =	simm.s32 @!p0 $0x0  }
0x114: {  	s1 =	sshll.u32 s1, $0x7;
	s3 =	ssub.s32 s3, s4  }
0x115: {  	s20 =	sadd.s32 $0x4000, s1;
	s3 =	sshll.u32 s3, $0x10  }
0x116: {  	s4 =	sand.u32 $0x3F80, s20;
	s3 =	sshra.s32 s3, $0x2  }
0x117: {  	s3 =	sor.u32 s4, s3  }
0x118: {  	v14 =	vld [tilespmem:s3+$0x8010];
	_ =	sdelay $0x2  }
0x119: {  	v15 =	vld [tilespmem:s3+$0x8000];
	_ =	sdelay $0x1  }
0x11a: {  	vm3 =	veq.f32 v14, v16;
	v14 =	vor.u32 s1, v5  }
0x11b: {  	v17 =	vor.u32 s1, v2;
	v18 =	vld [tilespmem:s3+$0x8020];
	v14 =	vnsel vm3, $0x7FFFFFFF, v14  }
0x11c: {  	vm3 =	vlt.s32 v17, v14  }
0x11d: {  	vm9 =	veq.f32 v15, v16;
	v15 =	vsel vm3, v17, v14  }
0x11e: {  	v17 =	vld [tilespmem:s3+$0x8030];
	v14 =	vsel vm9, v15, v14;
	v15 =	vor.u32 s1, v6  }
0x11f: {  	vm3 =	vlt.s32 v14, v15  }
0x120: {  	vm10 =	veq.f32 v18, v16;
	v18 =	vld [tilespmem:s3+$0x8040];
	v15 =	vsel vm3, v14, v15  }
0x121: {  	v14 =	vsel vm10, v15, v14;
	v15 =	vor.u32 s1, v7  }
0x122: {  	vm3 =	vlt.s32 v14, v15  }
0x123: {  	v19 =	vld [tilespmem:s3+$0x8060];
	vm11 =	veq.f32 v17, v16;
	v15 =	vsel vm3, v14, v15  }
0x124: {  	v17 =	vld [tilespmem:s3+$0x8050];
	v14 =	vsel vm11, v15, v14;
	v15 =	vor.u32 s1, v8  }
0x125: {  	vm12 =	veq.f32 v18, v16;
	v18 =	vld [tilespmem:s3+$0x8070];
	_ =	swait.ge [sflag:s28], $0x4000;
	vm3 =	vlt.s32 v14, v15  }
0x126: {  	[sflag:s28] =	ssyncset.done $0x0;
	v15 =	vsel vm3, v14, v15  }
0x127: {  	s4 =	simm.s32 $0x0;
	[sflag:s28] =	ssyncadd.s32 $0xFFFFC000;
	v14 =	vsel vm12, v15, v14;
	v15 =	vor.u32 s1, v9  }
0x128: {  	[tilespmem:s19], [sflag:$0x2] =	stream.strided.gather [hbm4b:s14+s17], $0x4000, s18, s17, $0x38;
	vm3 =	vlt.s32 v14, v15;
	[tilespmem:$0x18300] =	vst v63  }
0x129: {  	vm14 =	veq.f32 v19, v16;
	v19 =	vld [tilespmem:s4+$0x10010];
	vm13 =	veq.f32 v17, v16;
	v15 =	vsel vm3, v14, v15  }
0x12a: {  	v20 =	vld [tilespmem:s4+$0x10020];
	v14 =	vsel vm13, v15, v14;
	v15 =	vor.u32 s1, v10  }
0x12b: {  	v21 =	vld [tilespmem:s4+$0x10050];
	vm3 =	vlt.s32 v14, v15  }
0x12c: {  	v22 =	vld [tilespmem:s4+$0x10060];
	v15 =	vsel vm3, v14, v15  }
0x12d: {  	s20 =	simm.s32 $0x80;
	v23 =	vld [tilespmem:s4+$0x10070];
	v14 =	vsel vm14, v15, v14;
	v15 =	vor.u32 s1, v11  }
0x12e: {  	v25 =	vld [tilespmem:s20+$0x10010];
	vm3 =	vlt.s32 v14, v15  }
0x12f: {  	vm15 =	veq.f32 v18, v16;
	v26 =	vld [tilespmem:s20+$0x10020];
	v15 =	vsel vm3, v14, v15  }
0x130: {  	v27 =	vld [tilespmem:s20+$0x10030];
	v14 =	vsel vm15, v15, v14  }
0x131: {  	v29 =	vld [tilespmem:s20+$0x10050];
	v18 =	vperm.xlane v14, v0  }
0x132: {  	v17 =	vld [tilespmem:s4+$0x10000]  }
0x133: {  	v16 =	vld [tilespmem:s4+$0x10030];
	vm3 =	vlt.s32 v14, v18  }
0x134: {  	v15 =	vld [tilespmem:s4+$0x10040];
	v14 =	vsel vm3, v14, v18  }
0x135: {  	v30 =	vld [tilespmem:s20+$0x10060];
	v24 =	vperm.xlane v14, v1  }
0x136: {  	v18 =	vld [tilespmem:s20+$0x10000]  }
0x137: {  	v31 =	vld [tilespmem:s20+$0x10070];
	vm3 =	vlt.s32 v14, v24  }
0x138: {  	v63 =	vimm.f32 $-Inf;
	s3 =	simm.s32 $0x100;
	v19 =	vmax.f32 v17, v19;
	v14 =	vsel vm3, v14, v24;
	v24 =	vld [tilespmem:s20+$0x10040]  }
0x139: {  	v16 =	vmax.f32 v20, v16;
	v17 =	vld [tilespmem:s3+$0x10000];
	v20 =	vmax.f32 v15, v21;
	v21 =	vmax.f32 v22, v23  }
0x13a: {  	v16 =	vmax.f32 v19, v16;
	v22 =	vld [tilespmem:s3+$0x10010];
	v19 =	vmax.f32 v20, v21;
	v28 =	vperm.xlane v14, v3  }
0x13b: {  	v32 =	vimm.s32 $0x0;
	v20 =	vld [tilespmem:s3+$0x10020];
	v16 =	vmax.f32 v16, v19;
	v18 =	vmax.f32 v18, v25  }
0x13c: {  	v21 =	vld [tilespmem:s3+$0x10030];
	v25 =	vmax.f32 v26, v27;
	v26 =	vmax.f32 v30, v31;
	vm3 =	vlt.s32 v14, v28  }
0x13d: {  	v23 =	vld [tilespmem:s3+$0x10050];
	v25 =	vmax.f32 v18, v25;
	v14 =	vsel vm3, v14, v28;
	v24 =	vmax.f32 v24, v29  }
0x13e: {  	s1 =	simm.s32 $0x0;
	v19 =	vld [tilespmem:s3+$0x10040];
	vm3 =	vgt.f32 v16, v63;
	v15 =	vperm.xlane v14, v4;
	v26 =	vmax.f32 v24, v26  }
0x13f: {  	s4 =	simm.s32 $0x600;
	v18 =	vsel vm3, v16, v63;
	v16 =	vsel vm3, s1, v32;
	v24 =	vld [tilespmem:s3+$0x10060];
	v25 =	vmax.f32 v25, v26  }
.LBB2_10:
0x140: {  	p0 =	sne.s32 s4, $0xFE00;
	v26 =	vld [tilespmem:s3+$0x10070];
	s3 =	sshra.s32 s4, $0x2;
	vm3 =	vgt.f32 v25, v18;
	s1 =	sadd.s32 $0x1, s1;
	v27 =	vmov v20  }
0x141: {  	v28 =	vld [tilespmem:s3+$0x10000];
	v18 =	vsel vm3, v25, v18;
	v16 =	vsel vm3, s1, v16;
	v25 =	vmov v21  }
0x142: {  	v29 =	vld [tilespmem:s3+$0x10010]  }
.Ltmp4:
0x143: {  	v20 =	vld [tilespmem:s3+$0x10020];
	(pc) =	sbr.rel @p0 .LBB2_10-.Ltmp4, $4  }
0x144: {  	v30 =	vmax.f32 v17, v22;
	v21 =	vld [tilespmem:s3+$0x10030]  }
0x145: {  	v27 =	vmax.f32 v27, v25;
	v25 =	vmax.f32 v19, v23;
	v19 =	vld [tilespmem:s3+$0x10040];
	v24 =	vmax.f32 v24, v26  }
0x146: {  	v26 =	vmax.f32 v30, v27;
	v23 =	vld [tilespmem:s3+$0x10050];
	v25 =	vmax.f32 v25, v24;
	v17 =	vmov v28  }
0x147: {  	s4 =	sadd.s32 $0x200, s4;
	v24 =	vld [tilespmem:s3+$0x10060];
	v25 =	vmax.f32 v26, v25;
	v22 =	vmov v29  }
0x148: {  	v26 =	vld [tilespmem:s3+$0x10070];
	_ =	swait.ge [sflag:s30], $0x4000  }
0x149: {  	[sflag:s30] =	ssyncset.done $0x0  }
0x14a: {  	s20 =	simm.s32 $0x0;
	[sflag:s30] =	ssyncadd.s32 $0xFFFFC000  }
0x14b: {  	v27 =	vld [tilespmem:s20+$0x14000]  }
0x14c: {  	v28 =	vld [tilespmem:s20+$0x14010]  }
0x14d: {  	v29 =	vld [tilespmem:s20+$0x14020]  }
0x14e: {  	v30 =	vld [tilespmem:s20+$0x14030]  }
0x14f: {  	v31 =	vld [tilespmem:s20+$0x14040]  }
0x150: {  	v32 =	vld [tilespmem:s20+$0x14050]  }
0x151: {  	v33 =	vld [tilespmem:s20+$0x14060]  }
0x152: {  	s4 =	simm.s32 $0x80;
	v34 =	vld [tilespmem:s20+$0x14070]  }
0x153: {  	v35 =	vld [tilespmem:s4+$0x14000]  }
0x154: {  	v36 =	vld [tilespmem:s4+$0x14010]  }
0x155: {  	v37 =	vld [tilespmem:s4+$0x14020]  }
0x156: {  	v38 =	vld [tilespmem:s4+$0x14030]  }
0x157: {  	v39 =	vld [tilespmem:s4+$0x14040]  }
0x158: {  	v17 =	vmax.f32 v17, v22;
	vm3 =	vgt.f32 v25, v18;
	v19 =	vmax.f32 v19, v23;
	v23 =	vld [tilespmem:s4+$0x14050]  }
0x159: {  	s1 =	sadd.s32 $0x1, s1;
	v20 =	vmax.f32 v20, v21;
	v18 =	vsel vm3, v25, v18;
	v25 =	vld [tilespmem:s4+$0x14070];
	v21 =	vmax.f32 v24, v26  }
0x15a: {  	s3 =	simm.s32 $0x100;
	v16 =	vsel vm3, s1, v16;
	v17 =	vmax.f32 v17, v20;
	v24 =	vld [tilespmem:s4+$0x14060];
	v19 =	vmax.f32 v19, v21  }
0x15b: {  	v22 =	vld [tilespmem:s3+$0x14010];
	v19 =	vmax.f32 v17, v19;
	v20 =	vmax.f32 v27, v28;
	v21 =	vmax.f32 v29, v30  }
0x15c: {  	v17 =	vld [tilespmem:s3+$0x14000];
	v26 =	vmax.f32 v31, v32;
	vm3 =	vgt.f32 v19, v18;
	v27 =	vmax.f32 v33, v34  }
0x15d: {  	v19 =	vsel vm3, v19, v18;
	v18 =	vmax.f32 v20, v21;
	v21 =	vmax.f32 v26, v27;
	v20 =	vld [tilespmem:s3+$0x14020]  }
0x15e: {  	s1 =	sadd.s32 $0x1, s1;
	v62 =	vmax.f32 v37, v38;
	v63 =	vmax.f32 v39, v23;
	v26 =	vmax.f32 v18, v21;
	v21 =	vld [tilespmem:s3+$0x14030]  }
0x15f: {  	v23 =	vld [tilespmem:s3+$0x14050];
	v16 =	vsel vm3, s1, v16;
	v27 =	vmax.f32 v35, v36;
	v24 =	vmax.f32 v24, v25  }
0x160: {  	s1 =	simm.s32 $0x80;
	v18 =	vld [tilespmem:s3+$0x14040];
	v25 =	vmax.f32 v27, v62;
	vm3 =	vgt.f32 v26, v19;
	v27 =	vmax.f32 v63, v24  }
0x161: {  	s4 =	simm.s32 $0x600;
	v24 =	vld [tilespmem:s3+$0x14060];
	v19 =	vsel vm3, v26, v19;
	v16 =	vsel vm3, s1, v16;
	v25 =	vmax.f32 v25, v27  }
.LBB2_12:
0x162: {  	p0 =	sne.s32 s4, $0xFE00;
	v26 =	vld [tilespmem:s3+$0x14070];
	s3 =	sshra.s32 s4, $0x2;
	vm3 =	vgt.f32 v25, v19;
	s1 =	sadd.s32 $0x1, s1;
	v27 =	vmov v20  }
0x163: {  	v28 =	vld [tilespmem:s3+$0x14000];
	v19 =	vsel vm3, v25, v19;
	v16 =	vsel vm3, s1, v16;
	v25 =	vmov v21  }
0x164: {  	v29 =	vld [tilespmem:s3+$0x14010]  }
.Ltmp5:
0x165: {  	v20 =	vld [tilespmem:s3+$0x14020];
	(pc) =	sbr.rel @p0 .LBB2_12-.Ltmp5, $4  }
0x166: {  	v30 =	vmax.f32 v17, v22;
	v21 =	vld [tilespmem:s3+$0x14030]  }
0x167: {  	v27 =	vmax.f32 v27, v25;
	v25 =	vmax.f32 v18, v23;
	v18 =	vld [tilespmem:s3+$0x14040];
	v24 =	vmax.f32 v24, v26  }
0x168: {  	v26 =	vmax.f32 v30, v27;
	v23 =	vld [tilespmem:s3+$0x14050];
	v25 =	vmax.f32 v25, v24;
	v17 =	vmov v28  }
0x169: {  	s4 =	sadd.s32 $0x200, s4;
	v24 =	vld [tilespmem:s3+$0x14060];
	v25 =	vmax.f32 v26, v25;
	v22 =	vmov v29  }
0x16a: {  	v26 =	vld [tilespmem:s3+$0x14070];
	_ =	sdelay $0x3  }
0x16b: {  	v17 =	vmax.f32 v17, v22  }
0x16c: {  	v20 =	vmax.f32 v20, v21;
	v18 =	vmax.f32 v18, v23;
	v21 =	vmax.f32 v24, v26  }
0x16d: {  	vm3 =	vgt.f32 v25, v19;
	v17 =	vmax.f32 v17, v20;
	v18 =	vmax.f32 v18, v21  }
0x16e: {  	v19 =	vsel vm3, v25, v19;
	v17 =	vmax.f32 v17, v18  }
0x16f: {  	vm4 =	vgt.f32 v17, v19  }
0x170: {  	v17 =	vsel vm4, v17, v19  }
0x171: {  	v18 =	vperm.xlane v17, v0;
	_ =	sdelay $0x1  }
0x172: {  	v18 =	vmax.f32 v17, v18  }
0x173: {  	v19 =	vperm.xlane v18, v1;
	_ =	sdelay $0x1  }
0x174: {  	v18 =	vmax.f32 v18, v19  }
0x175: {  	v19 =	vperm.xlane v18, v3;
	_ =	sdelay $0x1  }
0x176: {  	v18 =	vmax.f32 v18, v19  }
0x177: {  	v19 =	vperm.xlane v18, v4  }
0x178: {  	s1 =	sadd.s32 $0x1, s1  }
0x179: {  	v16 =	vsel vm3, s1, v16;
	s1 =	sadd.s32 $0x1, s1;
	v18 =	vmax.f32 v18, v19  }
0x17a: {  	v16 =	vsel vm4, s1, v16;
	vm3 =	veq.f32 v17, v18  }
0x17b: {  	v16 =	vnsel vm3, $0x7FFFFFFF, v16  }
0x17c: {  	v17 =	vperm.xlane v16, v0;
	_ =	sdelay $0x1  }
0x17d: {  	vm3 =	vlt.s32 v16, v17  }
0x17e: {  	v16 =	vsel vm3, v16, v17  }
0x17f: {  	v17 =	vperm.xlane v16, v1;
	_ =	sdelay $0x1  }
0x180: {  	vm3 =	vlt.s32 v16, v17  }
0x181: {  	v16 =	vsel vm3, v16, v17  }
0x182: {  	v17 =	vperm.xlane v16, v3;
	_ =	sdelay $0x1  }
0x183: {  	vm3 =	vlt.s32 v16, v17  }
0x184: {  	v16 =	vsel vm3, v16, v17  }
0x185: {  	v17 =	vperm.xlane v16, v4;
	_ =	sdelay $0x1  }
0x186: {  	vm3 =	vlt.s32 v16, v17  }
0x187: {  	v16 =	vsel vm3, v16, v17  }
0x188: {  	(v2sf) =	vpush v16, $0x0;
	_ =	sdelay $0xe  }
0x189: {  	s20 =	spop (v2sf)  }
0x18a: {  	s4 =	sshra.s32 s20, $0x1F  }
0x18b: {  	s3 =	sshrl.u32 s4, $0x19  }
0x18c: {  	s3 =	sadd.s32 s3, s20  }
0x18d: {  	s4 =	sand.u32 $0xFFFFFF80, s3  }
0x18e: {  	p0 =	slt.s32 s20, $0x1;
	p1 =	sne.s32 s20, s4  }
0x18f: {  	p0 =	por !p0, !p1  }
0x190: {  	s4 =	simm.s32 $0x1;
	p0 =	por !p0, !p0  }
0x191: {  	s3 =	sshrl.u32 s3, $0x7;
	s4 =	simm.s32 @!p0 $0x0  }
0x192: {  	s1 =	sshll.u32 s20, $0x7;
	s3 =	ssub.s32 s3, s4  }
0x193: {  	s20 =	sadd.s32 $0x4000, s1;
	s3 =	sshll.u32 s3, $0x10  }
0x194: {  	s4 =	sand.u32 $0x3F80, s20;
	s3 =	sshra.s32 s3, $0x2  }
0x195: {  	s3 =	sor.u32 s4, s3  }
0x196: {  	s4 =	sadd.s32 $0x10000, s3  }
0x197: {  	v16 =	vld [tilespmem:s4+$0x10];
	_ =	sdelay $0x2  }
0x198: {  	v17 =	vld [tilespmem:s3+$0x10000];
	_ =	sdelay $0x1  }
0x199: {  	vm3 =	veq.f32 v16, v18;
	v16 =	vor.u32 s1, v5  }
0x19a: {  	v19 =	vor.u32 s1, v2;
	v20 =	vld [tilespmem:s4+$0x20];
	v16 =	vnsel vm3, $0x7FFFFFFF, v16  }
0x19b: {  	vm3 =	vlt.s32 v19, v16  }
0x19c: {  	vm4 =	veq.f32 v17, v18;
	v17 =	vsel vm3, v19, v16  }
0x19d: {  	v19 =	vld [tilespmem:s4+$0x30];
	v16 =	vsel vm4, v17, v16;
	v17 =	vor.u32 s1, v6  }
0x19e: {  	vm3 =	vlt.s32 v16, v17  }
0x19f: {  	vm4 =	veq.f32 v20, v18;
	v17 =	vsel vm3, v16, v17  }
0x1a0: {  	v20 =	vld [tilespmem:s4+$0x40];
	v16 =	vsel vm4, v17, v16;
	v17 =	vor.u32 s1, v7  }
0x1a1: {  	vm3 =	vlt.s32 v16, v17  }
0x1a2: {  	vm4 =	veq.f32 v19, v18;
	v17 =	vsel vm3, v16, v17  }
0x1a3: {  	v19 =	vld [tilespmem:s4+$0x50];
	v16 =	vsel vm4, v17, v16;
	v17 =	vor.u32 s1, v8  }
0x1a4: {  	vm3 =	vlt.s32 v16, v17  }
0x1a5: {  	vm4 =	veq.f32 v20, v18;
	v17 =	vsel vm3, v16, v17  }
0x1a6: {  	v20 =	vld [tilespmem:s4+$0x60];
	v16 =	vsel vm4, v17, v16;
	v17 =	vor.u32 s1, v9  }
0x1a7: {  	vm3 =	vlt.s32 v16, v17  }
0x1a8: {  	vm4 =	veq.f32 v19, v18;
	v17 =	vsel vm3, v16, v17  }
0x1a9: {  	v19 =	vld [tilespmem:s4+$0x70];
	v16 =	vsel vm4, v17, v16;
	v17 =	vor.u32 s1, v10  }
0x1aa: {  	_ =	swait.ge [sflag:s25], $0x4000;
	vm3 =	vlt.s32 v16, v17  }
0x1ab: {  	[sflag:s25] =	ssyncset.done $0x0;
	vm4 =	veq.f32 v20, v18;
	v17 =	vsel vm3, v16, v17  }
0x1ac: {  	s4 =	simm.s32 $0x40;
	[sflag:s25] =	ssyncadd.s32 $0xFFFFC000;
	v16 =	vsel vm4, v17, v16;
	v17 =	vor.u32 s1, v11  }
0x1ad: {  	v20 =	vld [tilespmem:s4+$0xFFFFFFC0];
	vm3 =	vlt.s32 v16, v17  }
0x1ae: {  	v23 =	vld [tilespmem:s4+$0xFFFFFFF0];
	vm4 =	veq.f32 v19, v18;
	v17 =	vsel vm3, v16, v17  }
0x1af: {  	v26 =	vld [tilespmem:s4+$0x0];
	v16 =	vsel vm4, v17, v16  }
0x1b0: {  	v27 =	vld [tilespmem:s4+$0x10];
	v19 =	vperm.xlane v16, v0  }
0x1b1: {  	v28 =	vld [tilespmem:s4+$0x20]  }
0x1b2: {  	v29 =	vld [tilespmem:s4+$0x30];
	vm3 =	vlt.s32 v16, v19  }
0x1b3: {  	v18 =	vld [tilespmem:s4+$0xFFFFFFD0];
	v16 =	vsel vm3, v16, v19  }
0x1b4: {  	s20 =	simm.s32 $0xC0;
	v17 =	vld [tilespmem:s4+$0xFFFFFFE0];
	v19 =	vperm.xlane v16, v1  }
0x1b5: {  	v21 =	vld [tilespmem:s20+$0xFFFFFFC0]  }
0x1b6: {  	v24 =	vld [tilespmem:s20+$0xFFFFFFD0];
	vm3 =	vlt.s32 v16, v19  }
0x1b7: {  	v25 =	vld [tilespmem:s20+$0xFFFFFFE0];
	v16 =	vsel vm3, v16, v19  }
0x1b8: {  	v22 =	vld [tilespmem:s20+$0xFFFFFFF0];
	v18 =	vmax.f32 v20, v18;
	v30 =	vperm.xlane v16, v3  }
0x1b9: {  	v20 =	vmax.f32 v26, v27;
	v26 =	vmax.f32 v28, v29;
	v27 =	vld [tilespmem:s20+$0x30];
	v17 =	vmax.f32 v17, v23  }
0x1ba: {  	v23 =	vld [tilespmem:s20+$0x10];
	v17 =	vmax.f32 v18, v17;
	v18 =	vmax.f32 v20, v26;
	vm3 =	vlt.s32 v16, v30  }
0x1bb: {  	s3 =	simm.s32 $0x0;
	v20 =	vimm.f32 $-Inf;
	v26 =	vld [tilespmem:s20+$0x20];
	v28 =	vmax.f32 v17, v18;
	v16 =	vsel vm3, v16, v30  }
0x1bc: {  	s1 =	simm.s32 $0x1;
	s4 =	simm.s32 $0x140;
	v18 =	vimm.s32 $0x0;
	v19 =	vld [tilespmem:s20+$0x0];
	s20 =	simm.s32 $0x2;
	vm3 =	vgt.f32 v28, v20;
	v17 =	vperm.xlane v16, v4  }
.LBB2_14:
0x1bd: {  	v29 =	vld [tilespmem:s4+$0xFFFFFFC0];
	p0 =	sne.s32 s20, $0x7F;
	v20 =	vsel vm3, v28, v20;
	v18 =	vsel vm3, s3, v18;
	v28 =	vmov v22;
	s3 =	smov.u32 s1;
	s1 =	smov.u32 s20  }
0x1be: {  	v30 =	vld [tilespmem:s4+$0xFFFFFFD0]  }
0x1bf: {  	v31 =	vld [tilespmem:s4+$0xFFFFFFE0]  }
.Ltmp6:
0x1c0: {  	v32 =	vmax.f32 v21, v24;
	v22 =	vld [tilespmem:s4+$0xFFFFFFF0];
	(pc) =	sbr.rel @p0 .LBB2_14-.Ltmp6, $4  }
0x1c1: {  	v33 =	vmax.f32 v25, v28;
	v25 =	vmax.f32 v19, v23;
	v19 =	vld [tilespmem:s4+$0x0];
	v26 =	vmax.f32 v26, v27  }
0x1c2: {  	v27 =	vmax.f32 v32, v33;
	v23 =	vld [tilespmem:s4+$0x10];
	v32 =	vmax.f32 v25, v26;
	v21 =	vmov v29  }
0x1c3: {  	v26 =	vld [tilespmem:s4+$0x20];
	v28 =	vmax.f32 v27, v32;
	v24 =	vmov v30  }
0x1c4: {  	s20 =	sadd.s32 $0x1, s20;
	v27 =	vld [tilespmem:s4+$0x30];
	s4 =	sadd.s32 $0x80, s4;
	vm3 =	vgt.f32 v28, v20;
	v25 =	vmov v31  }
0x1c5: {  	_ =	swait.ge [sflag:s28], $0x4000  }
0x1c6: {  	[sflag:s28] =	ssyncset.done $0x0  }
0x1c7: {  	s4 =	simm.s32 $0x0;
	[sflag:s28] =	ssyncadd.s32 $0xFFFFC000  }
0x1c8: {  	v29 =	vld [tilespmem:s4+$0x4000]  }
0x1c9: {  	v30 =	vld [tilespmem:s4+$0x4010]  }
0x1ca: {  	v31 =	vld [tilespmem:s4+$0x4020]  }
0x1cb: {  	v32 =	vld [tilespmem:s4+$0x4030]  }
0x1cc: {  	v33 =	vld [tilespmem:s4+$0x4040]  }
0x1cd: {  	v34 =	vld [tilespmem:s4+$0x4050]  }
0x1ce: {  	v35 =	vld [tilespmem:s4+$0x4060]  }
0x1cf: {  	s20 =	simm.s32 $0x80;
	v36 =	vld [tilespmem:s4+$0x4070]  }
0x1d0: {  	v37 =	vld [tilespmem:s20+$0x4000]  }
0x1d1: {  	v38 =	vld [tilespmem:s20+$0x4010]  }
0x1d2: {  	v39 =	vld [tilespmem:s20+$0x4020]  }
0x1d3: {  	v40 =	vld [tilespmem:s20+$0x4030]  }
0x1d4: {  	v21 =	vmax.f32 v21, v24;
	v41 =	vld [tilespmem:s20+$0x4040]  }
0x1d5: {  	v22 =	vmax.f32 v25, v22;
	v19 =	vmax.f32 v19, v23;
	v25 =	vld [tilespmem:s20+$0x4050];
	v23 =	vmax.f32 v26, v27  }
0x1d6: {  	v21 =	vmax.f32 v21, v22;
	v26 =	vld [tilespmem:s20+$0x4060];
	v19 =	vmax.f32 v19, v23  }
0x1d7: {  	v20 =	vsel vm3, v28, v20;
	s4 =	simm.s32 $0x100;
	v27 =	vld [tilespmem:s20+$0x4070];
	v21 =	vmax.f32 v21, v19  }
0x1d8: {  	v18 =	vsel vm3, s3, v18;
	v24 =	vld [tilespmem:s4+$0x4010];
	vm3 =	vgt.f32 v21, v20;
	v22 =	vmax.f32 v29, v30  }
0x1d9: {  	v19 =	vld [tilespmem:s4+$0x4000];
	v23 =	vmax.f32 v31, v32;
	v28 =	vmax.f32 v33, v34;
	v29 =	vmax.f32 v35, v36  }
0x1da: {  	v21 =	vsel vm3, v21, v20;
	v20 =	vmax.f32 v22, v23;
	v23 =	vmax.f32 v28, v29;
	v22 =	vld [tilespmem:s4+$0x4020]  }
0x1db: {  	v18 =	vsel vm3, s1, v18;
	v62 =	vmax.f32 v39, v40;
	v28 =	vmax.f32 v20, v23;
	v23 =	vld [tilespmem:s4+$0x4030]  }
0x1dc: {  	v63 =	vmax.f32 v41, v25;
	v25 =	vld [tilespmem:s4+$0x4050];
	v29 =	vmax.f32 v37, v38;
	v26 =	vmax.f32 v26, v27  }
0x1dd: {  	s1 =	simm.s32 $0x80;
	v20 =	vld [tilespmem:s4+$0x4040];
	v27 =	vmax.f32 v29, v62;
	v29 =	vmax.f32 v63, v26;
	vm3 =	vgt.f32 v28, v21  }
0x1de: {  	s3 =	simm.s32 $0x600;
	v26 =	vld [tilespmem:s4+$0x4060];
	v27 =	vmax.f32 v27, v29;
	v21 =	vsel vm3, v28, v21;
	v18 =	vsel vm3, s1, v18  }
.LBB2_16:
0x1df: {  	p0 =	sne.s32 s3, $0xFE00;
	v28 =	vld [tilespmem:s4+$0x4070];
	s4 =	sshra.s32 s3, $0x2;
	vm3 =	vgt.f32 v27, v21;
	s1 =	sadd.s32 $0x1, s1;
	v29 =	vmov v22  }
0x1e0: {  	v30 =	vld [tilespmem:s4+$0x4000];
	v21 =	vsel vm3, v27, v21;
	v18 =	vsel vm3, s1, v18;
	v27 =	vmov v23  }
0x1e1: {  	v31 =	vld [tilespmem:s4+$0x4010]  }
.Ltmp7:
0x1e2: {  	v22 =	vld [tilespmem:s4+$0x4020];
	(pc) =	sbr.rel @p0 .LBB2_16-.Ltmp7, $4  }
0x1e3: {  	v32 =	vmax.f32 v19, v24;
	v23 =	vld [tilespmem:s4+$0x4030]  }
0x1e4: {  	v29 =	vmax.f32 v29, v27;
	v27 =	vmax.f32 v20, v25;
	v20 =	vld [tilespmem:s4+$0x4040];
	v26 =	vmax.f32 v26, v28  }
0x1e5: {  	v28 =	vmax.f32 v32, v29;
	v25 =	vld [tilespmem:s4+$0x4050];
	v27 =	vmax.f32 v27, v26;
	v19 =	vmov v30  }
0x1e6: {  	s3 =	sadd.s32 $0x200, s3;
	v26 =	vld [tilespmem:s4+$0x4060];
	v27 =	vmax.f32 v28, v27;
	v24 =	vmov v31  }
0x1e7: {  	v28 =	vld [tilespmem:s4+$0x4070];
	_ =	sdelay $0x3  }
0x1e8: {  	v19 =	vmax.f32 v19, v24  }
0x1e9: {  	v22 =	vmax.f32 v22, v23;
	v20 =	vmax.f32 v20, v25;
	v37 =	vmax.f32 v26, v28  }
0x1ea: {  	vm3 =	vgt.f32 v27, v21;
	v19 =	vmax.f32 v19, v22;
	v20 =	vmax.f32 v20, v37  }
0x1eb: {  	v21 =	vsel vm3, v27, v21;
	v19 =	vmax.f32 v19, v20  }
0x1ec: {  	vm4 =	vgt.f32 v19, v21  }
0x1ed: {  	v19 =	vsel vm4, v19, v21  }
0x1ee: {  	v38 =	vperm.xlane v19, v0;
	_ =	sdelay $0x1  }
0x1ef: {  	v20 =	vmax.f32 v19, v38  }
0x1f0: {  	v39 =	vperm.xlane v20, v1;
	_ =	sdelay $0x1  }
0x1f1: {  	v20 =	vmax.f32 v20, v39  }
0x1f2: {  	v21 =	vperm.xlane v20, v3;
	_ =	sdelay $0x1  }
0x1f3: {  	v20 =	vmax.f32 v20, v21  }
0x1f4: {  	v21 =	vperm.xlane v20, v4  }
0x1f5: {  	s1 =	sadd.s32 $0x1, s1  }
0x1f6: {  	v18 =	vsel vm3, s1, v18;
	s1 =	sadd.s32 $0x1, s1;
	v20 =	vmax.f32 v20, v21  }
0x1f7: {  	v18 =	vsel vm4, s1, v18;
	vm3 =	veq.f32 v19, v20  }
0x1f8: {  	v18 =	vnsel vm3, $0x7FFFFFFF, v18  }
0x1f9: {  	v40 =	vperm.xlane v18, v0;
	_ =	sdelay $0x1  }
0x1fa: {  	vm3 =	vlt.s32 v18, v40  }
0x1fb: {  	v18 =	vsel vm3, v18, v40  }
0x1fc: {  	v19 =	vperm.xlane v18, v1;
	_ =	sdelay $0x1  }
0x1fd: {  	vm3 =	vlt.s32 v18, v19  }
0x1fe: {  	v18 =	vsel vm3, v18, v19  }
0x1ff: {  	v19 =	vperm.xlane v18, v3;
	_ =	sdelay $0x1  }
0x200: {  	vm3 =	vlt.s32 v18, v19  }
0x201: {  	v18 =	vsel vm3, v18, v19  }
0x202: {  	v19 =	vperm.xlane v18, v4;
	_ =	sdelay $0x1  }
0x203: {  	vm3 =	vlt.s32 v18, v19  }
0x204: {  	v18 =	vsel vm3, v18, v19  }
0x205: {  	(v2sf) =	vpush v18, $0x0;
	_ =	sdelay $0xe  }
0x206: {  	s1 =	spop (v2sf)  }
0x207: {  	s3 =	sshra.s32 s1, $0x1F  }
0x208: {  	s3 =	sshrl.u32 s3, $0x19  }
0x209: {  	s3 =	sadd.s32 s3, s1  }
0x20a: {  	s20 =	sand.u32 $0xFFFFFF80, s3  }
0x20b: {  	p0 =	slt.s32 s1, $0x1;
	p1 =	sne.s32 s1, s20  }
0x20c: {  	p0 =	por !p0, !p1  }
0x20d: {  	s4 =	simm.s32 $0x1;
	p0 =	por !p0, !p0  }
0x20e: {  	s3 =	sshrl.u32 s3, $0x7;
	s4 =	simm.s32 @!p0 $0x0  }
0x20f: {  	s1 =	sshll.u32 s1, $0x7;
	s3 =	ssub.s32 s3, s4  }
0x210: {  	s20 =	sadd.s32 $0x4000, s1;
	s3 =	sshll.u32 s3, $0x10  }
0x211: {  	s4 =	sand.u32 $0x3F80, s20;
	s3 =	sshra.s32 s3, $0x2  }
0x212: {  	s3 =	sor.u32 s4, s3  }
0x213: {  	v41 =	vld [tilespmem:s3+$0x10];
	_ =	sdelay $0x2  }
0x214: {  	v42 =	vld [tilespmem:s3+$0x0];
	_ =	sdelay $0x1  }
0x215: {  	v43 =	vor.u32 s1, v5;
	vm3 =	veq.f32 v41, v20  }
0x216: {  	v44 =	vor.u32 s1, v2;
	v45 =	vld [tilespmem:s3+$0x20];
	v18 =	vnsel vm3, $0x7FFFFFFF, v43  }
0x217: {  	vm3 =	vlt.s32 v44, v18  }
0x218: {  	vm15 =	veq.f32 v42, v20;
	v46 =	vsel vm3, v44, v18  }
0x219: {  	v47 =	vor.u32 s1, v6;
	v48 =	vld [tilespmem:s3+$0x30];
	v18 =	vsel vm15, v46, v18  }
0x21a: {  	vm3 =	vlt.s32 v18, v47  }
0x21b: {  	vm8 =	veq.f32 v45, v20;
	v19 =	vsel vm3, v18, v47  }
0x21c: {  	v49 =	vor.u32 s1, v7;
	v50 =	vld [tilespmem:s3+$0x40];
	v18 =	vsel vm8, v19, v18  }
0x21d: {  	vm3 =	vlt.s32 v18, v49  }
0x21e: {  	vm9 =	veq.f32 v48, v20;
	v19 =	vsel vm3, v18, v49  }
0x21f: {  	v51 =	vor.u32 s1, v8;
	v52 =	vld [tilespmem:s3+$0x50];
	v18 =	vsel vm9, v19, v18  }
0x220: {  	vm3 =	vlt.s32 v18, v51  }
0x221: {  	vm10 =	veq.f32 v50, v20;
	v19 =	vsel vm3, v18, v51  }
0x222: {  	v53 =	vor.u32 s1, v9;
	v54 =	vld [tilespmem:s3+$0x60];
	v18 =	vsel vm10, v19, v18  }
0x223: {  	vm3 =	vlt.s32 v18, v53  }
0x224: {  	vm11 =	veq.f32 v52, v20;
	v19 =	vsel vm3, v18, v53  }
0x225: {  	v55 =	vor.u32 s1, v10;
	v56 =	vld [tilespmem:s3+$0x70];
	v18 =	vsel vm11, v19, v18  }
0x226: {  	vm3 =	vlt.s32 v18, v55  }
0x227: {  	vm12 =	veq.f32 v54, v20;
	v19 =	vsel vm3, v18, v55  }
0x228: {  	v57 =	vor.u32 s1, v11;
	v18 =	vsel vm12, v19, v18  }
0x229: {  	vm3 =	vlt.s32 v18, v57  }
0x22a: {  	vm13 =	veq.f32 v56, v20;
	v19 =	vsel vm3, v18, v57  }
0x22b: {  	v18 =	vsel vm13, v19, v18  }
0x22c: {  	v19 =	vperm.xlane v18, v0;
	_ =	sdelay $0x1  }
0x22d: {  	v58 =	vld [tilespmem:s6+$0x18080];
	vm3 =	vlt.s32 v18, v19  }
0x22e: {  	v18 =	vsel vm3, v18, v19  }
0x22f: {  	v19 =	vperm.xlane v18, v1;
	_ =	sdelay $0x1  }
0x230: {  	vm3 =	vlt.s32 v18, v19  }
0x231: {  	v59 =	vand.u32 $0x1F, v58;
	v18 =	vsel vm3, v18, v19  }
0x232: {  	v60 =	vperm.xlane v18, v3;
	_ =	sdelay $0x1  }
0x233: {  	vm14 =	vlt.s32 v18, v60  }
0x234: {  	v62 =	vld [tilespmem:s6+$0x18180];
	vm15 =	vlt.s32 v14, v15;
	vm3 =	vlt.s32 v12, v13;
	v61 =	vsel vm14, v18, v60  }
0x235: {  	v19 =	vld.idx.msk [tilespmem:v59+s21+$0x0], $0xffff;
	v12 =	vsel vm3, v12, v13;
	vm3 =	vmmov $0x1;
	v20 =	vperm.xlane v61, v4  }
0x236: {  	v14 =	vsel vm15, v14, v15;
	v12 =	vnsel vm3, $0x0, v12;
	vm3 =	vlt.s32 v16, v17  }
0x237: {  	v12 =	vsel vm0, v12, v14;
	v63 =	vsel vm3, v16, v17;
	vm3 =	vlt.s32 v61, v20  }
0x238: {  	v12 =	vsel vm1, v12, v63;
	v13 =	vsel vm3, v61, v20  }
0x239: {  	s2 =	sadd.s32 $0x1, s2;
	vm3 =	vlt.f32 v62, $5.000000070e-02;
	v12 =	vsel vm2, v12, v13  }
0x23a: {  	p0 =	sne.s32 s2, s16;
	v12 =	vsel vm3, v19, v12  }
.Ltmp8:
0x23b: {  	[tilespmem:$0x18280] =	vst v12;
	(pc) =	sbr.rel @p0 .LBB2_1-.Ltmp8, $4  }
0x23c: {  	[hbm4b:s15+s5] =	stream.linear.scatter [tilespmem:s0], [sflag:$0x4], $0x80, $0x38;
	[tilespmem:$0x18300] =	vst v63  }
0x23d: {  	_ =	swait.ge [sflag:s22], $0x80  }
0x23e: {  	[sflag:s22] =	ssyncset.done $0x0  }
0x23f: {  	[sflag:s22] =	ssyncadd.s32 $0xFFFFFF80  }
0x240: {  	_ =	sfence.sel $0x180000  }
0x241: {  	[bflag:$0x0] =	sbarrier.arrive $0xFFFF  }
0x242: {  	_ =	strace $0x90000047  }
0x243: {  	s0 =	stileid.u32;
	[bflag:$0x2] =	sbarrier.arrive $0xFFFF  }
0x244: {  	p0 =	sne.s32 s0, $0x0;
	s0 =	rddreg [dreg:$0x5]  }
0x245: {  	s0 =	sadd.s32 @!p0 $0x100000, s0  }
0x246: {  	[sflag:s0] =	ssyncadd.tile.s32 @!p0 $0x1;
	_ =	shalt  }
.Lfunc_end2:
_tile_overlayer_lowered:
.L_overlay_start_2:
0x247: {  	(tag) =	ssettag $0x2  }
0x248: {  	s0 =	rddreg [dreg:$0x0];
	s2 =	stileid.u32  }
0x249: {  	s1 =	rddreg [dreg:$0x1];
	p0 =	sne.s32 s2, $0x0  }
0x24a: {  	s3 =	rddreg [dreg:$0x2];
	[bflag:$0x3] =	sbarrier.arrive $0xFFFF;
	s2 =	simm.s32 @!p0 $0x1C04  }
0x24b: {  	[timem:s3], [sflag:s2] =	dma.local @!p0 [hbm:s0], s1  }
0x24c: {  	s0 =	simm.s32 @!p0 $0x4  }
0x24d: {  	_ =	swait.ge @!p0 [sflag:s0], s1  }
0x24e: {  	s1 =	ssub.s32 @!p0 $0x0, s1;
	[sflag:s0] =	ssyncset.done @!p0 $0x0  }
0x24f: {  	[sflag:s0] =	ssyncadd.s32 @!p0 s1  }
0x250: {  	[bflag:$0x3] =	sbarrier.arrive $0xFFFF  }
0x251: {  	_ =	shalt  }

</sc_bundles>
